<compile_context>
chip_gen: v7x
topology: tpu7x:2x2x1
jax: 0.10.2.dev20260603
libtpu: 0.0.44.dev20260713+nightly
codegen_flags: <defaults>
</compile_context>

<pallas_src>
import functools

import jax
import jax.numpy as jnp
from jax import lax
from jax.experimental import pallas as pl
from jax.experimental.pallas import tpu as pltpu
from jax.experimental.pallas import tpu_sc as plsc

NUM_REL = 16
DIM = 64
N_EDGES = 800000

_info = plsc.get_sparse_core_info()
_NC, _NS = _info.num_cores, _info.num_subcores
_NW = _NC * _NS
_N_TILES = N_EDGES // 128
_T_BASE = _N_TILES // _NW
_T_EXTRA = _N_TILES % _NW
_TPC = 4
_ECH = 128 * _TPC
_N_CHUNKS = -(-(_T_BASE + 1) // _TPC)
_N_PAIRS = (_N_CHUNKS - 1) // 2


def _make_sc_kernel():
    mesh = plsc.VectorSubcoreMesh(core_axis_name="c", subcore_axis_name="s")

    @functools.partial(
        pl.kernel,
        mesh=mesh,
        compiler_params=pltpu.CompilerParams(needs_layout_passes=False),
        out_type=jax.ShapeDtypeStruct((DIM, N_EDGES), jnp.float32),
        scratch_types=[
            pltpu.VMEM((2, _ECH), jnp.int32),
            pltpu.VMEM((DIM, _ECH), jnp.float32),
            pltpu.VMEM((DIM, _ECH), jnp.float32),
            pltpu.VMEM((NUM_REL * DIM,), jnp.float32),
            pltpu.SemaphoreType.DMA,
            pltpu.SemaphoreType.DMA,
            pltpu.SemaphoreType.DMA,
            pltpu.SemaphoreType.DMA,
        ],
    )
    def k(idx_hbm, table_hbm, out_hbm, idx_v, buf0, buf1, table_v,
          si0, si1, sw0, sw1):
        wid = lax.axis_index("s") * _NC + lax.axis_index("c")
        ts = wid * _T_BASE + jnp.minimum(wid, _T_EXTRA)
        nt = _T_BASE + jnp.where(wid < _T_EXTRA, 1, 0)
        bufs = (buf0, buf1)
        si = (si0, si1)
        sw = (sw0, sw1)

        pltpu.sync_copy(table_hbm, table_v)

        def chunk_e0(kk):
            return 128 * (ts + jnp.minimum(kk * _TPC, nt - _TPC))

        def stage_idx(kk, b):
            pltpu.async_copy(
                idx_hbm.at[pl.ds(chunk_e0(kk), _ECH)], idx_v.at[b], si[b]
            )

        def wait_idx(kk, b):
            pltpu.make_async_copy(
                idx_hbm.at[pl.ds(chunk_e0(kk), _ECH)], idx_v.at[b], si[b]
            ).wait()

        def compute_chunk(b):
            buf = bufs[b]

            def group(eg, carry):
                e0 = eg * 16
                idxv = idx_v[b, pl.ds(e0, 16)]
                for c0 in range(0, DIM, 8):
                    vals = [
                        plsc.load_gather(table_v, [idxv + (c0 + u) * 16])
                        for u in range(8)
                    ]
                    for u in range(8):
                        buf[c0 + u, pl.ds(e0, 16)] = vals[u]
                return carry

            lax.fori_loop(0, _ECH // 16, group, 0)

        def writeback(kk, b):
            e0 = chunk_e0(kk)
            pltpu.async_copy(
                bufs[b], out_hbm.at[:, pl.ds(e0, _ECH)], sw[b]
            )

        def drain(kk, b):
            e0 = chunk_e0(kk)
            pltpu.make_async_copy(
                bufs[b], out_hbm.at[:, pl.ds(e0, _ECH)], sw[b]
            ).wait()

        stage_idx(0, 0)
        wait_idx(0, 0)
        stage_idx(1, 1)
        compute_chunk(0)
        writeback(0, 0)

        def pair(it, carry):
            k1 = 1 + 2 * it
            k0 = 2 + 2 * it
            wait_idx(k1, 1)
            stage_idx(k0, 0)

            @pl.when(it > 0)
            def _():
                drain(k1 - 2, 1)

            compute_chunk(1)
            writeback(k1, 1)

            wait_idx(k0, 0)

            @pl.when(k0 + 1 < _N_CHUNKS)
            def _():
                stage_idx(k0 + 1, 1)

            drain(k0 - 2, 0)
            compute_chunk(0)
            writeback(k0, 0)
            return carry

        lax.fori_loop(0, _N_PAIRS, pair, 0)
        drain(_N_CHUNKS - 2, 1)
        drain(_N_CHUNKS - 1, 0)

    return k


_sc_kernel = _make_sc_kernel()


def kernel(relation_indices, W):
    idx = relation_indices.astype(jnp.int32)
    table_t = jnp.reshape(jnp.transpose(W), (-1,))
    out_t = _sc_kernel(idx, table_t)
    return jnp.transpose(out_t)

# --- scband reference (transcript-rebuilt; emitter-appended) ---
"""Pipeline reference for scband-relation-embedding-37580963840548 (READ-ONLY COPY).

The authoritative reference and input builder live on the scoring server;
editing this copy changes nothing except your own understanding.
"""

import jax, jax.numpy as jnp
import numpy as np

NUM_RELATION_TYPES = 16
EMBEDDING_DIM = 64
N_EDGES = 800000

def setup_inputs(seed: int = 0) -> dict:
    key = jax.random.key(seed)
    k_idx, k_w = jax.random.split(key)
    relation_indices = jax.random.randint(k_idx, (N_EDGES,), 0, NUM_RELATION_TYPES, dtype=jnp.int64 if jax.config.jax_enable_x64 else jnp.int32)
    # xavier_uniform init for the embedding table
    fan_in, fan_out = NUM_RELATION_TYPES, EMBEDDING_DIM
    limit = float(np.sqrt(6.0 / (fan_in + fan_out)))
    W = jax.random.uniform(k_w, (NUM_RELATION_TYPES, EMBEDDING_DIM), minval=-limit, maxval=limit, dtype=jnp.float32)
    return {"relation_indices": relation_indices, "W": W}

def reference(relation_indices, W):
    # nn.Embedding forward: gather rows of the table
    return jnp.take(W, relation_indices, axis=0)

if __name__ == "__main__":
    import jax
    _d = setup_inputs()
    print(jax.jit(kernel)(*tuple(_d.values())))

</pallas_src>

<mosaic_0001>
#map = affine_map<(d0, d1) -> (0)>
#map1 = affine_map<(d0, d1) -> (0, 0)>
module attributes {stable_mosaic.version = 14 : i64} {
  func.func @k(%arg0: i32, %arg1: i32, %arg2: memref<800000xi32, #tpu.memory_space<hbm>>, %arg3: memref<1024xf32, #tpu.memory_space<hbm>>, %arg4: memref<64x800000xf32, #tpu.memory_space<hbm>>, %arg5: memref<2x512xi32, #tpu.memory_space<vmem>>, %arg6: memref<64x512xf32, #tpu.memory_space<vmem>>, %arg7: memref<64x512xf32, #tpu.memory_space<vmem>>, %arg8: memref<1024xf32, #tpu.memory_space<vmem>>, %arg9: memref<!tpu.dma_semaphore, #tpu.memory_space<semaphore_mem>>, %arg10: memref<!tpu.dma_semaphore, #tpu.memory_space<semaphore_mem>>, %arg11: memref<!tpu.dma_semaphore, #tpu.memory_space<semaphore_mem>>, %arg12: memref<!tpu.dma_semaphore, #tpu.memory_space<semaphore_mem>>) attributes {dimension_semantics = [#tpu.dimension_semantics<core_parallel>, #tpu.dimension_semantics<subcore_parallel>], iteration_bounds = array<i64: 2, 16>, scalar_prefetch = 0 : i64, scratch_operands = 8 : i64, tpu.core_type = #tpu.core_type<sc_vector_subcore>, window_params = [{transform_indices = #map}, {transform_indices = #map}, {transform_indices = #map1}]} {
    %mul3A = arith.constant 2 : i32
    %mul3A_0 = arith.muli %arg1, %mul3A : i32
    %add3A = arith.addi %mul3A_0, %arg0 : i32
    %mul3A_1 = arith.constant 195 : i32
    %mul3A_2 = arith.muli %add3A, %mul3A_1 : i32
    %min3A = arith.constant 10 : i32
    %min3A_3 = arith.minsi %add3A, %min3A : i32
    %add3A_4 = arith.addi %mul3A_2, %min3A_3 : i32
    %lt3A = arith.constant 10 : i32
    %lt3A_5 = arith.cmpi slt, %add3A, %lt3A : i32
    %jit3A = arith.constant 1 : i32
    %jit3A_6 = arith.constant 0 : i32
    %select_n3A = arith.select %lt3A_5, %jit3A, %jit3A_6 : i32
    %add3A_7 = arith.constant 195 : i32
    %add3A_8 = arith.addi %add3A_7, %select_n3A : i32
    "tpu.region"() ({
      %run_scoped3A = tpu.sem_alloc : memref<!tpu.dma_semaphore, #tpu.memory_space<semaphore_mem>>
      tpu.enqueue_dma source(%arg3 : memref<1024xf32, #tpu.memory_space<hbm>>) target(%arg8 : memref<1024xf32, #tpu.memory_space<vmem>>) target_semaphore(%run_scoped3A : memref<!tpu.dma_semaphore, #tpu.memory_space<semaphore_mem>>)
      tpu.wait_dma2 semaphore(%run_scoped3A : memref<!tpu.dma_semaphore, #tpu.memory_space<semaphore_mem>>) src(%arg3 : memref<1024xf32, #tpu.memory_space<hbm>>) dst(%arg8 : memref<1024xf32, #tpu.memory_space<vmem>>)
      tpu.yield
    }) : () -> ()
    %sub3A = arith.constant 4 : i32
    %sub3A_9 = arith.subi %add3A_8, %sub3A : i32
    %min3A_10 = arith.constant 0 : i32
    %min3A_11 = arith.minsi %min3A_10, %sub3A_9 : i32
    %add3A_12 = arith.addi %add3A_4, %min3A_11 : i32
    %mul3A_13 = arith.constant 128 : i32
    %mul3A_14 = arith.muli %mul3A_13, %add3A_12 : i32
    %dma_start3A = arith.constant 0 : i32
    %dma_start3A_15 = arith.constant 0 : i32
    %dma_start3A_16 = tpu.memref_slice %arg5[%dma_start3A, %dma_start3A_15] : memref<2x512xi32, #tpu.memory_space<vmem>> -> memref<1x512xi32, #tpu.memory_space<vmem>>
    %dma_start3A_17 = tpu.memref_squeeze %dma_start3A_16 : memref<1x512xi32, #tpu.memory_space<vmem>> -> memref<512xi32, #tpu.memory_space<vmem>>
    %dma_start3A_18 = tpu.memref_slice %arg2[%mul3A_14] : memref<800000xi32, #tpu.memory_space<hbm>> -> memref<512xi32, #tpu.memory_space<hbm>>
    %dma_start3A_19 = arith.constant 0 : i32
    %dma_start3A_20 = tpu.memref_slice %arg5[%dma_start3A, %dma_start3A_19] : memref<2x512xi32, #tpu.memory_space<vmem>> -> memref<1x512xi32, #tpu.memory_space<vmem>>
    %dma_start3A_21 = tpu.memref_squeeze %dma_start3A_20 : memref<1x512xi32, #tpu.memory_space<vmem>> -> memref<512xi32, #tpu.memory_space<vmem>>
    %dma_start3A_22 = tpu.memref_slice %arg2[%mul3A_14] : memref<800000xi32, #tpu.memory_space<hbm>> -> memref<512xi32, #tpu.memory_space<hbm>>
    tpu.enqueue_dma source(%dma_start3A_22 : memref<512xi32, #tpu.memory_space<hbm>>) target(%dma_start3A_21 : memref<512xi32, #tpu.memory_space<vmem>>) target_semaphore(%arg9 : memref<!tpu.dma_semaphore, #tpu.memory_space<semaphore_mem>>)
    %sub3A_23 = arith.constant 4 : i32
    %sub3A_24 = arith.subi %add3A_8, %sub3A_23 : i32
    %min3A_25 = arith.constant 0 : i32
    %min3A_26 = arith.minsi %min3A_25, %sub3A_24 : i32
    %add3A_27 = arith.addi %add3A_4, %min3A_26 : i32
    %mul3A_28 = arith.constant 128 : i32
    %mul3A_29 = arith.muli %mul3A_28, %add3A_27 : i32
    %dma_wait3A = arith.constant 0 : i32
    %dma_wait3A_30 = arith.constant 0 : i32
    %dma_wait3A_31 = tpu.memref_slice %arg5[%dma_wait3A, %dma_wait3A_30] : memref<2x512xi32, #tpu.memory_space<vmem>> -> memref<1x512xi32, #tpu.memory_space<vmem>>
    %dma_wait3A_32 = tpu.memref_squeeze %dma_wait3A_31 : memref<1x512xi32, #tpu.memory_space<vmem>> -> memref<512xi32, #tpu.memory_space<vmem>>
    %dma_wait3A_33 = tpu.memref_slice %arg2[%mul3A_29] : memref<800000xi32, #tpu.memory_space<hbm>> -> memref<512xi32, #tpu.memory_space<hbm>>
    %dma_wait3A_34 = arith.constant 0 : i32
    %dma_wait3A_35 = tpu.memref_slice %arg5[%dma_wait3A, %dma_wait3A_34] : memref<2x512xi32, #tpu.memory_space<vmem>> -> memref<1x512xi32, #tpu.memory_space<vmem>>
    %dma_wait3A_36 = tpu.memref_squeeze %dma_wait3A_35 : memref<1x512xi32, #tpu.memory_space<vmem>> -> memref<512xi32, #tpu.memory_space<vmem>>
    %dma_wait3A_37 = tpu.memref_slice %arg2[%mul3A_29] : memref<800000xi32, #tpu.memory_space<hbm>> -> memref<512xi32, #tpu.memory_space<hbm>>
    tpu.wait_dma2 semaphore(%arg9 : memref<!tpu.dma_semaphore, #tpu.memory_space<semaphore_mem>>) src(%dma_wait3A_37 : memref<512xi32, #tpu.memory_space<hbm>>) dst(%dma_wait3A_36 : memref<512xi32, #tpu.memory_space<vmem>>)
    %sub3A_38 = arith.constant 4 : i32
    %sub3A_39 = arith.subi %add3A_8, %sub3A_38 : i32
    %min3A_40 = arith.constant 4 : i32
    %min3A_41 = arith.minsi %min3A_40, %sub3A_39 : i32
    %add3A_42 = arith.addi %add3A_4, %min3A_41 : i32
    %mul3A_43 = arith.constant 128 : i32
    %mul3A_44 = arith.muli %mul3A_43, %add3A_42 : i32
    %dma_start3A_45 = arith.constant 1 : i32
    %dma_start3A_46 = arith.constant 0 : i32
    %dma_start3A_47 = tpu.memref_slice %arg5[%dma_start3A_45, %dma_start3A_46] : memref<2x512xi32, #tpu.memory_space<vmem>> -> memref<1x512xi32, #tpu.memory_space<vmem>>
    %dma_start3A_48 = tpu.memref_squeeze %dma_start3A_47 : memref<1x512xi32, #tpu.memory_space<vmem>> -> memref<512xi32, #tpu.memory_space<vmem>>
    %dma_start3A_49 = tpu.memref_slice %arg2[%mul3A_44] : memref<800000xi32, #tpu.memory_space<hbm>> -> memref<512xi32, #tpu.memory_space<hbm>>
    %dma_start3A_50 = arith.constant 0 : i32
    %dma_start3A_51 = tpu.memref_slice %arg5[%dma_start3A_45, %dma_start3A_50] : memref<2x512xi32, #tpu.memory_space<vmem>> -> memref<1x512xi32, #tpu.memory_space<vmem>>
    %dma_start3A_52 = tpu.memref_squeeze %dma_start3A_51 : memref<1x512xi32, #tpu.memory_space<vmem>> -> memref<512xi32, #tpu.memory_space<vmem>>
    %dma_start3A_53 = tpu.memref_slice %arg2[%mul3A_44] : memref<800000xi32, #tpu.memory_space<hbm>> -> memref<512xi32, #tpu.memory_space<hbm>>
    tpu.enqueue_dma source(%dma_start3A_53 : memref<512xi32, #tpu.memory_space<hbm>>) target(%dma_start3A_52 : memref<512xi32, #tpu.memory_space<vmem>>) target_semaphore(%arg10 : memref<!tpu.dma_semaphore, #tpu.memory_space<semaphore_mem>>)
    %scan3A = arith.constant 0 : i32
    %scan3A_54 = arith.constant 0 : i32
    %scan3A_55 = arith.constant 32 : i32
    %scan3A_56 = arith.addi %scan3A_54, %scan3A_55 : i32
    %scan3A_57 = arith.constant 1 : i32
    scf.for %scan3A_98 = %scan3A_54 to %scan3A_56 step %scan3A_57  : i32 {
      %mul3A_99 = arith.constant 16 : i32
      %mul3A_100 = arith.muli %scan3A_98, %mul3A_99 : i32
      %get3A = arith.constant 0 : i32
      %get3A_101 = arith.index_cast %get3A : i32 to index
      %get3A_102 = arith.index_cast %mul3A_100 : i32 to index
      %get3A_103 = tpu.vector_load %arg5[%get3A_101, %get3A_102] {strides = array<i32>} : memref<2x512xi32, #tpu.memory_space<vmem>>, vector<16xi32>,
      %add3A_104 = arith.constant 0 : i32
      %add3A_105 = vector.broadcast %add3A_104 : i32 to vector<16xi32>
      %add3A_106 = arith.addi %get3A_103, %add3A_105 : vector<16xi32>
      %gather3A = tpu.vector_load_idx %arg8[%add3A_106] : memref<1024xf32, #tpu.memory_space<vmem>>[vector<16xi32>], vector<16xf32>,
      %add3A_107 = arith.constant 16 : i32
      %add3A_108 = vector.broadcast %add3A_107 : i32 to vector<16xi32>
      %add3A_109 = arith.addi %get3A_103, %add3A_108 : vector<16xi32>
      %gather3A_110 = tpu.vector_load_idx %arg8[%add3A_109] : memref<1024xf32, #tpu.memory_space<vmem>>[vector<16xi32>], vector<16xf32>,
      %add3A_111 = arith.constant 32 : i32
      %add3A_112 = vector.broadcast %add3A_111 : i32 to vector<16xi32>
      %add3A_113 = arith.addi %get3A_103, %add3A_112 : vector<16xi32>
      %gather3A_114 = tpu.vector_load_idx %arg8[%add3A_113] : memref<1024xf32, #tpu.memory_space<vmem>>[vector<16xi32>], vector<16xf32>,
      %add3A_115 = arith.constant 48 : i32
      %add3A_116 = vector.broadcast %add3A_115 : i32 to vector<16xi32>
      %add3A_117 = arith.addi %get3A_103, %add3A_116 : vector<16xi32>
      %gather3A_118 = tpu.vector_load_idx %arg8[%add3A_117] : memref<1024xf32, #tpu.memory_space<vmem>>[vector<16xi32>], vector<16xf32>,
      %add3A_119 = arith.constant 64 : i32
      %add3A_120 = vector.broadcast %add3A_119 : i32 to vector<16xi32>
      %add3A_121 = arith.addi %get3A_103, %add3A_120 : vector<16xi32>
      %gather3A_122 = tpu.vector_load_idx %arg8[%add3A_121] : memref<1024xf32, #tpu.memory_space<vmem>>[vector<16xi32>], vector<16xf32>,
      %add3A_123 = arith.constant 80 : i32
      %add3A_124 = vector.broadcast %add3A_123 : i32 to vector<16xi32>
      %add3A_125 = arith.addi %get3A_103, %add3A_124 : vector<16xi32>
      %gather3A_126 = tpu.vector_load_idx %arg8[%add3A_125] : memref<1024xf32, #tpu.memory_space<vmem>>[vector<16xi32>], vector<16xf32>,
      %add3A_127 = arith.constant 96 : i32
      %add3A_128 = vector.broadcast %add3A_127 : i32 to vector<16xi32>
      %add3A_129 = arith.addi %get3A_103, %add3A_128 : vector<16xi32>
      %gather3A_130 = tpu.vector_load_idx %arg8[%add3A_129] : memref<1024xf32, #tpu.memory_space<vmem>>[vector<16xi32>], vector<16xf32>,
      %add3A_131 = arith.constant 112 : i32
      %add3A_132 = vector.broadcast %add3A_131 : i32 to vector<16xi32>
      %add3A_133 = arith.addi %get3A_103, %add3A_132 : vector<16xi32>
      %gather3A_134 = tpu.vector_load_idx %arg8[%add3A_133] : memref<1024xf32, #tpu.memory_space<vmem>>[vector<16xi32>], vector<16xf32>,
      %swap3A = arith.constant 0 : i32
      %swap3A_135 = arith.index_cast %swap3A : i32 to index
      %swap3A_136 = arith.index_cast %mul3A_100 : i32 to index
      %swap3A_137 = tpu.vector_load %arg6[%swap3A_135, %swap3A_136] {strides = array<i32>} : memref<64x512xf32, #tpu.memory_space<vmem>>, vector<16xf32>,
      tpu.vector_store %arg6[%swap3A_135, %swap3A_136], %gather3A {strides = array<i32>} : memref<64x512xf32, #tpu.memory_space<vmem>>, vector<16xf32>,
      %swap3A_138 = arith.constant 1 : i32
      %swap3A_139 = arith.index_cast %swap3A_138 : i32 to index
      %swap3A_140 = arith.index_cast %mul3A_100 : i32 to index
      %swap3A_141 = tpu.vector_load %arg6[%swap3A_139, %swap3A_140] {strides = array<i32>} : memref<64x512xf32, #tpu.memory_space<vmem>>, vector<16xf32>,
      tpu.vector_store %arg6[%swap3A_139, %swap3A_140], %gather3A_110 {strides = array<i32>} : memref<64x512xf32, #tpu.memory_space<vmem>>, vector<16xf32>,
      %swap3A_142 = arith.constant 2 : i32
      %swap3A_143 = arith.index_cast %swap3A_142 : i32 to index
      %swap3A_144 = arith.index_cast %mul3A_100 : i32 to index
      %swap3A_145 = tpu.vector_load %arg6[%swap3A_143, %swap3A_144] {strides = array<i32>} : memref<64x512xf32, #tpu.memory_space<vmem>>, vector<16xf32>,
      tpu.vector_store %arg6[%swap3A_143, %swap3A_144], %gather3A_114 {strides = array<i32>} : memref<64x512xf32, #tpu.memory_space<vmem>>, vector<16xf32>,
      %swap3A_146 = arith.constant 3 : i32
      %swap3A_147 = arith.index_cast %swap3A_146 : i32 to index
      %swap3A_148 = arith.index_cast %mul3A_100 : i32 to index
      %swap3A_149 = tpu.vector_load %arg6[%swap3A_147, %swap3A_148] {strides = array<i32>} : memref<64x512xf32, #tpu.memory_space<vmem>>, vector<16xf32>,
      tpu.vector_store %arg6[%swap3A_147, %swap3A_148], %gather3A_118 {strides = array<i32>} : memref<64x512xf32, #tpu.memory_space<vmem>>, vector<16xf32>,
      %swap3A_150 = arith.constant 4 : i32
      %swap3A_151 = arith.index_cast %swap3A_150 : i32 to index
      %swap3A_152 = arith.index_cast %mul3A_100 : i32 to index
      %swap3A_153 = tpu.vector_load %arg6[%swap3A_151, %swap3A_152] {strides = array<i32>} : memref<64x512xf32, #tpu.memory_space<vmem>>, vector<16xf32>,
      tpu.vector_store %arg6[%swap3A_151, %swap3A_152], %gather3A_122 {strides = array<i32>} : memref<64x512xf32, #tpu.memory_space<vmem>>, vector<16xf32>,
      %swap3A_154 = arith.constant 5 : i32
      %swap3A_155 = arith.index_cast %swap3A_154 : i32 to index
      %swap3A_156 = arith.index_cast %mul3A_100 : i32 to index
      %swap3A_157 = tpu.vector_load %arg6[%swap3A_155, %swap3A_156] {strides = array<i32>} : memref<64x512xf32, #tpu.memory_space<vmem>>, vector<16xf32>,
      tpu.vector_store %arg6[%swap3A_155, %swap3A_156], %gather3A_126 {strides = array<i32>} : memref<64x512xf32, #tpu.memory_space<vmem>>, vector<16xf32>,
      %swap3A_158 = arith.constant 6 : i32
      %swap3A_159 = arith.index_cast %swap3A_158 : i32 to index
      %swap3A_160 = arith.index_cast %mul3A_100 : i32 to index
      %swap3A_161 = tpu.vector_load %arg6[%swap3A_159, %swap3A_160] {strides = array<i32>} : memref<64x512xf32, #tpu.memory_space<vmem>>, vector<16xf32>,
      tpu.vector_store %arg6[%swap3A_159, %swap3A_160], %gather3A_130 {strides = array<i32>} : memref<64x512xf32, #tpu.memory_space<vmem>>, vector<16xf32>,
      %swap3A_162 = arith.constant 7 : i32
      %swap3A_163 = arith.index_cast %swap3A_162 : i32 to index
      %swap3A_164 = arith.index_cast %mul3A_100 : i32 to index
      %swap3A_165 = tpu.vector_load %arg6[%swap3A_163, %swap3A_164] {strides = array<i32>} : memref<64x512xf32, #tpu.memory_space<vmem>>, vector<16xf32>,
      tpu.vector_store %arg6[%swap3A_163, %swap3A_164], %gather3A_134 {strides = array<i32>} : memref<64x512xf32, #tpu.memory_space<vmem>>, vector<16xf32>,
      %add3A_166 = arith.constant 128 : i32
      %add3A_167 = vector.broadcast %add3A_166 : i32 to vector<16xi32>
      %add3A_168 = arith.addi %get3A_103, %add3A_167 : vector<16xi32>
      %gather3A_169 = tpu.vector_load_idx %arg8[%add3A_168] : memref<1024xf32, #tpu.memory_space<vmem>>[vector<16xi32>], vector<16xf32>,
      %add3A_170 = arith.constant 144 : i32
      %add3A_171 = vector.broadcast %add3A_170 : i32 to vector<16xi32>
      %add3A_172 = arith.addi %get3A_103, %add3A_171 : vector<16xi32>
      %gather3A_173 = tpu.vector_load_idx %arg8[%add3A_172] : memref<1024xf32, #tpu.memory_space<vmem>>[vector<16xi32>], vector<16xf32>,
      %add3A_174 = arith.constant 160 : i32
      %add3A_175 = vector.broadcast %add3A_174 : i32 to vector<16xi32>
      %add3A_176 = arith.addi %get3A_103, %add3A_175 : vector<16xi32>
      %gather3A_177 = tpu.vector_load_idx %arg8[%add3A_176] : memref<1024xf32, #tpu.memory_space<vmem>>[vector<16xi32>], vector<16xf32>,
      %add3A_178 = arith.constant 176 : i32
      %add3A_179 = vector.broadcast %add3A_178 : i32 to vector<16xi32>
      %add3A_180 = arith.addi %get3A_103, %add3A_179 : vector<16xi32>
      %gather3A_181 = tpu.vector_load_idx %arg8[%add3A_180] : memref<1024xf32, #tpu.memory_space<vmem>>[vector<16xi32>], vector<16xf32>,
      %add3A_182 = arith.constant 192 : i32
      %add3A_183 = vector.broadcast %add3A_182 : i32 to vector<16xi32>
      %add3A_184 = arith.addi %get3A_103, %add3A_183 : vector<16xi32>
      %gather3A_185 = tpu.vector_load_idx %arg8[%add3A_184] : memref<1024xf32, #tpu.memory_space<vmem>>[vector<16xi32>], vector<16xf32>,
      %add3A_186 = arith.constant 208 : i32
      %add3A_187 = vector.broadcast %add3A_186 : i32 to vector<16xi32>
      %add3A_188 = arith.addi %get3A_103, %add3A_187 : vector<16xi32>
      %gather3A_189 = tpu.vector_load_idx %arg8[%add3A_188] : memref<1024xf32, #tpu.memory_space<vmem>>[vector<16xi32>], vector<16xf32>,
      %add3A_190 = arith.constant 224 : i32
      %add3A_191 = vector.broadcast %add3A_190 : i32 to vector<16xi32>
      %add3A_192 = arith.addi %get3A_103, %add3A_191 : vector<16xi32>
      %gather3A_193 = tpu.vector_load_idx %arg8[%add3A_192] : memref<1024xf32, #tpu.memory_space<vmem>>[vector<16xi32>], vector<16xf32>,
      %add3A_194 = arith.constant 240 : i32
      %add3A_195 = vector.broadcast %add3A_194 : i32 to vector<16xi32>
      %add3A_196 = arith.addi %get3A_103, %add3A_195 : vector<16xi32>
      %gather3A_197 = tpu.vector_load_idx %arg8[%add3A_196] : memref<1024xf32, #tpu.memory_space<vmem>>[vector<16xi32>], vector<16xf32>,
      %swap3A_198 = arith.constant 8 : i32
      %swap3A_199 = arith.index_cast %swap3A_198 : i32 to index
      %swap3A_200 = arith.index_cast %mul3A_100 : i32 to index
      %swap3A_201 = tpu.vector_load %arg6[%swap3A_199, %swap3A_200] {strides = array<i32>} : memref<64x512xf32, #tpu.memory_space<vmem>>, vector<16xf32>,
      tpu.vector_store %arg6[%swap3A_199, %swap3A_200], %gather3A_169 {strides = array<i32>} : memref<64x512xf32, #tpu.memory_space<vmem>>, vector<16xf32>,
      %swap3A_202 = arith.constant 9 : i32
      %swap3A_203 = arith.index_cast %swap3A_202 : i32 to index
      %swap3A_204 = arith.index_cast %mul3A_100 : i32 to index
      %swap3A_205 = tpu.vector_load %arg6[%swap3A_203, %swap3A_204] {strides = array<i32>} : memref<64x512xf32, #tpu.memory_space<vmem>>, vector<16xf32>,
      tpu.vector_store %arg6[%swap3A_203, %swap3A_204], %gather3A_173 {strides = array<i32>} : memref<64x512xf32, #tpu.memory_space<vmem>>, vector<16xf32>,
      %swap3A_206 = arith.constant 10 : i32
      %swap3A_207 = arith.index_cast %swap3A_206 : i32 to index
      %swap3A_208 = arith.index_cast %mul3A_100 : i32 to index
      %swap3A_209 = tpu.vector_load %arg6[%swap3A_207, %swap3A_208] {strides = array<i32>} : memref<64x512xf32, #tpu.memory_space<vmem>>, vector<16xf32>,
      tpu.vector_store %arg6[%swap3A_207, %swap3A_208], %gather3A_177 {strides = array<i32>} : memref<64x512xf32, #tpu.memory_space<vmem>>, vector<16xf32>,
      %swap3A_210 = arith.constant 11 : i32
      %swap3A_211 = arith.index_cast %swap3A_210 : i32 to index
      %swap3A_212 = arith.index_cast %mul3A_100 : i32 to index
      %swap3A_213 = tpu.vector_load %arg6[%swap3A_211, %swap3A_212] {strides = array<i32>} : memref<64x512xf32, #tpu.memory_space<vmem>>, vector<16xf32>,
      tpu.vector_store %arg6[%swap3A_211, %swap3A_212], %gather3A_181 {strides = array<i32>} : memref<64x512xf32, #tpu.memory_space<vmem>>, vector<16xf32>,
      %swap3A_214 = arith.constant 12 : i32
      %swap3A_215 = arith.index_cast %swap3A_214 : i32 to index
      %swap3A_216 = arith.index_cast %mul3A_100 : i32 to index
      %swap3A_217 = tpu.vector_load %arg6[%swap3A_215, %swap3A_216] {strides = array<i32>} : memref<64x512xf32, #tpu.memory_space<vmem>>, vector<16xf32>,
      tpu.vector_store %arg6[%swap3A_215, %swap3A_216], %gather3A_185 {strides = array<i32>} : memref<64x512xf32, #tpu.memory_space<vmem>>, vector<16xf32>,
      %swap3A_218 = arith.constant 13 : i32
      %swap3A_219 = arith.index_cast %swap3A_218 : i32 to index
      %swap3A_220 = arith.index_cast %mul3A_100 : i32 to index
      %swap3A_221 = tpu.vector_load %arg6[%swap3A_219, %swap3A_220] {strides = array<i32>} : memref<64x512xf32, #tpu.memory_space<vmem>>, vector<16xf32>,
      tpu.vector_store %arg6[%swap3A_219, %swap3A_220], %gather3A_189 {strides = array<i32>} : memref<64x512xf32, #tpu.memory_space<vmem>>, vector<16xf32>,
      %swap3A_222 = arith.constant 14 : i32
      %swap3A_223 = arith.index_cast %swap3A_222 : i32 to index
      %swap3A_224 = arith.index_cast %mul3A_100 : i32 to index
      %swap3A_225 = tpu.vector_load %arg6[%swap3A_223, %swap3A_224] {strides = array<i32>} : memref<64x512xf32, #tpu.memory_space<vmem>>, vector<16xf32>,
      tpu.vector_store %arg6[%swap3A_223, %swap3A_224], %gather3A_193 {strides = array<i32>} : memref<64x512xf32, #tpu.memory_space<vmem>>, vector<16xf32>,
      %swap3A_226 = arith.constant 15 : i32
      %swap3A_227 = arith.index_cast %swap3A_226 : i32 to index
      %swap3A_228 = arith.index_cast %mul3A_100 : i32 to index
      %swap3A_229 = tpu.vector_load %arg6[%swap3A_227, %swap3A_228] {strides = array<i32>} : memref<64x512xf32, #tpu.memory_space<vmem>>, vector<16xf32>,
      tpu.vector_store %arg6[%swap3A_227, %swap3A_228], %gather3A_197 {strides = array<i32>} : memref<64x512xf32, #tpu.memory_space<vmem>>, vector<16xf32>,
      %add3A_230 = arith.constant 256 : i32
      %add3A_231 = vector.broadcast %add3A_230 : i32 to vector<16xi32>
      %add3A_232 = arith.addi %get3A_103, %add3A_231 : vector<16xi32>
      %gather3A_233 = tpu.vector_load_idx %arg8[%add3A_232] : memref<1024xf32, #tpu.memory_space<vmem>>[vector<16xi32>], vector<16xf32>,
      %add3A_234 = arith.constant 272 : i32
      %add3A_235 = vector.broadcast %add3A_234 : i32 to vector<16xi32>
      %add3A_236 = arith.addi %get3A_103, %add3A_235 : vector<16xi32>
      %gather3A_237 = tpu.vector_load_idx %arg8[%add3A_236] : memref<1024xf32, #tpu.memory_space<vmem>>[vector<16xi32>], vector<16xf32>,
      %add3A_238 = arith.constant 288 : i32
      %add3A_239 = vector.broadcast %add3A_238 : i32 to vector<16xi32>
      %add3A_240 = arith.addi %get3A_103, %add3A_239 : vector<16xi32>
      %gather3A_241 = tpu.vector_load_idx %arg8[%add3A_240] : memref<1024xf32, #tpu.memory_space<vmem>>[vector<16xi32>], vector<16xf32>,
      %add3A_242 = arith.constant 304 : i32
      %add3A_243 = vector.broadcast %add3A_242 : i32 to vector<16xi32>
      %add3A_244 = arith.addi %get3A_103, %add3A_243 : vector<16xi32>
      %gather3A_245 = tpu.vector_load_idx %arg8[%add3A_244] : memref<1024xf32, #tpu.memory_space<vmem>>[vector<16xi32>], vector<16xf32>,
      %add3A_246 = arith.constant 320 : i32
      %add3A_247 = vector.broadcast %add3A_246 : i32 to vector<16xi32>
      %add3A_248 = arith.addi %get3A_103, %add3A_247 : vector<16xi32>
      %gather3A_249 = tpu.vector_load_idx %arg8[%add3A_248] : memref<1024xf32, #tpu.memory_space<vmem>>[vector<16xi32>], vector<16xf32>,
      %add3A_250 = arith.constant 336 : i32
      %add3A_251 = vector.broadcast %add3A_250 : i32 to vector<16xi32>
      %add3A_252 = arith.addi %get3A_103, %add3A_251 : vector<16xi32>
      %gather3A_253 = tpu.vector_load_idx %arg8[%add3A_252] : memref<1024xf32, #tpu.memory_space<vmem>>[vector<16xi32>], vector<16xf32>,
      %add3A_254 = arith.constant 352 : i32
      %add3A_255 = vector.broadcast %add3A_254 : i32 to vector<16xi32>
      %add3A_256 = arith.addi %get3A_103, %add3A_255 : vector<16xi32>
      %gather3A_257 = tpu.vector_load_idx %arg8[%add3A_256] : memref<1024xf32, #tpu.memory_space<vmem>>[vector<16xi32>], vector<16xf32>,
      %add3A_258 = arith.constant 368 : i32
      %add3A_259 = vector.broadcast %add3A_258 : i32 to vector<16xi32>
      %add3A_260 = arith.addi %get3A_103, %add3A_259 : vector<16xi32>
      %gather3A_261 = tpu.vector_load_idx %arg8[%add3A_260] : memref<1024xf32, #tpu.memory_space<vmem>>[vector<16xi32>], vector<16xf32>,
      %swap3A_262 = arith.constant 16 : i32
      %swap3A_263 = arith.index_cast %swap3A_262 : i32 to index
      %swap3A_264 = arith.index_cast %mul3A_100 : i32 to index
      %swap3A_265 = tpu.vector_load %arg6[%swap3A_263, %swap3A_264] {strides = array<i32>} : memref<64x512xf32, #tpu.memory_space<vmem>>, vector<16xf32>,
      tpu.vector_store %arg6[%swap3A_263, %swap3A_264], %gather3A_233 {strides = array<i32>} : memref<64x512xf32, #tpu.memory_space<vmem>>, vector<16xf32>,
      %swap3A_266 = arith.constant 17 : i32
      %swap3A_267 = arith.index_cast %swap3A_266 : i32 to index
      %swap3A_268 = arith.index_cast %mul3A_100 : i32 to index
      %swap3A_269 = tpu.vector_load %arg6[%swap3A_267, %swap3A_268] {strides = array<i32>} : memref<64x512xf32, #tpu.memory_space<vmem>>, vector<16xf32>,
      tpu.vector_store %arg6[%swap3A_267, %swap3A_268], %gather3A_237 {strides = array<i32>} : memref<64x512xf32, #tpu.memory_space<vmem>>, vector<16xf32>,
      %swap3A_270 = arith.constant 18 : i32
      %swap3A_271 = arith.index_cast %swap3A_270 : i32 to index
      %swap3A_272 = arith.index_cast %mul3A_100 : i32 to index
      %swap3A_273 = tpu.vector_load %arg6[%swap3A_271, %swap3A_272] {strides = array<i32>} : memref<64x512xf32, #tpu.memory_space<vmem>>, vector<16xf32>,
      tpu.vector_store %arg6[%swap3A_271, %swap3A_272], %gather3A_241 {strides = array<i32>} : memref<64x512xf32, #tpu.memory_space<vmem>>, vector<16xf32>,
      %swap3A_274 = arith.constant 19 : i32
      %swap3A_275 = arith.index_cast %swap3A_274 : i32 to index
      %swap3A_276 = arith.index_cast %mul3A_100 : i32 to index
      %swap3A_277 = tpu.vector_load %arg6[%swap3A_275, %swap3A_276] {strides = array<i32>} : memref<64x512xf32, #tpu.memory_space<vmem>>, vector<16xf32>,
      tpu.vector_store %arg6[%swap3A_275, %swap3A_276], %gather3A_245 {strides = array<i32>} : memref<64x512xf32, #tpu.memory_space<vmem>>, vector<16xf32>,
      %swap3A_278 = arith.constant 20 : i32
      %swap3A_279 = arith.index_cast %swap3A_278 : i32 to index
      %swap3A_280 = arith.index_cast %mul3A_100 : i32 to index
      %swap3A_281 = tpu.vector_load %arg6[%swap3A_279, %swap3A_280] {strides = array<i32>} : memref<64x512xf32, #tpu.memory_space<vmem>>, vector<16xf32>,
      tpu.vector_store %arg6[%swap3A_279, %swap3A_280], %gather3A_249 {strides = array<i32>} : memref<64x512xf32, #tpu.memory_space<vmem>>, vector<16xf32>,
      %swap3A_282 = arith.constant 21 : i32
      %swap3A_283 = arith.index_cast %swap3A_282 : i32 to index
      %swap3A_284 = arith.index_cast %mul3A_100 : i32 to index
      %swap3A_285 = tpu.vector_load %arg6[%swap3A_283, %swap3A_284] {strides = array<i32>} : memref<64x512xf32, #tpu.memory_space<vmem>>, vector<16xf32>,
      tpu.vector_store %arg6[%swap3A_283, %swap3A_284], %gather3A_253 {strides = array<i32>} : memref<64x512xf32, #tpu.memory_space<vmem>>, vector<16xf32>,
      %swap3A_286 = arith.constant 22 : i32
      %swap3A_287 = arith.index_cast %swap3A_286 : i32 to index
      %swap3A_288 = arith.index_cast %mul3A_100 : i32 to index
      %swap3A_289 = tpu.vector_load %arg6[%swap3A_287, %swap3A_288] {strides = array<i32>} : memref<64x512xf32, #tpu.memory_space<vmem>>, vector<16xf32>,
      tpu.vector_store %arg6[%swap3A_287, %swap3A_288], %gather3A_257 {strides = array<i32>} : memref<64x512xf32, #tpu.memory_space<vmem>>, vector<16xf32>,
      %swap3A_290 = arith.constant 23 : i32
      %swap3A_291 = arith.index_cast %swap3A_290 : i32 to index
      %swap3A_292 = arith.index_cast %mul3A_100 : i32 to index
      %swap3A_293 = tpu.vector_load %arg6[%swap3A_291, %swap3A_292] {strides = array<i32>} : memref<64x512xf32, #tpu.memory_space<vmem>>, vector<16xf32>,
      tpu.vector_store %arg6[%swap3A_291, %swap3A_292], %gather3A_261 {strides = array<i32>} : memref<64x512xf32, #tpu.memory_space<vmem>>, vector<16xf32>,
      %add3A_294 = arith.constant 384 : i32
      %add3A_295 = vector.broadcast %add3A_294 : i32 to vector<16xi32>
      %add3A_296 = arith.addi %get3A_103, %add3A_295 : vector<16xi32>
      %gather3A_297 = tpu.vector_load_idx %arg8[%add3A_296] : memref<1024xf32, #tpu.memory_space<vmem>>[vector<16xi32>], vector<16xf32>,
      %add3A_298 = arith.constant 400 : i32
      %add3A_299 = vector.broadcast %add3A_298 : i32 to vector<16xi32>
      %add3A_300 = arith.addi %get3A_103, %add3A_299 : vector<16xi32>
      %gather3A_301 = tpu.vector_load_idx %arg8[%add3A_300] : memref<1024xf32, #tpu.memory_space<vmem>>[vector<16xi32>], vector<16xf32>,
      %add3A_302 = arith.constant 416 : i32
      %add3A_303 = vector.broadcast %add3A_302 : i32 to vector<16xi32>
      %add3A_304 = arith.addi %get3A_103, %add3A_303 : vector<16xi32>
      %gather3A_305 = tpu.vector_load_idx %arg8[%add3A_304] : memref<1024xf32, #tpu.memory_space<vmem>>[vector<16xi32>], vector<16xf32>,
      %add3A_306 = arith.constant 432 : i32
      %add3A_307 = vector.broadcast %add3A_306 : i32 to vector<16xi32>
      %add3A_308 = arith.addi %get3A_103, %add3A_307 : vector<16xi32>
      %gather3A_309 = tpu.vector_load_idx %arg8[%add3A_308] : memref<1024xf32, #tpu.memory_space<vmem>>[vector<16xi32>], vector<16xf32>,
      %add3A_310 = arith.constant 448 : i32
      %add3A_311 = vector.broadcast %add3A_310 : i32 to vector<16xi32>
      %add3A_312 = arith.addi %get3A_103, %add3A_311 : vector<16xi32>
      %gather3A_313 = tpu.vector_load_idx %arg8[%add3A_312] : memref<1024xf32, #tpu.memory_space<vmem>>[vector<16xi32>], vector<16xf32>,
      %add3A_314 = arith.constant 464 : i32
      %add3A_315 = vector.broadcast %add3A_314 : i32 to vector<16xi32>
      %add3A_316 = arith.addi %get3A_103, %add3A_315 : vector<16xi32>
      %gather3A_317 = tpu.vector_load_idx %arg8[%add3A_316] : memref<1024xf32, #tpu.memory_space<vmem>>[vector<16xi32>], vector<16xf32>,
      %add3A_318 = arith.constant 480 : i32
      %add3A_319 = vector.broadcast %add3A_318 : i32 to vector<16xi32>
      %add3A_320 = arith.addi %get3A_103, %add3A_319 : vector<16xi32>
      %gather3A_321 = tpu.vector_load_idx %arg8[%add3A_320] : memref<1024xf32, #tpu.memory_space<vmem>>[vector<16xi32>], vector<16xf32>,
      %add3A_322 = arith.constant 496 : i32
      %add3A_323 = vector.broadcast %add3A_322 : i32 to vector<16xi32>
      %add3A_324 = arith.addi %get3A_103, %add3A_323 : vector<16xi32>
      %gather3A_325 = tpu.vector_load_idx %arg8[%add3A_324] : memref<1024xf32, #tpu.memory_space<vmem>>[vector<16xi32>], vector<16xf32>,
      %swap3A_326 = arith.constant 24 : i32
      %swap3A_327 = arith.index_cast %swap3A_326 : i32 to index
      %swap3A_328 = arith.index_cast %mul3A_100 : i32 to index
      %swap3A_329 = tpu.vector_load %arg6[%swap3A_327, %swap3A_328] {strides = array<i32>} : memref<64x512xf32, #tpu.memory_space<vmem>>, vector<16xf32>,
      tpu.vector_store %arg6[%swap3A_327, %swap3A_328], %gather3A_297 {strides = array<i32>} : memref<64x512xf32, #tpu.memory_space<vmem>>, vector<16xf32>,
      %swap3A_330 = arith.constant 25 : i32
      %swap3A_331 = arith.index_cast %swap3A_330 : i32 to index
      %swap3A_332 = arith.index_cast %mul3A_100 : i32 to index
      %swap3A_333 = tpu.vector_load %arg6[%swap3A_331, %swap3A_332] {strides = array<i32>} : memref<64x512xf32, #tpu.memory_space<vmem>>, vector<16xf32>,
      tpu.vector_store %arg6[%swap3A_331, %swap3A_332], %gather3A_301 {strides = array<i32>} : memref<64x512xf32, #tpu.memory_space<vmem>>, vector<16xf32>,
      %swap3A_334 = arith.constant 26 : i32
      %swap3A_335 = arith.index_cast %swap3A_334 : i32 to index
      %swap3A_336 = arith.index_cast %mul3A_100 : i32 to index
      %swap3A_337 = tpu.vector_load %arg6[%swap3A_335, %swap3A_336] {strides = array<i32>} : memref<64x512xf32, #tpu.memory_space<vmem>>, vector<16xf32>,
      tpu.vector_store %arg6[%swap3A_335, %swap3A_336], %gather3A_305 {strides = array<i32>} : memref<64x512xf32, #tpu.memory_space<vmem>>, vector<16xf32>,
      %swap3A_338 = arith.constant 27 : i32
      %swap3A_339 = arith.index_cast %swap3A_338 : i32 to index
      %swap3A_340 = arith.index_cast %mul3A_100 : i32 to index
      %swap3A_341 = tpu.vector_load %arg6[%swap3A_339, %swap3A_340] {strides = array<i32>} : memref<64x512xf32, #tpu.memory_space<vmem>>, vector<16xf32>,
      tpu.vector_store %arg6[%swap3A_339, %swap3A_340], %gather3A_309 {strides = array<i32>} : memref<64x512xf32, #tpu.memory_space<vmem>>, vector<16xf32>,
      %swap3A_342 = arith.constant 28 : i32
      %swap3A_343 = arith.index_cast %swap3A_342 : i32 to index
      %swap3A_344 = arith.index_cast %mul3A_100 : i32 to index
      %swap3A_345 = tpu.vector_load %arg6[%swap3A_343, %swap3A_344] {strides = array<i32>} : memref<64x512xf32, #tpu.memory_space<vmem>>, vector<16xf32>,
      tpu.vector_store %arg6[%swap3A_343, %swap3A_344], %gather3A_313 {strides = array<i32>} : memref<64x512xf32, #tpu.memory_space<vmem>>, vector<16xf32>,
      %swap3A_346 = arith.constant 29 : i32
      %swap3A_347 = arith.index_cast %swap3A_346 : i32 to index
      %swap3A_348 = arith.index_cast %mul3A_100 : i32 to index
      %swap3A_349 = tpu.vector_load %arg6[%swap3A_347, %swap3A_348] {strides = array<i32>} : memref<64x512xf32, #tpu.memory_space<vmem>>, vector<16xf32>,
      tpu.vector_store %arg6[%swap3A_347, %swap3A_348], %gather3A_317 {strides = array<i32>} : memref<64x512xf32, #tpu.memory_space<vmem>>, vector<16xf32>,
      %swap3A_350 = arith.constant 30 : i32
      %swap3A_351 = arith.index_cast %swap3A_350 : i32 to index
      %swap3A_352 = arith.index_cast %mul3A_100 : i32 to index
      %swap3A_353 = tpu.vector_load %arg6[%swap3A_351, %swap3A_352] {strides = array<i32>} : memref<64x512xf32, #tpu.memory_space<vmem>>, vector<16xf32>,
      tpu.vector_store %arg6[%swap3A_351, %swap3A_352], %gather3A_321 {strides = array<i32>} : memref<64x512xf32, #tpu.memory_space<vmem>>, vector<16xf32>,
      %swap3A_354 = arith.constant 31 : i32
      %swap3A_355 = arith.index_cast %swap3A_354 : i32 to index
      %swap3A_356 = arith.index_cast %mul3A_100 : i32 to index
      %swap3A_357 = tpu.vector_load %arg6[%swap3A_355, %swap3A_356] {strides = array<i32>} : memref<64x512xf32, #tpu.memory_space<vmem>>, vector<16xf32>,
      tpu.vector_store %arg6[%swap3A_355, %swap3A_356], %gather3A_325 {strides = array<i32>} : memref<64x512xf32, #tpu.memory_space<vmem>>, vector<16xf32>,
      %add3A_358 = arith.constant 512 : i32
      %add3A_359 = vector.broadcast %add3A_358 : i32 to vector<16xi32>
      %add3A_360 = arith.addi %get3A_103, %add3A_359 : vector<16xi32>
      %gather3A_361 = tpu.vector_load_idx %arg8[%add3A_360] : memref<1024xf32, #tpu.memory_space<vmem>>[vector<16xi32>], vector<16xf32>,
      %add3A_362 = arith.constant 528 : i32
      %add3A_363 = vector.broadcast %add3A_362 : i32 to vector<16xi32>
      %add3A_364 = arith.addi %get3A_103, %add3A_363 : vector<16xi32>
      %gather3A_365 = tpu.vector_load_idx %arg8[%add3A_364] : memref<1024xf32, #tpu.memory_space<vmem>>[vector<16xi32>], vector<16xf32>,
      %add3A_366 = arith.constant 544 : i32
      %add3A_367 = vector.broadcast %add3A_366 : i32 to vector<16xi32>
      %add3A_368 = arith.addi %get3A_103, %add3A_367 : vector<16xi32>
      %gather3A_369 = tpu.vector_load_idx %arg8[%add3A_368] : memref<1024xf32, #tpu.memory_space<vmem>>[vector<16xi32>], vector<16xf32>,
      %add3A_370 = arith.constant 560 : i32
      %add3A_371 = vector.broadcast %add3A_370 : i32 to vector<16xi32>
      %add3A_372 = arith.addi %get3A_103, %add3A_371 : vector<16xi32>
      %gather3A_373 = tpu.vector_load_idx %arg8[%add3A_372] : memref<1024xf32, #tpu.memory_space<vmem>>[vector<16xi32>], vector<16xf32>,
      %add3A_374 = arith.constant 576 : i32
      %add3A_375 = vector.broadcast %add3A_374 : i32 to vector<16xi32>
      %add3A_376 = arith.addi %get3A_103, %add3A_375 : vector<16xi32>
      %gather3A_377 = tpu.vector_load_idx %arg8[%add3A_376] : memref<1024xf32, #tpu.memory_space<vmem>>[vector<16xi32>], vector<16xf32>,
      %add3A_378 = arith.constant 592 : i32
      %add3A_379 = vector.broadcast %add3A_378 : i32 to vector<16xi32>
      %add3A_380 = arith.addi %get3A_103, %add3A_379 : vector<16xi32>
      %gather3A_381 = tpu.vector_load_idx %arg8[%add3A_380] : memref<1024xf32, #tpu.memory_space<vmem>>[vector<16xi32>], vector<16xf32>,
      %add3A_382 = arith.constant 608 : i32
      %add3A_383 = vector.broadcast %add3A_382 : i32 to vector<16xi32>
      %add3A_384 = arith.addi %get3A_103, %add3A_383 : vector<16xi32>
      %gather3A_385 = tpu.vector_load_idx %arg8[%add3A_384] : memref<1024xf32, #tpu.memory_space<vmem>>[vector<16xi32>], vector<16xf32>,
      %add3A_386 = arith.constant 624 : i32
      %add3A_387 = vector.broadcast %add3A_386 : i32 to vector<16xi32>
      %add3A_388 = arith.addi %get3A_103, %add3A_387 : vector<16xi32>
      %gather3A_389 = tpu.vector_load_idx %arg8[%add3A_388] : memref<1024xf32, #tpu.memory_space<vmem>>[vector<16xi32>], vector<16xf32>,
      %swap3A_390 = arith.constant 32 : i32
      %swap3A_391 = arith.index_cast %swap3A_390 : i32 to index
      %swap3A_392 = arith.index_cast %mul3A_100 : i32 to index
      %swap3A_393 = tpu.vector_load %arg6[%swap3A_391, %swap3A_392] {strides = array<i32>} : memref<64x512xf32, #tpu.memory_space<vmem>>, vector<16xf32>,
      tpu.vector_store %arg6[%swap3A_391, %swap3A_392], %gather3A_361 {strides = array<i32>} : memref<64x512xf32, #tpu.memory_space<vmem>>, vector<16xf32>,
      %swap3A_394 = arith.constant 33 : i32
      %swap3A_395 = arith.index_cast %swap3A_394 : i32 to index
      %swap3A_396 = arith.index_cast %mul3A_100 : i32 to index
      %swap3A_397 = tpu.vector_load %arg6[%swap3A_395, %swap3A_396] {strides = array<i32>} : memref<64x512xf32, #tpu.memory_space<vmem>>, vector<16xf32>,
      tpu.vector_store %arg6[%swap3A_395, %swap3A_396], %gather3A_365 {strides = array<i32>} : memref<64x512xf32, #tpu.memory_space<vmem>>, vector<16xf32>,
      %swap3A_398 = arith.constant 34 : i32
      %swap3A_399 = arith.index_cast %swap3A_398 : i32 to index
      %swap3A_400 = arith.index_cast %mul3A_100 : i32 to index
      %swap3A_401 = tpu.vector_load %arg6[%swap3A_399, %swap3A_400] {strides = array<i32>} : memref<64x512xf32, #tpu.memory_space<vmem>>, vector<16xf32>,
      tpu.vector_store %arg6[%swap3A_399, %swap3A_400], %gather3A_369 {strides = array<i32>} : memref<64x512xf32, #tpu.memory_space<vmem>>, vector<16xf32>,
      %swap3A_402 = arith.constant 35 : i32
      %swap3A_403 = arith.index_cast %swap3A_402 : i32 to index
      %swap3A_404 = arith.index_cast %mul3A_100 : i32 to index
      %swap3A_405 = tpu.vector_load %arg6[%swap3A_403, %swap3A_404] {strides = array<i32>} : memref<64x512xf32, #tpu.memory_space<vmem>>, vector<16xf32>,
      tpu.vector_store %arg6[%swap3A_403, %swap3A_404], %gather3A_373 {strides = array<i32>} : memref<64x512xf32, #tpu.memory_space<vmem>>, vector<16xf32>,
      %swap3A_406 = arith.constant 36 : i32
      %swap3A_407 = arith.index_cast %swap3A_406 : i32 to index
      %swap3A_408 = arith.index_cast %mul3A_100 : i32 to index
      %swap3A_409 = tpu.vector_load %arg6[%swap3A_407, %swap3A_408] {strides = array<i32>} : memref<64x512xf32, #tpu.memory_space<vmem>>, vector<16xf32>,
      tpu.vector_store %arg6[%swap3A_407, %swap3A_408], %gather3A_377 {strides = array<i32>} : memref<64x512xf32, #tpu.memory_space<vmem>>, vector<16xf32>,
      %swap3A_410 = arith.constant 37 : i32
      %swap3A_411 = arith.index_cast %swap3A_410 : i32 to index
      %swap3A_412 = arith.index_cast %mul3A_100 : i32 to index
      %swap3A_413 = tpu.vector_load %arg6[%swap3A_411, %swap3A_412] {strides = array<i32>} : memref<64x512xf32, #tpu.memory_space<vmem>>, vector<16xf32>,
      tpu.vector_store %arg6[%swap3A_411, %swap3A_412], %gather3A_381 {strides = array<i32>} : memref<64x512xf32, #tpu.memory_space<vmem>>, vector<16xf32>,
      %swap3A_414 = arith.constant 38 : i32
      %swap3A_415 = arith.index_cast %swap3A_414 : i32 to index
      %swap3A_416 = arith.index_cast %mul3A_100 : i32 to index
      %swap3A_417 = tpu.vector_load %arg6[%swap3A_415, %swap3A_416] {strides = array<i32>} : memref<64x512xf32, #tpu.memory_space<vmem>>, vector<16xf32>,
      tpu.vector_store %arg6[%swap3A_415, %swap3A_416], %gather3A_385 {strides = array<i32>} : memref<64x512xf32, #tpu.memory_space<vmem>>, vector<16xf32>,
      %swap3A_418 = arith.constant 39 : i32
      %swap3A_419 = arith.index_cast %swap3A_418 : i32 to index
      %swap3A_420 = arith.index_cast %mul3A_100 : i32 to index
      %swap3A_421 = tpu.vector_load %arg6[%swap3A_419, %swap3A_420] {strides = array<i32>} : memref<64x512xf32, #tpu.memory_space<vmem>>, vector<16xf32>,
      tpu.vector_store %arg6[%swap3A_419, %swap3A_420], %gather3A_389 {strides = array<i32>} : memref<64x512xf32, #tpu.memory_space<vmem>>, vector<16xf32>,
      %add3A_422 = arith.constant 640 : i32
      %add3A_423 = vector.broadcast %add3A_422 : i32 to vector<16xi32>
      %add3A_424 = arith.addi %get3A_103, %add3A_423 : vector<16xi32>
      %gather3A_425 = tpu.vector_load_idx %arg8[%add3A_424] : memref<1024xf32, #tpu.memory_space<vmem>>[vector<16xi32>], vector<16xf32>,
      %add3A_426 = arith.constant 656 : i32
      %add3A_427 = vector.broadcast %add3A_426 : i32 to vector<16xi32>
      %add3A_428 = arith.addi %get3A_103, %add3A_427 : vector<16xi32>
      %gather3A_429 = tpu.vector_load_idx %arg8[%add3A_428] : memref<1024xf32, #tpu.memory_space<vmem>>[vector<16xi32>], vector<16xf32>,
      %add3A_430 = arith.constant 672 : i32
      %add3A_431 = vector.broadcast %add3A_430 : i32 to vector<16xi32>
      %add3A_432 = arith.addi %get3A_103, %add3A_431 : vector<16xi32>
      %gather3A_433 = tpu.vector_load_idx %arg8[%add3A_432] : memref<1024xf32, #tpu.memory_space<vmem>>[vector<16xi32>], vector<16xf32>,
      %add3A_434 = arith.constant 688 : i32
      %add3A_435 = vector.broadcast %add3A_434 : i32 to vector<16xi32>
      %add3A_436 = arith.addi %get3A_103, %add3A_435 : vector<16xi32>
      %gather3A_437 = tpu.vector_load_idx %arg8[%add3A_436] : memref<1024xf32, #tpu.memory_space<vmem>>[vector<16xi32>], vector<16xf32>,
      %add3A_438 = arith.constant 704 : i32
      %add3A_439 = vector.broadcast %add3A_438 : i32 to vector<16xi32>
      %add3A_440 = arith.addi %get3A_103, %add3A_439 : vector<16xi32>
      %gather3A_441 = tpu.vector_load_idx %arg8[%add3A_440] : memref<1024xf32, #tpu.memory_space<vmem>>[vector<16xi32>], vector<16xf32>,
      %add3A_442 = arith.constant 720 : i32
      %add3A_443 = vector.broadcast %add3A_442 : i32 to vector<16xi32>
      %add3A_444 = arith.addi %get3A_103, %add3A_443 : vector<16xi32>
      %gather3A_445 = tpu.vector_load_idx %arg8[%add3A_444] : memref<1024xf32, #tpu.memory_space<vmem>>[vector<16xi32>], vector<16xf32>,
      %add3A_446 = arith.constant 736 : i32
      %add3A_447 = vector.broadcast %add3A_446 : i32 to vector<16xi32>
      %add3A_448 = arith.addi %get3A_103, %add3A_447 : vector<16xi32>
      %gather3A_449 = tpu.vector_load_idx %arg8[%add3A_448] : memref<1024xf32, #tpu.memory_space<vmem>>[vector<16xi32>], vector<16xf32>,
      %add3A_450 = arith.constant 752 : i32
      %add3A_451 = vector.broadcast %add3A_450 : i32 to vector<16xi32>
      %add3A_452 = arith.addi %get3A_103, %add3A_451 : vector<16xi32>
      %gather3A_453 = tpu.vector_load_idx %arg8[%add3A_452] : memref<1024xf32, #tpu.memory_space<vmem>>[vector<16xi32>], vector<16xf32>,
      %swap3A_454 = arith.constant 40 : i32
      %swap3A_455 = arith.index_cast %swap3A_454 : i32 to index
      %swap3A_456 = arith.index_cast %mul3A_100 : i32 to index
      %swap3A_457 = tpu.vector_load %arg6[%swap3A_455, %swap3A_456] {strides = array<i32>} : memref<64x512xf32, #tpu.memory_space<vmem>>, vector<16xf32>,
      tpu.vector_store %arg6[%swap3A_455, %swap3A_456], %gather3A_425 {strides = array<i32>} : memref<64x512xf32, #tpu.memory_space<vmem>>, vector<16xf32>,
      %swap3A_458 = arith.constant 41 : i32
      %swap3A_459 = arith.index_cast %swap3A_458 : i32 to index
      %swap3A_460 = arith.index_cast %mul3A_100 : i32 to index
      %swap3A_461 = tpu.vector_load %arg6[%swap3A_459, %swap3A_460] {strides = array<i32>} : memref<64x512xf32, #tpu.memory_space<vmem>>, vector<16xf32>,
      tpu.vector_store %arg6[%swap3A_459, %swap3A_460], %gather3A_429 {strides = array<i32>} : memref<64x512xf32, #tpu.memory_space<vmem>>, vector<16xf32>,
      %swap3A_462 = arith.constant 42 : i32
      %swap3A_463 = arith.index_cast %swap3A_462 : i32 to index
      %swap3A_464 = arith.index_cast %mul3A_100 : i32 to index
      %swap3A_465 = tpu.vector_load %arg6[%swap3A_463, %swap3A_464] {strides = array<i32>} : memref<64x512xf32, #tpu.memory_space<vmem>>, vector<16xf32>,
      tpu.vector_store %arg6[%swap3A_463, %swap3A_464], %gather3A_433 {strides = array<i32>} : memref<64x512xf32, #tpu.memory_space<vmem>>, vector<16xf32>,
      %swap3A_466 = arith.constant 43 : i32
      %swap3A_467 = arith.index_cast %swap3A_466 : i32 to index
      %swap3A_468 = arith.index_cast %mul3A_100 : i32 to index
      %swap3A_469 = tpu.vector_load %arg6[%swap3A_467, %swap3A_468] {strides = array<i32>} : memref<64x512xf32, #tpu.memory_space<vmem>>, vector<16xf32>,
      tpu.vector_store %arg6[%swap3A_467, %swap3A_468], %gather3A_437 {strides = array<i32>} : memref<64x512xf32, #tpu.memory_space<vmem>>, vector<16xf32>,
      %swap3A_470 = arith.constant 44 : i32
      %swap3A_471 = arith.index_cast %swap3A_470 : i32 to index
      %swap3A_472 = arith.index_cast %mul3A_100 : i32 to index
      %swap3A_473 = tpu.vector_load %arg6[%swap3A_471, %swap3A_472] {strides = array<i32>} : memref<64x512xf32, #tpu.memory_space<vmem>>, vector<16xf32>,
      tpu.vector_store %arg6[%swap3A_471, %swap3A_472], %gather3A_441 {strides = array<i32>} : memref<64x512xf32, #tpu.memory_space<vmem>>, vector<16xf32>,
      %swap3A_474 = arith.constant 45 : i32
      %swap3A_475 = arith.index_cast %swap3A_474 : i32 to index
      %swap3A_476 = arith.index_cast %mul3A_100 : i32 to index
      %swap3A_477 = tpu.vector_load %arg6[%swap3A_475, %swap3A_476] {strides = array<i32>} : memref<64x512xf32, #tpu.memory_space<vmem>>, vector<16xf32>,
      tpu.vector_store %arg6[%swap3A_475, %swap3A_476], %gather3A_445 {strides = array<i32>} : memref<64x512xf32, #tpu.memory_space<vmem>>, vector<16xf32>,
      %swap3A_478 = arith.constant 46 : i32
      %swap3A_479 = arith.index_cast %swap3A_478 : i32 to index
      %swap3A_480 = arith.index_cast %mul3A_100 : i32 to index
      %swap3A_481 = tpu.vector_load %arg6[%swap3A_479, %swap3A_480] {strides = array<i32>} : memref<64x512xf32, #tpu.memory_space<vmem>>, vector<16xf32>,
      tpu.vector_store %arg6[%swap3A_479, %swap3A_480], %gather3A_449 {strides = array<i32>} : memref<64x512xf32, #tpu.memory_space<vmem>>, vector<16xf32>,
      %swap3A_482 = arith.constant 47 : i32
      %swap3A_483 = arith.index_cast %swap3A_482 : i32 to index
      %swap3A_484 = arith.index_cast %mul3A_100 : i32 to index
      %swap3A_485 = tpu.vector_load %arg6[%swap3A_483, %swap3A_484] {strides = array<i32>} : memref<64x512xf32, #tpu.memory_space<vmem>>, vector<16xf32>,
      tpu.vector_store %arg6[%swap3A_483, %swap3A_484], %gather3A_453 {strides = array<i32>} : memref<64x512xf32, #tpu.memory_space<vmem>>, vector<16xf32>,
      %add3A_486 = arith.constant 768 : i32
      %add3A_487 = vector.broadcast %add3A_486 : i32 to vector<16xi32>
      %add3A_488 = arith.addi %get3A_103, %add3A_487 : vector<16xi32>
      %gather3A_489 = tpu.vector_load_idx %arg8[%add3A_488] : memref<1024xf32, #tpu.memory_space<vmem>>[vector<16xi32>], vector<16xf32>,
      %add3A_490 = arith.constant 784 : i32
      %add3A_491 = vector.broadcast %add3A_490 : i32 to vector<16xi32>
      %add3A_492 = arith.addi %get3A_103, %add3A_491 : vector<16xi32>
      %gather3A_493 = tpu.vector_load_idx %arg8[%add3A_492] : memref<1024xf32, #tpu.memory_space<vmem>>[vector<16xi32>], vector<16xf32>,
      %add3A_494 = arith.constant 800 : i32
      %add3A_495 = vector.broadcast %add3A_494 : i32 to vector<16xi32>
      %add3A_496 = arith.addi %get3A_103, %add3A_495 : vector<16xi32>
      %gather3A_497 = tpu.vector_load_idx %arg8[%add3A_496] : memref<1024xf32, #tpu.memory_space<vmem>>[vector<16xi32>], vector<16xf32>,
      %add3A_498 = arith.constant 816 : i32
      %add3A_499 = vector.broadcast %add3A_498 : i32 to vector<16xi32>
      %add3A_500 = arith.addi %get3A_103, %add3A_499 : vector<16xi32>
      %gather3A_501 = tpu.vector_load_idx %arg8[%add3A_500] : memref<1024xf32, #tpu.memory_space<vmem>>[vector<16xi32>], vector<16xf32>,
      %add3A_502 = arith.constant 832 : i32
      %add3A_503 = vector.broadcast %add3A_502 : i32 to vector<16xi32>
      %add3A_504 = arith.addi %get3A_103, %add3A_503 : vector<16xi32>
      %gather3A_505 = tpu.vector_load_idx %arg8[%add3A_504] : memref<1024xf32, #tpu.memory_space<vmem>>[vector<16xi32>], vector<16xf32>,
      %add3A_506 = arith.constant 848 : i32
      %add3A_507 = vector.broadcast %add3A_506 : i32 to vector<16xi32>
      %add3A_508 = arith.addi %get3A_103, %add3A_507 : vector<16xi32>
      %gather3A_509 = tpu.vector_load_idx %arg8[%add3A_508] : memref<1024xf32, #tpu.memory_space<vmem>>[vector<16xi32>], vector<16xf32>,
      %add3A_510 = arith.constant 864 : i32
      %add3A_511 = vector.broadcast %add3A_510 : i32 to vector<16xi32>
      %add3A_512 = arith.addi %get3A_103, %add3A_511 : vector<16xi32>
      %gather3A_513 = tpu.vector_load_idx %arg8[%add3A_512] : memref<1024xf32, #tpu.memory_space<vmem>>[vector<16xi32>], vector<16xf32>,
      %add3A_514 = arith.constant 880 : i32
      %add3A_515 = vector.broadcast %add3A_514 : i32 to vector<16xi32>
      %add3A_516 = arith.addi %get3A_103, %add3A_515 : vector<16xi32>
      %gather3A_517 = tpu.vector_load_idx %arg8[%add3A_516] : memref<1024xf32, #tpu.memory_space<vmem>>[vector<16xi32>], vector<16xf32>,
      %swap3A_518 = arith.constant 48 : i32
      %swap3A_519 = arith.index_cast %swap3A_518 : i32 to index
      %swap3A_520 = arith.index_cast %mul3A_100 : i32 to index
      %swap3A_521 = tpu.vector_load %arg6[%swap3A_519, %swap3A_520] {strides = array<i32>} : memref<64x512xf32, #tpu.memory_space<vmem>>, vector<16xf32>,
      tpu.vector_store %arg6[%swap3A_519, %swap3A_520], %gather3A_489 {strides = array<i32>} : memref<64x512xf32, #tpu.memory_space<vmem>>, vector<16xf32>,
      %swap3A_522 = arith.constant 49 : i32
      %swap3A_523 = arith.index_cast %swap3A_522 : i32 to index
      %swap3A_524 = arith.index_cast %mul3A_100 : i32 to index
      %swap3A_525 = tpu.vector_load %arg6[%swap3A_523, %swap3A_524] {strides = array<i32>} : memref<64x512xf32, #tpu.memory_space<vmem>>, vector<16xf32>,
      tpu.vector_store %arg6[%swap3A_523, %swap3A_524], %gather3A_493 {strides = array<i32>} : memref<64x512xf32, #tpu.memory_space<vmem>>, vector<16xf32>,
      %swap3A_526 = arith.constant 50 : i32
      %swap3A_527 = arith.index_cast %swap3A_526 : i32 to index
      %swap3A_528 = arith.index_cast %mul3A_100 : i32 to index
      %swap3A_529 = tpu.vector_load %arg6[%swap3A_527, %swap3A_528] {strides = array<i32>} : memref<64x512xf32, #tpu.memory_space<vmem>>, vector<16xf32>,
      tpu.vector_store %arg6[%swap3A_527, %swap3A_528], %gather3A_497 {strides = array<i32>} : memref<64x512xf32, #tpu.memory_space<vmem>>, vector<16xf32>,
      %swap3A_530 = arith.constant 51 : i32
      %swap3A_531 = arith.index_cast %swap3A_530 : i32 to index
      %swap3A_532 = arith.index_cast %mul3A_100 : i32 to index
      %swap3A_533 = tpu.vector_load %arg6[%swap3A_531, %swap3A_532] {strides = array<i32>} : memref<64x512xf32, #tpu.memory_space<vmem>>, vector<16xf32>,
      tpu.vector_store %arg6[%swap3A_531, %swap3A_532], %gather3A_501 {strides = array<i32>} : memref<64x512xf32, #tpu.memory_space<vmem>>, vector<16xf32>,
      %swap3A_534 = arith.constant 52 : i32
      %swap3A_535 = arith.index_cast %swap3A_534 : i32 to index
      %swap3A_536 = arith.index_cast %mul3A_100 : i32 to index
      %swap3A_537 = tpu.vector_load %arg6[%swap3A_535, %swap3A_536] {strides = array<i32>} : memref<64x512xf32, #tpu.memory_space<vmem>>, vector<16xf32>,
      tpu.vector_store %arg6[%swap3A_535, %swap3A_536], %gather3A_505 {strides = array<i32>} : memref<64x512xf32, #tpu.memory_space<vmem>>, vector<16xf32>,
      %swap3A_538 = arith.constant 53 : i32
      %swap3A_539 = arith.index_cast %swap3A_538 : i32 to index
      %swap3A_540 = arith.index_cast %mul3A_100 : i32 to index
      %swap3A_541 = tpu.vector_load %arg6[%swap3A_539, %swap3A_540] {strides = array<i32>} : memref<64x512xf32, #tpu.memory_space<vmem>>, vector<16xf32>,
      tpu.vector_store %arg6[%swap3A_539, %swap3A_540], %gather3A_509 {strides = array<i32>} : memref<64x512xf32, #tpu.memory_space<vmem>>, vector<16xf32>,
      %swap3A_542 = arith.constant 54 : i32
      %swap3A_543 = arith.index_cast %swap3A_542 : i32 to index
      %swap3A_544 = arith.index_cast %mul3A_100 : i32 to index
      %swap3A_545 = tpu.vector_load %arg6[%swap3A_543, %swap3A_544] {strides = array<i32>} : memref<64x512xf32, #tpu.memory_space<vmem>>, vector<16xf32>,
      tpu.vector_store %arg6[%swap3A_543, %swap3A_544], %gather3A_513 {strides = array<i32>} : memref<64x512xf32, #tpu.memory_space<vmem>>, vector<16xf32>,
      %swap3A_546 = arith.constant 55 : i32
      %swap3A_547 = arith.index_cast %swap3A_546 : i32 to index
      %swap3A_548 = arith.index_cast %mul3A_100 : i32 to index
      %swap3A_549 = tpu.vector_load %arg6[%swap3A_547, %swap3A_548] {strides = array<i32>} : memref<64x512xf32, #tpu.memory_space<vmem>>, vector<16xf32>,
      tpu.vector_store %arg6[%swap3A_547, %swap3A_548], %gather3A_517 {strides = array<i32>} : memref<64x512xf32, #tpu.memory_space<vmem>>, vector<16xf32>,
      %add3A_550 = arith.constant 896 : i32
      %add3A_551 = vector.broadcast %add3A_550 : i32 to vector<16xi32>
      %add3A_552 = arith.addi %get3A_103, %add3A_551 : vector<16xi32>
      %gather3A_553 = tpu.vector_load_idx %arg8[%add3A_552] : memref<1024xf32, #tpu.memory_space<vmem>>[vector<16xi32>], vector<16xf32>,
      %add3A_554 = arith.constant 912 : i32
      %add3A_555 = vector.broadcast %add3A_554 : i32 to vector<16xi32>
      %add3A_556 = arith.addi %get3A_103, %add3A_555 : vector<16xi32>
      %gather3A_557 = tpu.vector_load_idx %arg8[%add3A_556] : memref<1024xf32, #tpu.memory_space<vmem>>[vector<16xi32>], vector<16xf32>,
      %add3A_558 = arith.constant 928 : i32
      %add3A_559 = vector.broadcast %add3A_558 : i32 to vector<16xi32>
      %add3A_560 = arith.addi %get3A_103, %add3A_559 : vector<16xi32>
      %gather3A_561 = tpu.vector_load_idx %arg8[%add3A_560] : memref<1024xf32, #tpu.memory_space<vmem>>[vector<16xi32>], vector<16xf32>,
      %add3A_562 = arith.constant 944 : i32
      %add3A_563 = vector.broadcast %add3A_562 : i32 to vector<16xi32>
      %add3A_564 = arith.addi %get3A_103, %add3A_563 : vector<16xi32>
      %gather3A_565 = tpu.vector_load_idx %arg8[%add3A_564] : memref<1024xf32, #tpu.memory_space<vmem>>[vector<16xi32>], vector<16xf32>,
      %add3A_566 = arith.constant 960 : i32
      %add3A_567 = vector.broadcast %add3A_566 : i32 to vector<16xi32>
      %add3A_568 = arith.addi %get3A_103, %add3A_567 : vector<16xi32>
      %gather3A_569 = tpu.vector_load_idx %arg8[%add3A_568] : memref<1024xf32, #tpu.memory_space<vmem>>[vector<16xi32>], vector<16xf32>,
      %add3A_570 = arith.constant 976 : i32
      %add3A_571 = vector.broadcast %add3A_570 : i32 to vector<16xi32>
      %add3A_572 = arith.addi %get3A_103, %add3A_571 : vector<16xi32>
      %gather3A_573 = tpu.vector_load_idx %arg8[%add3A_572] : memref<1024xf32, #tpu.memory_space<vmem>>[vector<16xi32>], vector<16xf32>,
      %add3A_574 = arith.constant 992 : i32
      %add3A_575 = vector.broadcast %add3A_574 : i32 to vector<16xi32>
      %add3A_576 = arith.addi %get3A_103, %add3A_575 : vector<16xi32>
      %gather3A_577 = tpu.vector_load_idx %arg8[%add3A_576] : memref<1024xf32, #tpu.memory_space<vmem>>[vector<16xi32>], vector<16xf32>,
      %add3A_578 = arith.constant 1008 : i32
      %add3A_579 = vector.broadcast %add3A_578 : i32 to vector<16xi32>
      %add3A_580 = arith.addi %get3A_103, %add3A_579 : vector<16xi32>
      %gather3A_581 = tpu.vector_load_idx %arg8[%add3A_580] : memref<1024xf32, #tpu.memory_space<vmem>>[vector<16xi32>], vector<16xf32>,
      %swap3A_582 = arith.constant 56 : i32
      %swap3A_583 = arith.index_cast %swap3A_582 : i32 to index
      %swap3A_584 = arith.index_cast %mul3A_100 : i32 to index
      %swap3A_585 = tpu.vector_load %arg6[%swap3A_583, %swap3A_584] {strides = array<i32>} : memref<64x512xf32, #tpu.memory_space<vmem>>, vector<16xf32>,
      tpu.vector_store %arg6[%swap3A_583, %swap3A_584], %gather3A_553 {strides = array<i32>} : memref<64x512xf32, #tpu.memory_space<vmem>>, vector<16xf32>,
      %swap3A_586 = arith.constant 57 : i32
      %swap3A_587 = arith.index_cast %swap3A_586 : i32 to index
      %swap3A_588 = arith.index_cast %mul3A_100 : i32 to index
      %swap3A_589 = tpu.vector_load %arg6[%swap3A_587, %swap3A_588] {strides = array<i32>} : memref<64x512xf32, #tpu.memory_space<vmem>>, vector<16xf32>,
      tpu.vector_store %arg6[%swap3A_587, %swap3A_588], %gather3A_557 {strides = array<i32>} : memref<64x512xf32, #tpu.memory_space<vmem>>, vector<16xf32>,
      %swap3A_590 = arith.constant 58 : i32
      %swap3A_591 = arith.index_cast %swap3A_590 : i32 to index
      %swap3A_592 = arith.index_cast %mul3A_100 : i32 to index
      %swap3A_593 = tpu.vector_load %arg6[%swap3A_591, %swap3A_592] {strides = array<i32>} : memref<64x512xf32, #tpu.memory_space<vmem>>, vector<16xf32>,
      tpu.vector_store %arg6[%swap3A_591, %swap3A_592], %gather3A_561 {strides = array<i32>} : memref<64x512xf32, #tpu.memory_space<vmem>>, vector<16xf32>,
      %swap3A_594 = arith.constant 59 : i32
      %swap3A_595 = arith.index_cast %swap3A_594 : i32 to index
      %swap3A_596 = arith.index_cast %mul3A_100 : i32 to index
      %swap3A_597 = tpu.vector_load %arg6[%swap3A_595, %swap3A_596] {strides = array<i32>} : memref<64x512xf32, #tpu.memory_space<vmem>>, vector<16xf32>,
      tpu.vector_store %arg6[%swap3A_595, %swap3A_596], %gather3A_565 {strides = array<i32>} : memref<64x512xf32, #tpu.memory_space<vmem>>, vector<16xf32>,
      %swap3A_598 = arith.constant 60 : i32
      %swap3A_599 = arith.index_cast %swap3A_598 : i32 to index
      %swap3A_600 = arith.index_cast %mul3A_100 : i32 to index
      %swap3A_601 = tpu.vector_load %arg6[%swap3A_599, %swap3A_600] {strides = array<i32>} : memref<64x512xf32, #tpu.memory_space<vmem>>, vector<16xf32>,
      tpu.vector_store %arg6[%swap3A_599, %swap3A_600], %gather3A_569 {strides = array<i32>} : memref<64x512xf32, #tpu.memory_space<vmem>>, vector<16xf32>,
      %swap3A_602 = arith.constant 61 : i32
      %swap3A_603 = arith.index_cast %swap3A_602 : i32 to index
      %swap3A_604 = arith.index_cast %mul3A_100 : i32 to index
      %swap3A_605 = tpu.vector_load %arg6[%swap3A_603, %swap3A_604] {strides = array<i32>} : memref<64x512xf32, #tpu.memory_space<vmem>>, vector<16xf32>,
      tpu.vector_store %arg6[%swap3A_603, %swap3A_604], %gather3A_573 {strides = array<i32>} : memref<64x512xf32, #tpu.memory_space<vmem>>, vector<16xf32>,
      %swap3A_606 = arith.constant 62 : i32
      %swap3A_607 = arith.index_cast %swap3A_606 : i32 to index
      %swap3A_608 = arith.index_cast %mul3A_100 : i32 to index
      %swap3A_609 = tpu.vector_load %arg6[%swap3A_607, %swap3A_608] {strides = array<i32>} : memref<64x512xf32, #tpu.memory_space<vmem>>, vector<16xf32>,
      tpu.vector_store %arg6[%swap3A_607, %swap3A_608], %gather3A_577 {strides = array<i32>} : memref<64x512xf32, #tpu.memory_space<vmem>>, vector<16xf32>,
      %swap3A_610 = arith.constant 63 : i32
      %swap3A_611 = arith.index_cast %swap3A_610 : i32 to index
      %swap3A_612 = arith.index_cast %mul3A_100 : i32 to index
      %swap3A_613 = tpu.vector_load %arg6[%swap3A_611, %swap3A_612] {strides = array<i32>} : memref<64x512xf32, #tpu.memory_space<vmem>>, vector<16xf32>,
      tpu.vector_store %arg6[%swap3A_611, %swap3A_612], %gather3A_581 {strides = array<i32>} : memref<64x512xf32, #tpu.memory_space<vmem>>, vector<16xf32>,
    }
    %scan3A_58 = arith.constant 32 : i32
    %sub3A_59 = arith.constant 4 : i32
    %sub3A_60 = arith.subi %add3A_8, %sub3A_59 : i32
    %min3A_61 = arith.constant 0 : i32
    %min3A_62 = arith.minsi %min3A_61, %sub3A_60 : i32
    %add3A_63 = arith.addi %add3A_4, %min3A_62 : i32
    %mul3A_64 = arith.constant 128 : i32
    %mul3A_65 = arith.muli %mul3A_64, %add3A_63 : i32
    %dma_start3A_66 = arith.constant 0 : i32
    %dma_start3A_67 = tpu.memref_slice %arg4[%dma_start3A_66, %mul3A_65] : memref<64x800000xf32, #tpu.memory_space<hbm>> -> memref<64x512xf32, #tpu.memory_space<hbm>>
    %dma_start3A_68 = arith.constant 0 : i32
    %dma_start3A_69 = tpu.memref_slice %arg4[%dma_start3A_68, %mul3A_65] : memref<64x800000xf32, #tpu.memory_space<hbm>> -> memref<64x512xf32, #tpu.memory_space<hbm>>
    tpu.enqueue_dma source(%arg6 : memref<64x512xf32, #tpu.memory_space<vmem>>) target(%dma_start3A_69 : memref<64x512xf32, #tpu.memory_space<hbm>>) target_semaphore(%arg11 : memref<!tpu.dma_semaphore, #tpu.memory_space<semaphore_mem>>)
    %scan3A_70 = arith.constant 0 : i32
    %scan3A_71 = arith.constant 0 : i32
    %scan3A_72 = arith.constant 24 : i32
    %scan3A_73 = arith.addi %scan3A_71, %scan3A_72 : i32
    %scan3A_74 = arith.constant 1 : i32
    scf.for %scan3A_98 = %scan3A_71 to %scan3A_73 step %scan3A_74  : i32 {
      %mul3A_99 = arith.constant 2 : i32
      %mul3A_100 = arith.muli %mul3A_99, %scan3A_98 : i32
      %add3A_101 = arith.constant 1 : i32
      %add3A_102 = arith.addi %add3A_101, %mul3A_100 : i32
      %mul3A_103 = arith.constant 2 : i32
      %mul3A_104 = arith.muli %mul3A_103, %scan3A_98 : i32
      %add3A_105 = arith.constant 2 : i32
      %add3A_106 = arith.addi %add3A_105, %mul3A_104 : i32
      %mul3A_107 = arith.constant 4 : i32
      %mul3A_108 = arith.muli %add3A_102, %mul3A_107 : i32
      %sub3A_109 = arith.constant 4 : i32
      %sub3A_110 = arith.subi %add3A_8, %sub3A_109 : i32
      %min3A_111 = arith.minsi %mul3A_108, %sub3A_110 : i32
      %add3A_112 = arith.addi %add3A_4, %min3A_111 : i32
      %mul3A_113 = arith.constant 128 : i32
      %mul3A_114 = arith.muli %mul3A_113, %add3A_112 : i32
      %dma_wait3A_115 = arith.constant 1 : i32
      %dma_wait3A_116 = arith.constant 0 : i32
      %dma_wait3A_117 = tpu.memref_slice %arg5[%dma_wait3A_115, %dma_wait3A_116] : memref<2x512xi32, #tpu.memory_space<vmem>> -> memref<1x512xi32, #tpu.memory_space<vmem>>
      %dma_wait3A_118 = tpu.memref_squeeze %dma_wait3A_117 : memref<1x512xi32, #tpu.memory_space<vmem>> -> memref<512xi32, #tpu.memory_space<vmem>>
      %dma_wait3A_119 = tpu.memref_slice %arg2[%mul3A_114] : memref<800000xi32, #tpu.memory_space<hbm>> -> memref<512xi32, #tpu.memory_space<hbm>>
      %dma_wait3A_120 = arith.constant 0 : i32
      %dma_wait3A_121 = tpu.memref_slice %arg5[%dma_wait3A_115, %dma_wait3A_120] : memref<2x512xi32, #tpu.memory_space<vmem>> -> memref<1x512xi32, #tpu.memory_space<vmem>>
      %dma_wait3A_122 = tpu.memref_squeeze %dma_wait3A_121 : memref<1x512xi32, #tpu.memory_space<vmem>> -> memref<512xi32, #tpu.memory_space<vmem>>
      %dma_wait3A_123 = tpu.memref_slice %arg2[%mul3A_114] : memref<800000xi32, #tpu.memory_space<hbm>> -> memref<512xi32, #tpu.memory_space<hbm>>
      tpu.wait_dma2 semaphore(%arg10 : memref<!tpu.dma_semaphore, #tpu.memory_space<semaphore_mem>>) src(%dma_wait3A_123 : memref<512xi32, #tpu.memory_space<hbm>>) dst(%dma_wait3A_122 : memref<512xi32, #tpu.memory_space<vmem>>)
      %mul3A_124 = arith.constant 4 : i32
      %mul3A_125 = arith.muli %add3A_106, %mul3A_124 : i32
      %sub3A_126 = arith.constant 4 : i32
      %sub3A_127 = arith.subi %add3A_8, %sub3A_126 : i32
      %min3A_128 = arith.minsi %mul3A_125, %sub3A_127 : i32
      %add3A_129 = arith.addi %add3A_4, %min3A_128 : i32
      %mul3A_130 = arith.constant 128 : i32
      %mul3A_131 = arith.muli %mul3A_130, %add3A_129 : i32
      %dma_start3A_132 = arith.constant 0 : i32
      %dma_start3A_133 = arith.constant 0 : i32
      %dma_start3A_134 = tpu.memref_slice %arg5[%dma_start3A_132, %dma_start3A_133] : memref<2x512xi32, #tpu.memory_space<vmem>> -> memref<1x512xi32, #tpu.memory_space<vmem>>
      %dma_start3A_135 = tpu.memref_squeeze %dma_start3A_134 : memref<1x512xi32, #tpu.memory_space<vmem>> -> memref<512xi32, #tpu.memory_space<vmem>>
      %dma_start3A_136 = tpu.memref_slice %arg2[%mul3A_131] : memref<800000xi32, #tpu.memory_space<hbm>> -> memref<512xi32, #tpu.memory_space<hbm>>
      %dma_start3A_137 = arith.constant 0 : i32
      %dma_start3A_138 = tpu.memref_slice %arg5[%dma_start3A_132, %dma_start3A_137] : memref<2x512xi32, #tpu.memory_space<vmem>> -> memref<1x512xi32, #tpu.memory_space<vmem>>
      %dma_start3A_139 = tpu.memref_squeeze %dma_start3A_138 : memref<1x512xi32, #tpu.memory_space<vmem>> -> memref<512xi32, #tpu.memory_space<vmem>>
      %dma_start3A_140 = tpu.memref_slice %arg2[%mul3A_131] : memref<800000xi32, #tpu.memory_space<hbm>> -> memref<512xi32, #tpu.memory_space<hbm>>
      tpu.enqueue_dma source(%dma_start3A_140 : memref<512xi32, #tpu.memory_space<hbm>>) target(%dma_start3A_139 : memref<512xi32, #tpu.memory_space<vmem>>) target_semaphore(%arg9 : memref<!tpu.dma_semaphore, #tpu.memory_space<semaphore_mem>>)
      %gt3A = arith.constant 0 : i32
      %gt3A_141 = arith.cmpi sgt, %scan3A_98, %gt3A : i32
      %convert_element_type3A = arith.extui %gt3A_141 : i1 to i32
      %cond3A = arith.constant 0 : i32
      %cond3A_142 = arith.cmpi ne, %convert_element_type3A, %cond3A : i32
      scf.if %cond3A_142 {
        %sub3A_217 = arith.constant 2 : i32
        %sub3A_218 = arith.subi %add3A_102, %sub3A_217 : i32
        %mul3A_219 = arith.constant 4 : i32
        %mul3A_220 = arith.muli %sub3A_218, %mul3A_219 : i32
        %sub3A_221 = arith.constant 4 : i32
        %sub3A_222 = arith.subi %add3A_8, %sub3A_221 : i32
        %min3A_223 = arith.minsi %mul3A_220, %sub3A_222 : i32
        %add3A_224 = arith.addi %add3A_4, %min3A_223 : i32
        %mul3A_225 = arith.constant 128 : i32
        %mul3A_226 = arith.muli %mul3A_225, %add3A_224 : i32
        %dma_wait3A_227 = arith.constant 0 : i32
        %dma_wait3A_228 = tpu.memref_slice %arg4[%dma_wait3A_227, %mul3A_226] : memref<64x800000xf32, #tpu.memory_space<hbm>> -> memref<64x512xf32, #tpu.memory_space<hbm>>
        %dma_wait3A_229 = arith.constant 0 : i32
        %dma_wait3A_230 = tpu.memref_slice %arg4[%dma_wait3A_229, %mul3A_226] : memref<64x800000xf32, #tpu.memory_space<hbm>> -> memref<64x512xf32, #tpu.memory_space<hbm>>
        tpu.wait_dma2 semaphore(%arg12 : memref<!tpu.dma_semaphore, #tpu.memory_space<semaphore_mem>>) src(%arg7 : memref<64x512xf32, #tpu.memory_space<vmem>>) dst(%dma_wait3A_230 : memref<64x512xf32, #tpu.memory_space<hbm>>)
      } else {
      }
      %scan3A_143 = arith.constant 0 : i32
      %scan3A_144 = arith.constant 0 : i32
      %scan3A_145 = arith.constant 32 : i32
      %scan3A_146 = arith.addi %scan3A_144, %scan3A_145 : i32
      %scan3A_147 = arith.constant 1 : i32
      scf.for %scan3A_217 = %scan3A_144 to %scan3A_146 step %scan3A_147  : i32 {
        %mul3A_218 = arith.constant 16 : i32
        %mul3A_219 = arith.muli %scan3A_217, %mul3A_218 : i32
        %get3A = arith.constant 1 : i32
        %get3A_220 = arith.index_cast %get3A : i32 to index
        %get3A_221 = arith.index_cast %mul3A_219 : i32 to index
        %get3A_222 = tpu.vector_load %arg5[%get3A_220, %get3A_221] {strides = array<i32>} : memref<2x512xi32, #tpu.memory_space<vmem>>, vector<16xi32>,
        %add3A_223 = arith.constant 0 : i32
        %add3A_224 = vector.broadcast %add3A_223 : i32 to vector<16xi32>
        %add3A_225 = arith.addi %get3A_222, %add3A_224 : vector<16xi32>
        %gather3A = tpu.vector_load_idx %arg8[%add3A_225] : memref<1024xf32, #tpu.memory_space<vmem>>[vector<16xi32>], vector<16xf32>,
        %add3A_226 = arith.constant 16 : i32
        %add3A_227 = vector.broadcast %add3A_226 : i32 to vector<16xi32>
        %add3A_228 = arith.addi %get3A_222, %add3A_227 : vector<16xi32>
        %gather3A_229 = tpu.vector_load_idx %arg8[%add3A_228] : memref<1024xf32, #tpu.memory_space<vmem>>[vector<16xi32>], vector<16xf32>,
        %add3A_230 = arith.constant 32 : i32
        %add3A_231 = vector.broadcast %add3A_230 : i32 to vector<16xi32>
        %add3A_232 = arith.addi %get3A_222, %add3A_231 : vector<16xi32>
        %gather3A_233 = tpu.vector_load_idx %arg8[%add3A_232] : memref<1024xf32, #tpu.memory_space<vmem>>[vector<16xi32>], vector<16xf32>,
        %add3A_234 = arith.constant 48 : i32
        %add3A_235 = vector.broadcast %add3A_234 : i32 to vector<16xi32>
        %add3A_236 = arith.addi %get3A_222, %add3A_235 : vector<16xi32>
        %gather3A_237 = tpu.vector_load_idx %arg8[%add3A_236] : memref<1024xf32, #tpu.memory_space<vmem>>[vector<16xi32>], vector<16xf32>,
        %add3A_238 = arith.constant 64 : i32
        %add3A_239 = vector.broadcast %add3A_238 : i32 to vector<16xi32>
        %add3A_240 = arith.addi %get3A_222, %add3A_239 : vector<16xi32>
        %gather3A_241 = tpu.vector_load_idx %arg8[%add3A_240] : memref<1024xf32, #tpu.memory_space<vmem>>[vector<16xi32>], vector<16xf32>,
        %add3A_242 = arith.constant 80 : i32
        %add3A_243 = vector.broadcast %add3A_242 : i32 to vector<16xi32>
        %add3A_244 = arith.addi %get3A_222, %add3A_243 : vector<16xi32>
        %gather3A_245 = tpu.vector_load_idx %arg8[%add3A_244] : memref<1024xf32, #tpu.memory_space<vmem>>[vector<16xi32>], vector<16xf32>,
        %add3A_246 = arith.constant 96 : i32
        %add3A_247 = vector.broadcast %add3A_246 : i32 to vector<16xi32>
        %add3A_248 = arith.addi %get3A_222, %add3A_247 : vector<16xi32>
        %gather3A_249 = tpu.vector_load_idx %arg8[%add3A_248] : memref<1024xf32, #tpu.memory_space<vmem>>[vector<16xi32>], vector<16xf32>,
        %add3A_250 = arith.constant 112 : i32
        %add3A_251 = vector.broadcast %add3A_250 : i32 to vector<16xi32>
        %add3A_252 = arith.addi %get3A_222, %add3A_251 : vector<16xi32>
        %gather3A_253 = tpu.vector_load_idx %arg8[%add3A_252] : memref<1024xf32, #tpu.memory_space<vmem>>[vector<16xi32>], vector<16xf32>,
        %swap3A = arith.constant 0 : i32
        %swap3A_254 = arith.index_cast %swap3A : i32 to index
        %swap3A_255 = arith.index_cast %mul3A_219 : i32 to index
        %swap3A_256 = tpu.vector_load %arg7[%swap3A_254, %swap3A_255] {strides = array<i32>} : memref<64x512xf32, #tpu.memory_space<vmem>>, vector<16xf32>,
        tpu.vector_store %arg7[%swap3A_254, %swap3A_255], %gather3A {strides = array<i32>} : memref<64x512xf32, #tpu.memory_space<vmem>>, vector<16xf32>,
        %swap3A_257 = arith.constant 1 : i32
        %swap3A_258 = arith.index_cast %swap3A_257 : i32 to index
        %swap3A_259 = arith.index_cast %mul3A_219 : i32 to index
        %swap3A_260 = tpu.vector_load %arg7[%swap3A_258, %swap3A_259] {strides = array<i32>} : memref<64x512xf32, #tpu.memory_space<vmem>>, vector<16xf32>,
        tpu.vector_store %arg7[%swap3A_258, %swap3A_259], %gather3A_229 {strides = array<i32>} : memref<64x512xf32, #tpu.memory_space<vmem>>, vector<16xf32>,
        %swap3A_261 = arith.constant 2 : i32
        %swap3A_262 = arith.index_cast %swap3A_261 : i32 to index
        %swap3A_263 = arith.index_cast %mul3A_219 : i32 to index
        %swap3A_264 = tpu.vector_load %arg7[%swap3A_262, %swap3A_263] {strides = array<i32>} : memref<64x512xf32, #tpu.memory_space<vmem>>, vector<16xf32>,
        tpu.vector_store %arg7[%swap3A_262, %swap3A_263], %gather3A_233 {strides = array<i32>} : memref<64x512xf32, #tpu.memory_space<vmem>>, vector<16xf32>,
        %swap3A_265 = arith.constant 3 : i32
        %swap3A_266 = arith.index_cast %swap3A_265 : i32 to index
        %swap3A_267 = arith.index_cast %mul3A_219 : i32 to index
        %swap3A_268 = tpu.vector_load %arg7[%swap3A_266, %swap3A_267] {strides = array<i32>} : memref<64x512xf32, #tpu.memory_space<vmem>>, vector<16xf32>,
        tpu.vector_store %arg7[%swap3A_266, %swap3A_267], %gather3A_237 {strides = array<i32>} : memref<64x512xf32, #tpu.memory_space<vmem>>, vector<16xf32>,
        %swap3A_269 = arith.constant 4 : i32
        %swap3A_270 = arith.index_cast %swap3A_269 : i32 to index
        %swap3A_271 = arith.index_cast %mul3A_219 : i32 to index
        %swap3A_272 = tpu.vector_load %arg7[%swap3A_270, %swap3A_271] {strides = array<i32>} : memref<64x512xf32, #tpu.memory_space<vmem>>, vector<16xf32>,
        tpu.vector_store %arg7[%swap3A_270, %swap3A_271], %gather3A_241 {strides = array<i32>} : memref<64x512xf32, #tpu.memory_space<vmem>>, vector<16xf32>,
        %swap3A_273 = arith.constant 5 : i32
        %swap3A_274 = arith.index_cast %swap3A_273 : i32 to index
        %swap3A_275 = arith.index_cast %mul3A_219 : i32 to index
        %swap3A_276 = tpu.vector_load %arg7[%swap3A_274, %swap3A_275] {strides = array<i32>} : memref<64x512xf32, #tpu.memory_space<vmem>>, vector<16xf32>,
        tpu.vector_store %arg7[%swap3A_274, %swap3A_275], %gather3A_245 {strides = array<i32>} : memref<64x512xf32, #tpu.memory_space<vmem>>, vector<16xf32>,
        %swap3A_277 = arith.constant 6 : i32
        %swap3A_278 = arith.index_cast %swap3A_277 : i32 to index
        %swap3A_279 = arith.index_cast %mul3A_219 : i32 to index
        %swap3A_280 = tpu.vector_load %arg7[%swap3A_278, %swap3A_279] {strides = array<i32>} : memref<64x512xf32, #tpu.memory_space<vmem>>, vector<16xf32>,
        tpu.vector_store %arg7[%swap3A_278, %swap3A_279], %gather3A_249 {strides = array<i32>} : memref<64x512xf32, #tpu.memory_space<vmem>>, vector<16xf32>,
        %swap3A_281 = arith.constant 7 : i32
        %swap3A_282 = arith.index_cast %swap3A_281 : i32 to index
        %swap3A_283 = arith.index_cast %mul3A_219 : i32 to index
        %swap3A_284 = tpu.vector_load %arg7[%swap3A_282, %swap3A_283] {strides = array<i32>} : memref<64x512xf32, #tpu.memory_space<vmem>>, vector<16xf32>,
        tpu.vector_store %arg7[%swap3A_282, %swap3A_283], %gather3A_253 {strides = array<i32>} : memref<64x512xf32, #tpu.memory_space<vmem>>, vector<16xf32>,
        %add3A_285 = arith.constant 128 : i32
        %add3A_286 = vector.broadcast %add3A_285 : i32 to vector<16xi32>
        %add3A_287 = arith.addi %get3A_222, %add3A_286 : vector<16xi32>
        %gather3A_288 = tpu.vector_load_idx %arg8[%add3A_287] : memref<1024xf32, #tpu.memory_space<vmem>>[vector<16xi32>], vector<16xf32>,
        %add3A_289 = arith.constant 144 : i32
        %add3A_290 = vector.broadcast %add3A_289 : i32 to vector<16xi32>
        %add3A_291 = arith.addi %get3A_222, %add3A_290 : vector<16xi32>
        %gather3A_292 = tpu.vector_load_idx %arg8[%add3A_291] : memref<1024xf32, #tpu.memory_space<vmem>>[vector<16xi32>], vector<16xf32>,
        %add3A_293 = arith.constant 160 : i32
        %add3A_294 = vector.broadcast %add3A_293 : i32 to vector<16xi32>
        %add3A_295 = arith.addi %get3A_222, %add3A_294 : vector<16xi32>
        %gather3A_296 = tpu.vector_load_idx %arg8[%add3A_295] : memref<1024xf32, #tpu.memory_space<vmem>>[vector<16xi32>], vector<16xf32>,
        %add3A_297 = arith.constant 176 : i32
        %add3A_298 = vector.broadcast %add3A_297 : i32 to vector<16xi32>
        %add3A_299 = arith.addi %get3A_222, %add3A_298 : vector<16xi32>
        %gather3A_300 = tpu.vector_load_idx %arg8[%add3A_299] : memref<1024xf32, #tpu.memory_space<vmem>>[vector<16xi32>], vector<16xf32>,
        %add3A_301 = arith.constant 192 : i32
        %add3A_302 = vector.broadcast %add3A_301 : i32 to vector<16xi32>
        %add3A_303 = arith.addi %get3A_222, %add3A_302 : vector<16xi32>
        %gather3A_304 = tpu.vector_load_idx %arg8[%add3A_303] : memref<1024xf32, #tpu.memory_space<vmem>>[vector<16xi32>], vector<16xf32>,
        %add3A_305 = arith.constant 208 : i32
        %add3A_306 = vector.broadcast %add3A_305 : i32 to vector<16xi32>
        %add3A_307 = arith.addi %get3A_222, %add3A_306 : vector<16xi32>
        %gather3A_308 = tpu.vector_load_idx %arg8[%add3A_307] : memref<1024xf32, #tpu.memory_space<vmem>>[vector<16xi32>], vector<16xf32>,
        %add3A_309 = arith.constant 224 : i32
        %add3A_310 = vector.broadcast %add3A_309 : i32 to vector<16xi32>
        %add3A_311 = arith.addi %get3A_222, %add3A_310 : vector<16xi32>
        %gather3A_312 = tpu.vector_load_idx %arg8[%add3A_311] : memref<1024xf32, #tpu.memory_space<vmem>>[vector<16xi32>], vector<16xf32>,
        %add3A_313 = arith.constant 240 : i32
        %add3A_314 = vector.broadcast %add3A_313 : i32 to vector<16xi32>
        %add3A_315 = arith.addi %get3A_222, %add3A_314 : vector<16xi32>
        %gather3A_316 = tpu.vector_load_idx %arg8[%add3A_315] : memref<1024xf32, #tpu.memory_space<vmem>>[vector<16xi32>], vector<16xf32>,
        %swap3A_317 = arith.constant 8 : i32
        %swap3A_318 = arith.index_cast %swap3A_317 : i32 to index
        %swap3A_319 = arith.index_cast %mul3A_219 : i32 to index
        %swap3A_320 = tpu.vector_load %arg7[%swap3A_318, %swap3A_319] {strides = array<i32>} : memref<64x512xf32, #tpu.memory_space<vmem>>, vector<16xf32>,
        tpu.vector_store %arg7[%swap3A_318, %swap3A_319], %gather3A_288 {strides = array<i32>} : memref<64x512xf32, #tpu.memory_space<vmem>>, vector<16xf32>,
        %swap3A_321 = arith.constant 9 : i32
        %swap3A_322 = arith.index_cast %swap3A_321 : i32 to index
        %swap3A_323 = arith.index_cast %mul3A_219 : i32 to index
        %swap3A_324 = tpu.vector_load %arg7[%swap3A_322, %swap3A_323] {strides = array<i32>} : memref<64x512xf32, #tpu.memory_space<vmem>>, vector<16xf32>,
        tpu.vector_store %arg7[%swap3A_322, %swap3A_323], %gather3A_292 {strides = array<i32>} : memref<64x512xf32, #tpu.memory_space<vmem>>, vector<16xf32>,
        %swap3A_325 = arith.constant 10 : i32
        %swap3A_326 = arith.index_cast %swap3A_325 : i32 to index
        %swap3A_327 = arith.index_cast %mul3A_219 : i32 to index
        %swap3A_328 = tpu.vector_load %arg7[%swap3A_326, %swap3A_327] {strides = array<i32>} : memref<64x512xf32, #tpu.memory_space<vmem>>, vector<16xf32>,
        tpu.vector_store %arg7[%swap3A_326, %swap3A_327], %gather3A_296 {strides = array<i32>} : memref<64x512xf32, #tpu.memory_space<vmem>>, vector<16xf32>,
        %swap3A_329 = arith.constant 11 : i32
        %swap3A_330 = arith.index_cast %swap3A_329 : i32 to index
        %swap3A_331 = arith.index_cast %mul3A_219 : i32 to index
        %swap3A_332 = tpu.vector_load %arg7[%swap3A_330, %swap3A_331] {strides = array<i32>} : memref<64x512xf32, #tpu.memory_space<vmem>>, vector<16xf32>,
        tpu.vector_store %arg7[%swap3A_330, %swap3A_331], %gather3A_300 {strides = array<i32>} : memref<64x512xf32, #tpu.memory_space<vmem>>, vector<16xf32>,
        %swap3A_333 = arith.constant 12 : i32
        %swap3A_334 = arith.index_cast %swap3A_333 : i32 to index
        %swap3A_335 = arith.index_cast %mul3A_219 : i32 to index
        %swap3A_336 = tpu.vector_load %arg7[%swap3A_334, %swap3A_335] {strides = array<i32>} : memref<64x512xf32, #tpu.memory_space<vmem>>, vector<16xf32>,
        tpu.vector_store %arg7[%swap3A_334, %swap3A_335], %gather3A_304 {strides = array<i32>} : memref<64x512xf32, #tpu.memory_space<vmem>>, vector<16xf32>,
        %swap3A_337 = arith.constant 13 : i32
        %swap3A_338 = arith.index_cast %swap3A_337 : i32 to index
        %swap3A_339 = arith.index_cast %mul3A_219 : i32 to index
        %swap3A_340 = tpu.vector_load %arg7[%swap3A_338, %swap3A_339] {strides = array<i32>} : memref<64x512xf32, #tpu.memory_space<vmem>>, vector<16xf32>,
        tpu.vector_store %arg7[%swap3A_338, %swap3A_339], %gather3A_308 {strides = array<i32>} : memref<64x512xf32, #tpu.memory_space<vmem>>, vector<16xf32>,
        %swap3A_341 = arith.constant 14 : i32
        %swap3A_342 = arith.index_cast %swap3A_341 : i32 to index
        %swap3A_343 = arith.index_cast %mul3A_219 : i32 to index
        %swap3A_344 = tpu.vector_load %arg7[%swap3A_342, %swap3A_343] {strides = array<i32>} : memref<64x512xf32, #tpu.memory_space<vmem>>, vector<16xf32>,
        tpu.vector_store %arg7[%swap3A_342, %swap3A_343], %gather3A_312 {strides = array<i32>} : memref<64x512xf32, #tpu.memory_space<vmem>>, vector<16xf32>,
        %swap3A_345 = arith.constant 15 : i32
        %swap3A_346 = arith.index_cast %swap3A_345 : i32 to index
        %swap3A_347 = arith.index_cast %mul3A_219 : i32 to index
        %swap3A_348 = tpu.vector_load %arg7[%swap3A_346, %swap3A_347] {strides = array<i32>} : memref<64x512xf32, #tpu.memory_space<vmem>>, vector<16xf32>,
        tpu.vector_store %arg7[%swap3A_346, %swap3A_347], %gather3A_316 {strides = array<i32>} : memref<64x512xf32, #tpu.memory_space<vmem>>, vector<16xf32>,
        %add3A_349 = arith.constant 256 : i32
        %add3A_350 = vector.broadcast %add3A_349 : i32 to vector<16xi32>
        %add3A_351 = arith.addi %get3A_222, %add3A_350 : vector<16xi32>
        %gather3A_352 = tpu.vector_load_idx %arg8[%add3A_351] : memref<1024xf32, #tpu.memory_space<vmem>>[vector<16xi32>], vector<16xf32>,
        %add3A_353 = arith.constant 272 : i32
        %add3A_354 = vector.broadcast %add3A_353 : i32 to vector<16xi32>
        %add3A_355 = arith.addi %get3A_222, %add3A_354 : vector<16xi32>
        %gather3A_356 = tpu.vector_load_idx %arg8[%add3A_355] : memref<1024xf32, #tpu.memory_space<vmem>>[vector<16xi32>], vector<16xf32>,
        %add3A_357 = arith.constant 288 : i32
        %add3A_358 = vector.broadcast %add3A_357 : i32 to vector<16xi32>
        %add3A_359 = arith.addi %get3A_222, %add3A_358 : vector<16xi32>
        %gather3A_360 = tpu.vector_load_idx %arg8[%add3A_359] : memref<1024xf32, #tpu.memory_space<vmem>>[vector<16xi32>], vector<16xf32>,
        %add3A_361 = arith.constant 304 : i32
        %add3A_362 = vector.broadcast %add3A_361 : i32 to vector<16xi32>
        %add3A_363 = arith.addi %get3A_222, %add3A_362 : vector<16xi32>
        %gather3A_364 = tpu.vector_load_idx %arg8[%add3A_363] : memref<1024xf32, #tpu.memory_space<vmem>>[vector<16xi32>], vector<16xf32>,
        %add3A_365 = arith.constant 320 : i32
        %add3A_366 = vector.broadcast %add3A_365 : i32 to vector<16xi32>
        %add3A_367 = arith.addi %get3A_222, %add3A_366 : vector<16xi32>
        %gather3A_368 = tpu.vector_load_idx %arg8[%add3A_367] : memref<1024xf32, #tpu.memory_space<vmem>>[vector<16xi32>], vector<16xf32>,
        %add3A_369 = arith.constant 336 : i32
        %add3A_370 = vector.broadcast %add3A_369 : i32 to vector<16xi32>
        %add3A_371 = arith.addi %get3A_222, %add3A_370 : vector<16xi32>
        %gather3A_372 = tpu.vector_load_idx %arg8[%add3A_371] : memref<1024xf32, #tpu.memory_space<vmem>>[vector<16xi32>], vector<16xf32>,
        %add3A_373 = arith.constant 352 : i32
        %add3A_374 = vector.broadcast %add3A_373 : i32 to vector<16xi32>
        %add3A_375 = arith.addi %get3A_222, %add3A_374 : vector<16xi32>
        %gather3A_376 = tpu.vector_load_idx %arg8[%add3A_375] : memref<1024xf32, #tpu.memory_space<vmem>>[vector<16xi32>], vector<16xf32>,
        %add3A_377 = arith.constant 368 : i32
        %add3A_378 = vector.broadcast %add3A_377 : i32 to vector<16xi32>
        %add3A_379 = arith.addi %get3A_222, %add3A_378 : vector<16xi32>
        %gather3A_380 = tpu.vector_load_idx %arg8[%add3A_379] : memref<1024xf32, #tpu.memory_space<vmem>>[vector<16xi32>], vector<16xf32>,
        %swap3A_381 = arith.constant 16 : i32
        %swap3A_382 = arith.index_cast %swap3A_381 : i32 to index
        %swap3A_383 = arith.index_cast %mul3A_219 : i32 to index
        %swap3A_384 = tpu.vector_load %arg7[%swap3A_382, %swap3A_383] {strides = array<i32>} : memref<64x512xf32, #tpu.memory_space<vmem>>, vector<16xf32>,
        tpu.vector_store %arg7[%swap3A_382, %swap3A_383], %gather3A_352 {strides = array<i32>} : memref<64x512xf32, #tpu.memory_space<vmem>>, vector<16xf32>,
        %swap3A_385 = arith.constant 17 : i32
        %swap3A_386 = arith.index_cast %swap3A_385 : i32 to index
        %swap3A_387 = arith.index_cast %mul3A_219 : i32 to index
        %swap3A_388 = tpu.vector_load %arg7[%swap3A_386, %swap3A_387] {strides = array<i32>} : memref<64x512xf32, #tpu.memory_space<vmem>>, vector<16xf32>,
        tpu.vector_store %arg7[%swap3A_386, %swap3A_387], %gather3A_356 {strides = array<i32>} : memref<64x512xf32, #tpu.memory_space<vmem>>, vector<16xf32>,
        %swap3A_389 = arith.constant 18 : i32
        %swap3A_390 = arith.index_cast %swap3A_389 : i32 to index
        %swap3A_391 = arith.index_cast %mul3A_219 : i32 to index
        %swap3A_392 = tpu.vector_load %arg7[%swap3A_390, %swap3A_391] {strides = array<i32>} : memref<64x512xf32, #tpu.memory_space<vmem>>, vector<16xf32>,
        tpu.vector_store %arg7[%swap3A_390, %swap3A_391], %gather3A_360 {strides = array<i32>} : memref<64x512xf32, #tpu.memory_space<vmem>>, vector<16xf32>,
        %swap3A_393 = arith.constant 19 : i32
        %swap3A_394 = arith.index_cast %swap3A_393 : i32 to index
        %swap3A_395 = arith.index_cast %mul3A_219 : i32 to index
        %swap3A_396 = tpu.vector_load %arg7[%swap3A_394, %swap3A_395] {strides = array<i32>} : memref<64x512xf32, #tpu.memory_space<vmem>>, vector<16xf32>,
        tpu.vector_store %arg7[%swap3A_394, %swap3A_395], %gather3A_364 {strides = array<i32>} : memref<64x512xf32, #tpu.memory_space<vmem>>, vector<16xf32>,
        %swap3A_397 = arith.constant 20 : i32
        %swap3A_398 = arith.index_cast %swap3A_397 : i32 to index
        %swap3A_399 = arith.index_cast %mul3A_219 : i32 to index
        %swap3A_400 = tpu.vector_load %arg7[%swap3A_398, %swap3A_399] {strides = array<i32>} : memref<64x512xf32, #tpu.memory_space<vmem>>, vector<16xf32>,
        tpu.vector_store %arg7[%swap3A_398, %swap3A_399], %gather3A_368 {strides = array<i32>} : memref<64x512xf32, #tpu.memory_space<vmem>>, vector<16xf32>,
        %swap3A_401 = arith.constant 21 : i32
        %swap3A_402 = arith.index_cast %swap3A_401 : i32 to index
        %swap3A_403 = arith.index_cast %mul3A_219 : i32 to index
        %swap3A_404 = tpu.vector_load %arg7[%swap3A_402, %swap3A_403] {strides = array<i32>} : memref<64x512xf32, #tpu.memory_space<vmem>>, vector<16xf32>,
        tpu.vector_store %arg7[%swap3A_402, %swap3A_403], %gather3A_372 {strides = array<i32>} : memref<64x512xf32, #tpu.memory_space<vmem>>, vector<16xf32>,
        %swap3A_405 = arith.constant 22 : i32
        %swap3A_406 = arith.index_cast %swap3A_405 : i32 to index
        %swap3A_407 = arith.index_cast %mul3A_219 : i32 to index
        %swap3A_408 = tpu.vector_load %arg7[%swap3A_406, %swap3A_407] {strides = array<i32>} : memref<64x512xf32, #tpu.memory_space<vmem>>, vector<16xf32>,
        tpu.vector_store %arg7[%swap3A_406, %swap3A_407], %gather3A_376 {strides = array<i32>} : memref<64x512xf32, #tpu.memory_space<vmem>>, vector<16xf32>,
        %swap3A_409 = arith.constant 23 : i32
        %swap3A_410 = arith.index_cast %swap3A_409 : i32 to index
        %swap3A_411 = arith.index_cast %mul3A_219 : i32 to index
        %swap3A_412 = tpu.vector_load %arg7[%swap3A_410, %swap3A_411] {strides = array<i32>} : memref<64x512xf32, #tpu.memory_space<vmem>>, vector<16xf32>,
        tpu.vector_store %arg7[%swap3A_410, %swap3A_411], %gather3A_380 {strides = array<i32>} : memref<64x512xf32, #tpu.memory_space<vmem>>, vector<16xf32>,
        %add3A_413 = arith.constant 384 : i32
        %add3A_414 = vector.broadcast %add3A_413 : i32 to vector<16xi32>
        %add3A_415 = arith.addi %get3A_222, %add3A_414 : vector<16xi32>
        %gather3A_416 = tpu.vector_load_idx %arg8[%add3A_415] : memref<1024xf32, #tpu.memory_space<vmem>>[vector<16xi32>], vector<16xf32>,
        %add3A_417 = arith.constant 400 : i32
        %add3A_418 = vector.broadcast %add3A_417 : i32 to vector<16xi32>
        %add3A_419 = arith.addi %get3A_222, %add3A_418 : vector<16xi32>
        %gather3A_420 = tpu.vector_load_idx %arg8[%add3A_419] : memref<1024xf32, #tpu.memory_space<vmem>>[vector<16xi32>], vector<16xf32>,
        %add3A_421 = arith.constant 416 : i32
        %add3A_422 = vector.broadcast %add3A_421 : i32 to vector<16xi32>
        %add3A_423 = arith.addi %get3A_222, %add3A_422 : vector<16xi32>
        %gather3A_424 = tpu.vector_load_idx %arg8[%add3A_423] : memref<1024xf32, #tpu.memory_space<vmem>>[vector<16xi32>], vector<16xf32>,
        %add3A_425 = arith.constant 432 : i32
        %add3A_426 = vector.broadcast %add3A_425 : i32 to vector<16xi32>
        %add3A_427 = arith.addi %get3A_222, %add3A_426 : vector<16xi32>
        %gather3A_428 = tpu.vector_load_idx %arg8[%add3A_427] : memref<1024xf32, #tpu.memory_space<vmem>>[vector<16xi32>], vector<16xf32>,
        %add3A_429 = arith.constant 448 : i32
        %add3A_430 = vector.broadcast %add3A_429 : i32 to vector<16xi32>
        %add3A_431 = arith.addi %get3A_222, %add3A_430 : vector<16xi32>
        %gather3A_432 = tpu.vector_load_idx %arg8[%add3A_431] : memref<1024xf32, #tpu.memory_space<vmem>>[vector<16xi32>], vector<16xf32>,
        %add3A_433 = arith.constant 464 : i32
        %add3A_434 = vector.broadcast %add3A_433 : i32 to vector<16xi32>
        %add3A_435 = arith.addi %get3A_222, %add3A_434 : vector<16xi32>
        %gather3A_436 = tpu.vector_load_idx %arg8[%add3A_435] : memref<1024xf32, #tpu.memory_space<vmem>>[vector<16xi32>], vector<16xf32>,
        %add3A_437 = arith.constant 480 : i32
        %add3A_438 = vector.broadcast %add3A_437 : i32 to vector<16xi32>
        %add3A_439 = arith.addi %get3A_222, %add3A_438 : vector<16xi32>
        %gather3A_440 = tpu.vector_load_idx %arg8[%add3A_439] : memref<1024xf32, #tpu.memory_space<vmem>>[vector<16xi32>], vector<16xf32>,
        %add3A_441 = arith.constant 496 : i32
        %add3A_442 = vector.broadcast %add3A_441 : i32 to vector<16xi32>
        %add3A_443 = arith.addi %get3A_222, %add3A_442 : vector<16xi32>
        %gather3A_444 = tpu.vector_load_idx %arg8[%add3A_443] : memref<1024xf32, #tpu.memory_space<vmem>>[vector<16xi32>], vector<16xf32>,
        %swap3A_445 = arith.constant 24 : i32
        %swap3A_446 = arith.index_cast %swap3A_445 : i32 to index
        %swap3A_447 = arith.index_cast %mul3A_219 : i32 to index
        %swap3A_448 = tpu.vector_load %arg7[%swap3A_446, %swap3A_447] {strides = array<i32>} : memref<64x512xf32, #tpu.memory_space<vmem>>, vector<16xf32>,
        tpu.vector_store %arg7[%swap3A_446, %swap3A_447], %gather3A_416 {strides = array<i32>} : memref<64x512xf32, #tpu.memory_space<vmem>>, vector<16xf32>,
        %swap3A_449 = arith.constant 25 : i32
        %swap3A_450 = arith.index_cast %swap3A_449 : i32 to index
        %swap3A_451 = arith.index_cast %mul3A_219 : i32 to index
        %swap3A_452 = tpu.vector_load %arg7[%swap3A_450, %swap3A_451] {strides = array<i32>} : memref<64x512xf32, #tpu.memory_space<vmem>>, vector<16xf32>,
        tpu.vector_store %arg7[%swap3A_450, %swap3A_451], %gather3A_420 {strides = array<i32>} : memref<64x512xf32, #tpu.memory_space<vmem>>, vector<16xf32>,
        %swap3A_453 = arith.constant 26 : i32
        %swap3A_454 = arith.index_cast %swap3A_453 : i32 to index
        %swap3A_455 = arith.index_cast %mul3A_219 : i32 to index
        %swap3A_456 = tpu.vector_load %arg7[%swap3A_454, %swap3A_455] {strides = array<i32>} : memref<64x512xf32, #tpu.memory_space<vmem>>, vector<16xf32>,
        tpu.vector_store %arg7[%swap3A_454, %swap3A_455], %gather3A_424 {strides = array<i32>} : memref<64x512xf32, #tpu.memory_space<vmem>>, vector<16xf32>,
        %swap3A_457 = arith.constant 27 : i32
        %swap3A_458 = arith.index_cast %swap3A_457 : i32 to index
        %swap3A_459 = arith.index_cast %mul3A_219 : i32 to index
        %swap3A_460 = tpu.vector_load %arg7[%swap3A_458, %swap3A_459] {strides = array<i32>} : memref<64x512xf32, #tpu.memory_space<vmem>>, vector<16xf32>,
        tpu.vector_store %arg7[%swap3A_458, %swap3A_459], %gather3A_428 {strides = array<i32>} : memref<64x512xf32, #tpu.memory_space<vmem>>, vector<16xf32>,
        %swap3A_461 = arith.constant 28 : i32
        %swap3A_462 = arith.index_cast %swap3A_461 : i32 to index
        %swap3A_463 = arith.index_cast %mul3A_219 : i32 to index
        %swap3A_464 = tpu.vector_load %arg7[%swap3A_462, %swap3A_463] {strides = array<i32>} : memref<64x512xf32, #tpu.memory_space<vmem>>, vector<16xf32>,
        tpu.vector_store %arg7[%swap3A_462, %swap3A_463], %gather3A_432 {strides = array<i32>} : memref<64x512xf32, #tpu.memory_space<vmem>>, vector<16xf32>,
        %swap3A_465 = arith.constant 29 : i32
        %swap3A_466 = arith.index_cast %swap3A_465 : i32 to index
        %swap3A_467 = arith.index_cast %mul3A_219 : i32 to index
        %swap3A_468 = tpu.vector_load %arg7[%swap3A_466, %swap3A_467] {strides = array<i32>} : memref<64x512xf32, #tpu.memory_space<vmem>>, vector<16xf32>,
        tpu.vector_store %arg7[%swap3A_466, %swap3A_467], %gather3A_436 {strides = array<i32>} : memref<64x512xf32, #tpu.memory_space<vmem>>, vector<16xf32>,
        %swap3A_469 = arith.constant 30 : i32
        %swap3A_470 = arith.index_cast %swap3A_469 : i32 to index
        %swap3A_471 = arith.index_cast %mul3A_219 : i32 to index
        %swap3A_472 = tpu.vector_load %arg7[%swap3A_470, %swap3A_471] {strides = array<i32>} : memref<64x512xf32, #tpu.memory_space<vmem>>, vector<16xf32>,
        tpu.vector_store %arg7[%swap3A_470, %swap3A_471], %gather3A_440 {strides = array<i32>} : memref<64x512xf32, #tpu.memory_space<vmem>>, vector<16xf32>,
        %swap3A_473 = arith.constant 31 : i32
        %swap3A_474 = arith.index_cast %swap3A_473 : i32 to index
        %swap3A_475 = arith.index_cast %mul3A_219 : i32 to index
        %swap3A_476 = tpu.vector_load %arg7[%swap3A_474, %swap3A_475] {strides = array<i32>} : memref<64x512xf32, #tpu.memory_space<vmem>>, vector<16xf32>,
        tpu.vector_store %arg7[%swap3A_474, %swap3A_475], %gather3A_444 {strides = array<i32>} : memref<64x512xf32, #tpu.memory_space<vmem>>, vector<16xf32>,
        %add3A_477 = arith.constant 512 : i32
        %add3A_478 = vector.broadcast %add3A_477 : i32 to vector<16xi32>
        %add3A_479 = arith.addi %get3A_222, %add3A_478 : vector<16xi32>
        %gather3A_480 = tpu.vector_load_idx %arg8[%add3A_479] : memref<1024xf32, #tpu.memory_space<vmem>>[vector<16xi32>], vector<16xf32>,
        %add3A_481 = arith.constant 528 : i32
        %add3A_482 = vector.broadcast %add3A_481 : i32 to vector<16xi32>
        %add3A_483 = arith.addi %get3A_222, %add3A_482 : vector<16xi32>
        %gather3A_484 = tpu.vector_load_idx %arg8[%add3A_483] : memref<1024xf32, #tpu.memory_space<vmem>>[vector<16xi32>], vector<16xf32>,
        %add3A_485 = arith.constant 544 : i32
        %add3A_486 = vector.broadcast %add3A_485 : i32 to vector<16xi32>
        %add3A_487 = arith.addi %get3A_222, %add3A_486 : vector<16xi32>
        %gather3A_488 = tpu.vector_load_idx %arg8[%add3A_487] : memref<1024xf32, #tpu.memory_space<vmem>>[vector<16xi32>], vector<16xf32>,
        %add3A_489 = arith.constant 560 : i32
        %add3A_490 = vector.broadcast %add3A_489 : i32 to vector<16xi32>
        %add3A_491 = arith.addi %get3A_222, %add3A_490 : vector<16xi32>
        %gather3A_492 = tpu.vector_load_idx %arg8[%add3A_491] : memref<1024xf32, #tpu.memory_space<vmem>>[vector<16xi32>], vector<16xf32>,
        %add3A_493 = arith.constant 576 : i32
        %add3A_494 = vector.broadcast %add3A_493 : i32 to vector<16xi32>
        %add3A_495 = arith.addi %get3A_222, %add3A_494 : vector<16xi32>
        %gather3A_496 = tpu.vector_load_idx %arg8[%add3A_495] : memref<1024xf32, #tpu.memory_space<vmem>>[vector<16xi32>], vector<16xf32>,
        %add3A_497 = arith.constant 592 : i32
        %add3A_498 = vector.broadcast %add3A_497 : i32 to vector<16xi32>
        %add3A_499 = arith.addi %get3A_222, %add3A_498 : vector<16xi32>
        %gather3A_500 = tpu.vector_load_idx %arg8[%add3A_499] : memref<1024xf32, #tpu.memory_space<vmem>>[vector<16xi32>], vector<16xf32>,
        %add3A_501 = arith.constant 608 : i32
        %add3A_502 = vector.broadcast %add3A_501 : i32 to vector<16xi32>
        %add3A_503 = arith.addi %get3A_222, %add3A_502 : vector<16xi32>
        %gather3A_504 = tpu.vector_load_idx %arg8[%add3A_503] : memref<1024xf32, #tpu.memory_space<vmem>>[vector<16xi32>], vector<16xf32>,
        %add3A_505 = arith.constant 624 : i32
        %add3A_506 = vector.broadcast %add3A_505 : i32 to vector<16xi32>
        %add3A_507 = arith.addi %get3A_222, %add3A_506 : vector<16xi32>
        %gather3A_508 = tpu.vector_load_idx %arg8[%add3A_507] : memref<1024xf32, #tpu.memory_space<vmem>>[vector<16xi32>], vector<16xf32>,
        %swap3A_509 = arith.constant 32 : i32
        %swap3A_510 = arith.index_cast %swap3A_509 : i32 to index
        %swap3A_511 = arith.index_cast %mul3A_219 : i32 to index
        %swap3A_512 = tpu.vector_load %arg7[%swap3A_510, %swap3A_511] {strides = array<i32>} : memref<64x512xf32, #tpu.memory_space<vmem>>, vector<16xf32>,
        tpu.vector_store %arg7[%swap3A_510, %swap3A_511], %gather3A_480 {strides = array<i32>} : memref<64x512xf32, #tpu.memory_space<vmem>>, vector<16xf32>,
        %swap3A_513 = arith.constant 33 : i32
        %swap3A_514 = arith.index_cast %swap3A_513 : i32 to index
        %swap3A_515 = arith.index_cast %mul3A_219 : i32 to index
        %swap3A_516 = tpu.vector_load %arg7[%swap3A_514, %swap3A_515] {strides = array<i32>} : memref<64x512xf32, #tpu.memory_space<vmem>>, vector<16xf32>,
        tpu.vector_store %arg7[%swap3A_514, %swap3A_515], %gather3A_484 {strides = array<i32>} : memref<64x512xf32, #tpu.memory_space<vmem>>, vector<16xf32>,
        %swap3A_517 = arith.constant 34 : i32
        %swap3A_518 = arith.index_cast %swap3A_517 : i32 to index
        %swap3A_519 = arith.index_cast %mul3A_219 : i32 to index
        %swap3A_520 = tpu.vector_load %arg7[%swap3A_518, %swap3A_519] {strides = array<i32>} : memref<64x512xf32, #tpu.memory_space<vmem>>, vector<16xf32>,
        tpu.vector_store %arg7[%swap3A_518, %swap3A_519], %gather3A_488 {strides = array<i32>} : memref<64x512xf32, #tpu.memory_space<vmem>>, vector<16xf32>,
        %swap3A_521 = arith.constant 35 : i32
        %swap3A_522 = arith.index_cast %swap3A_521 : i32 to index
        %swap3A_523 = arith.index_cast %mul3A_219 : i32 to index
        %swap3A_524 = tpu.vector_load %arg7[%swap3A_522, %swap3A_523] {strides = array<i32>} : memref<64x512xf32, #tpu.memory_space<vmem>>, vector<16xf32>,
        tpu.vector_store %arg7[%swap3A_522, %swap3A_523], %gather3A_492 {strides = array<i32>} : memref<64x512xf32, #tpu.memory_space<vmem>>, vector<16xf32>,
        %swap3A_525 = arith.constant 36 : i32
        %swap3A_526 = arith.index_cast %swap3A_525 : i32 to index
        %swap3A_527 = arith.index_cast %mul3A_219 : i32 to index
        %swap3A_528 = tpu.vector_load %arg7[%swap3A_526, %swap3A_527] {strides = array<i32>} : memref<64x512xf32, #tpu.memory_space<vmem>>, vector<16xf32>,
        tpu.vector_store %arg7[%swap3A_526, %swap3A_527], %gather3A_496 {strides = array<i32>} : memref<64x512xf32, #tpu.memory_space<vmem>>, vector<16xf32>,
        %swap3A_529 = arith.constant 37 : i32
        %swap3A_530 = arith.index_cast %swap3A_529 : i32 to index
        %swap3A_531 = arith.index_cast %mul3A_219 : i32 to index
        %swap3A_532 = tpu.vector_load %arg7[%swap3A_530, %swap3A_531] {strides = array<i32>} : memref<64x512xf32, #tpu.memory_space<vmem>>, vector<16xf32>,
        tpu.vector_store %arg7[%swap3A_530, %swap3A_531], %gather3A_500 {strides = array<i32>} : memref<64x512xf32, #tpu.memory_space<vmem>>, vector<16xf32>,
        %swap3A_533 = arith.constant 38 : i32
        %swap3A_534 = arith.index_cast %swap3A_533 : i32 to index
        %swap3A_535 = arith.index_cast %mul3A_219 : i32 to index
        %swap3A_536 = tpu.vector_load %arg7[%swap3A_534, %swap3A_535] {strides = array<i32>} : memref<64x512xf32, #tpu.memory_space<vmem>>, vector<16xf32>,
        tpu.vector_store %arg7[%swap3A_534, %swap3A_535], %gather3A_504 {strides = array<i32>} : memref<64x512xf32, #tpu.memory_space<vmem>>, vector<16xf32>,
        %swap3A_537 = arith.constant 39 : i32
        %swap3A_538 = arith.index_cast %swap3A_537 : i32 to index
        %swap3A_539 = arith.index_cast %mul3A_219 : i32 to index
        %swap3A_540 = tpu.vector_load %arg7[%swap3A_538, %swap3A_539] {strides = array<i32>} : memref<64x512xf32, #tpu.memory_space<vmem>>, vector<16xf32>,
        tpu.vector_store %arg7[%swap3A_538, %swap3A_539], %gather3A_508 {strides = array<i32>} : memref<64x512xf32, #tpu.memory_space<vmem>>, vector<16xf32>,
        %add3A_541 = arith.constant 640 : i32
        %add3A_542 = vector.broadcast %add3A_541 : i32 to vector<16xi32>
        %add3A_543 = arith.addi %get3A_222, %add3A_542 : vector<16xi32>
        %gather3A_544 = tpu.vector_load_idx %arg8[%add3A_543] : memref<1024xf32, #tpu.memory_space<vmem>>[vector<16xi32>], vector<16xf32>,
        %add3A_545 = arith.constant 656 : i32
        %add3A_546 = vector.broadcast %add3A_545 : i32 to vector<16xi32>
        %add3A_547 = arith.addi %get3A_222, %add3A_546 : vector<16xi32>
        %gather3A_548 = tpu.vector_load_idx %arg8[%add3A_547] : memref<1024xf32, #tpu.memory_space<vmem>>[vector<16xi32>], vector<16xf32>,
        %add3A_549 = arith.constant 672 : i32
        %add3A_550 = vector.broadcast %add3A_549 : i32 to vector<16xi32>
        %add3A_551 = arith.addi %get3A_222, %add3A_550 : vector<16xi32>
        %gather3A_552 = tpu.vector_load_idx %arg8[%add3A_551] : memref<1024xf32, #tpu.memory_space<vmem>>[vector<16xi32>], vector<16xf32>,
        %add3A_553 = arith.constant 688 : i32
        %add3A_554 = vector.broadcast %add3A_553 : i32 to vector<16xi32>
        %add3A_555 = arith.addi %get3A_222, %add3A_554 : vector<16xi32>
        %gather3A_556 = tpu.vector_load_idx %arg8[%add3A_555] : memref<1024xf32, #tpu.memory_space<vmem>>[vector<16xi32>], vector<16xf32>,
        %add3A_557 = arith.constant 704 : i32
        %add3A_558 = vector.broadcast %add3A_557 : i32 to vector<16xi32>
        %add3A_559 = arith.addi %get3A_222, %add3A_558 : vector<16xi32>
        %gather3A_560 = tpu.vector_load_idx %arg8[%add3A_559] : memref<1024xf32, #tpu.memory_space<vmem>>[vector<16xi32>], vector<16xf32>,
        %add3A_561 = arith.constant 720 : i32
        %add3A_562 = vector.broadcast %add3A_561 : i32 to vector<16xi32>
        %add3A_563 = arith.addi %get3A_222, %add3A_562 : vector<16xi32>
        %gather3A_564 = tpu.vector_load_idx %arg8[%add3A_563] : memref<1024xf32, #tpu.memory_space<vmem>>[vector<16xi32>], vector<16xf32>,
        %add3A_565 = arith.constant 736 : i32
        %add3A_566 = vector.broadcast %add3A_565 : i32 to vector<16xi32>
        %add3A_567 = arith.addi %get3A_222, %add3A_566 : vector<16xi32>
        %gather3A_568 = tpu.vector_load_idx %arg8[%add3A_567] : memref<1024xf32, #tpu.memory_space<vmem>>[vector<16xi32>], vector<16xf32>,
        %add3A_569 = arith.constant 752 : i32
        %add3A_570 = vector.broadcast %add3A_569 : i32 to vector<16xi32>
        %add3A_571 = arith.addi %get3A_222, %add3A_570 : vector<16xi32>
        %gather3A_572 = tpu.vector_load_idx %arg8[%add3A_571] : memref<1024xf32, #tpu.memory_space<vmem>>[vector<16xi32>], vector<16xf32>,
        %swap3A_573 = arith.constant 40 : i32
        %swap3A_574 = arith.index_cast %swap3A_573 : i32 to index
        %swap3A_575 = arith.index_cast %mul3A_219 : i32 to index
        %swap3A_576 = tpu.vector_load %arg7[%swap3A_574, %swap3A_575] {strides = array<i32>} : memref<64x512xf32, #tpu.memory_space<vmem>>, vector<16xf32>,
        tpu.vector_store %arg7[%swap3A_574, %swap3A_575], %gather3A_544 {strides = array<i32>} : memref<64x512xf32, #tpu.memory_space<vmem>>, vector<16xf32>,
        %swap3A_577 = arith.constant 41 : i32
        %swap3A_578 = arith.index_cast %swap3A_577 : i32 to index
        %swap3A_579 = arith.index_cast %mul3A_219 : i32 to index
        %swap3A_580 = tpu.vector_load %arg7[%swap3A_578, %swap3A_579] {strides = array<i32>} : memref<64x512xf32, #tpu.memory_space<vmem>>, vector<16xf32>,
        tpu.vector_store %arg7[%swap3A_578, %swap3A_579], %gather3A_548 {strides = array<i32>} : memref<64x512xf32, #tpu.memory_space<vmem>>, vector<16xf32>,
        %swap3A_581 = arith.constant 42 : i32
        %swap3A_582 = arith.index_cast %swap3A_581 : i32 to index
        %swap3A_583 = arith.index_cast %mul3A_219 : i32 to index
        %swap3A_584 = tpu.vector_load %arg7[%swap3A_582, %swap3A_583] {strides = array<i32>} : memref<64x512xf32, #tpu.memory_space<vmem>>, vector<16xf32>,
        tpu.vector_store %arg7[%swap3A_582, %swap3A_583], %gather3A_552 {strides = array<i32>} : memref<64x512xf32, #tpu.memory_space<vmem>>, vector<16xf32>,
        %swap3A_585 = arith.constant 43 : i32
        %swap3A_586 = arith.index_cast %swap3A_585 : i32 to index
        %swap3A_587 = arith.index_cast %mul3A_219 : i32 to index
        %swap3A_588 = tpu.vector_load %arg7[%swap3A_586, %swap3A_587] {strides = array<i32>} : memref<64x512xf32, #tpu.memory_space<vmem>>, vector<16xf32>,
        tpu.vector_store %arg7[%swap3A_586, %swap3A_587], %gather3A_556 {strides = array<i32>} : memref<64x512xf32, #tpu.memory_space<vmem>>, vector<16xf32>,
        %swap3A_589 = arith.constant 44 : i32
        %swap3A_590 = arith.index_cast %swap3A_589 : i32 to index
        %swap3A_591 = arith.index_cast %mul3A_219 : i32 to index
        %swap3A_592 = tpu.vector_load %arg7[%swap3A_590, %swap3A_591] {strides = array<i32>} : memref<64x512xf32, #tpu.memory_space<vmem>>, vector<16xf32>,
        tpu.vector_store %arg7[%swap3A_590, %swap3A_591], %gather3A_560 {strides = array<i32>} : memref<64x512xf32, #tpu.memory_space<vmem>>, vector<16xf32>,
        %swap3A_593 = arith.constant 45 : i32
        %swap3A_594 = arith.index_cast %swap3A_593 : i32 to index
        %swap3A_595 = arith.index_cast %mul3A_219 : i32 to index
        %swap3A_596 = tpu.vector_load %arg7[%swap3A_594, %swap3A_595] {strides = array<i32>} : memref<64x512xf32, #tpu.memory_space<vmem>>, vector<16xf32>,
        tpu.vector_store %arg7[%swap3A_594, %swap3A_595], %gather3A_564 {strides = array<i32>} : memref<64x512xf32, #tpu.memory_space<vmem>>, vector<16xf32>,
        %swap3A_597 = arith.constant 46 : i32
        %swap3A_598 = arith.index_cast %swap3A_597 : i32 to index
        %swap3A_599 = arith.index_cast %mul3A_219 : i32 to index
        %swap3A_600 = tpu.vector_load %arg7[%swap3A_598, %swap3A_599] {strides = array<i32>} : memref<64x512xf32, #tpu.memory_space<vmem>>, vector<16xf32>,
        tpu.vector_store %arg7[%swap3A_598, %swap3A_599], %gather3A_568 {strides = array<i32>} : memref<64x512xf32, #tpu.memory_space<vmem>>, vector<16xf32>,
        %swap3A_601 = arith.constant 47 : i32
        %swap3A_602 = arith.index_cast %swap3A_601 : i32 to index
        %swap3A_603 = arith.index_cast %mul3A_219 : i32 to index
        %swap3A_604 = tpu.vector_load %arg7[%swap3A_602, %swap3A_603] {strides = array<i32>} : memref<64x512xf32, #tpu.memory_space<vmem>>, vector<16xf32>,
        tpu.vector_store %arg7[%swap3A_602, %swap3A_603], %gather3A_572 {strides = array<i32>} : memref<64x512xf32, #tpu.memory_space<vmem>>, vector<16xf32>,
        %add3A_605 = arith.constant 768 : i32
        %add3A_606 = vector.broadcast %add3A_605 : i32 to vector<16xi32>
        %add3A_607 = arith.addi %get3A_222, %add3A_606 : vector<16xi32>
        %gather3A_608 = tpu.vector_load_idx %arg8[%add3A_607] : memref<1024xf32, #tpu.memory_space<vmem>>[vector<16xi32>], vector<16xf32>,
        %add3A_609 = arith.constant 784 : i32
        %add3A_610 = vector.broadcast %add3A_609 : i32 to vector<16xi32>
        %add3A_611 = arith.addi %get3A_222, %add3A_610 : vector<16xi32>
        %gather3A_612 = tpu.vector_load_idx %arg8[%add3A_611] : memref<1024xf32, #tpu.memory_space<vmem>>[vector<16xi32>], vector<16xf32>,
        %add3A_613 = arith.constant 800 : i32
        %add3A_614 = vector.broadcast %add3A_613 : i32 to vector<16xi32>
        %add3A_615 = arith.addi %get3A_222, %add3A_614 : vector<16xi32>
        %gather3A_616 = tpu.vector_load_idx %arg8[%add3A_615] : memref<1024xf32, #tpu.memory_space<vmem>>[vector<16xi32>], vector<16xf32>,
        %add3A_617 = arith.constant 816 : i32
        %add3A_618 = vector.broadcast %add3A_617 : i32 to vector<16xi32>
        %add3A_619 = arith.addi %get3A_222, %add3A_618 : vector<16xi32>
        %gather3A_620 = tpu.vector_load_idx %arg8[%add3A_619] : memref<1024xf32, #tpu.memory_space<vmem>>[vector<16xi32>], vector<16xf32>,
        %add3A_621 = arith.constant 832 : i32
        %add3A_622 = vector.broadcast %add3A_621 : i32 to vector<16xi32>
        %add3A_623 = arith.addi %get3A_222, %add3A_622 : vector<16xi32>
        %gather3A_624 = tpu.vector_load_idx %arg8[%add3A_623] : memref<1024xf32, #tpu.memory_space<vmem>>[vector<16xi32>], vector<16xf32>,
        %add3A_625 = arith.constant 848 : i32
        %add3A_626 = vector.broadcast %add3A_625 : i32 to vector<16xi32>
        %add3A_627 = arith.addi %get3A_222, %add3A_626 : vector<16xi32>
        %gather3A_628 = tpu.vector_load_idx %arg8[%add3A_627] : memref<1024xf32, #tpu.memory_space<vmem>>[vector<16xi32>], vector<16xf32>,
        %add3A_629 = arith.constant 864 : i32
        %add3A_630 = vector.broadcast %add3A_629 : i32 to vector<16xi32>
        %add3A_631 = arith.addi %get3A_222, %add3A_630 : vector<16xi32>
        %gather3A_632 = tpu.vector_load_idx %arg8[%add3A_631] : memref<1024xf32, #tpu.memory_space<vmem>>[vector<16xi32>], vector<16xf32>,
        %add3A_633 = arith.constant 880 : i32
        %add3A_634 = vector.broadcast %add3A_633 : i32 to vector<16xi32>
        %add3A_635 = arith.addi %get3A_222, %add3A_634 : vector<16xi32>
        %gather3A_636 = tpu.vector_load_idx %arg8[%add3A_635] : memref<1024xf32, #tpu.memory_space<vmem>>[vector<16xi32>], vector<16xf32>,
        %swap3A_637 = arith.constant 48 : i32
        %swap3A_638 = arith.index_cast %swap3A_637 : i32 to index
        %swap3A_639 = arith.index_cast %mul3A_219 : i32 to index
        %swap3A_640 = tpu.vector_load %arg7[%swap3A_638, %swap3A_639] {strides = array<i32>} : memref<64x512xf32, #tpu.memory_space<vmem>>, vector<16xf32>,
        tpu.vector_store %arg7[%swap3A_638, %swap3A_639], %gather3A_608 {strides = array<i32>} : memref<64x512xf32, #tpu.memory_space<vmem>>, vector<16xf32>,
        %swap3A_641 = arith.constant 49 : i32
        %swap3A_642 = arith.index_cast %swap3A_641 : i32 to index
        %swap3A_643 = arith.index_cast %mul3A_219 : i32 to index
        %swap3A_644 = tpu.vector_load %arg7[%swap3A_642, %swap3A_643] {strides = array<i32>} : memref<64x512xf32, #tpu.memory_space<vmem>>, vector<16xf32>,
        tpu.vector_store %arg7[%swap3A_642, %swap3A_643], %gather3A_612 {strides = array<i32>} : memref<64x512xf32, #tpu.memory_space<vmem>>, vector<16xf32>,
        %swap3A_645 = arith.constant 50 : i32
        %swap3A_646 = arith.index_cast %swap3A_645 : i32 to index
        %swap3A_647 = arith.index_cast %mul3A_219 : i32 to index
        %swap3A_648 = tpu.vector_load %arg7[%swap3A_646, %swap3A_647] {strides = array<i32>} : memref<64x512xf32, #tpu.memory_space<vmem>>, vector<16xf32>,
        tpu.vector_store %arg7[%swap3A_646, %swap3A_647], %gather3A_616 {strides = array<i32>} : memref<64x512xf32, #tpu.memory_space<vmem>>, vector<16xf32>,
        %swap3A_649 = arith.constant 51 : i32
        %swap3A_650 = arith.index_cast %swap3A_649 : i32 to index
        %swap3A_651 = arith.index_cast %mul3A_219 : i32 to index
        %swap3A_652 = tpu.vector_load %arg7[%swap3A_650, %swap3A_651] {strides = array<i32>} : memref<64x512xf32, #tpu.memory_space<vmem>>, vector<16xf32>,
        tpu.vector_store %arg7[%swap3A_650, %swap3A_651], %gather3A_620 {strides = array<i32>} : memref<64x512xf32, #tpu.memory_space<vmem>>, vector<16xf32>,
        %swap3A_653 = arith.constant 52 : i32
        %swap3A_654 = arith.index_cast %swap3A_653 : i32 to index
        %swap3A_655 = arith.index_cast %mul3A_219 : i32 to index
        %swap3A_656 = tpu.vector_load %arg7[%swap3A_654, %swap3A_655] {strides = array<i32>} : memref<64x512xf32, #tpu.memory_space<vmem>>, vector<16xf32>,
        tpu.vector_store %arg7[%swap3A_654, %swap3A_655], %gather3A_624 {strides = array<i32>} : memref<64x512xf32, #tpu.memory_space<vmem>>, vector<16xf32>,
        %swap3A_657 = arith.constant 53 : i32
        %swap3A_658 = arith.index_cast %swap3A_657 : i32 to index
        %swap3A_659 = arith.index_cast %mul3A_219 : i32 to index
        %swap3A_660 = tpu.vector_load %arg7[%swap3A_658, %swap3A_659] {strides = array<i32>} : memref<64x512xf32, #tpu.memory_space<vmem>>, vector<16xf32>,
        tpu.vector_store %arg7[%swap3A_658, %swap3A_659], %gather3A_628 {strides = array<i32>} : memref<64x512xf32, #tpu.memory_space<vmem>>, vector<16xf32>,
        %swap3A_661 = arith.constant 54 : i32
        %swap3A_662 = arith.index_cast %swap3A_661 : i32 to index
        %swap3A_663 = arith.index_cast %mul3A_219 : i32 to index
        %swap3A_664 = tpu.vector_load %arg7[%swap3A_662, %swap3A_663] {strides = array<i32>} : memref<64x512xf32, #tpu.memory_space<vmem>>, vector<16xf32>,
        tpu.vector_store %arg7[%swap3A_662, %swap3A_663], %gather3A_632 {strides = array<i32>} : memref<64x512xf32, #tpu.memory_space<vmem>>, vector<16xf32>,
        %swap3A_665 = arith.constant 55 : i32
        %swap3A_666 = arith.index_cast %swap3A_665 : i32 to index
        %swap3A_667 = arith.index_cast %mul3A_219 : i32 to index
        %swap3A_668 = tpu.vector_load %arg7[%swap3A_666, %swap3A_667] {strides = array<i32>} : memref<64x512xf32, #tpu.memory_space<vmem>>, vector<16xf32>,
        tpu.vector_store %arg7[%swap3A_666, %swap3A_667], %gather3A_636 {strides = array<i32>} : memref<64x512xf32, #tpu.memory_space<vmem>>, vector<16xf32>,
        %add3A_669 = arith.constant 896 : i32
        %add3A_670 = vector.broadcast %add3A_669 : i32 to vector<16xi32>
        %add3A_671 = arith.addi %get3A_222, %add3A_670 : vector<16xi32>
        %gather3A_672 = tpu.vector_load_idx %arg8[%add3A_671] : memref<1024xf32, #tpu.memory_space<vmem>>[vector<16xi32>], vector<16xf32>,
        %add3A_673 = arith.constant 912 : i32
        %add3A_674 = vector.broadcast %add3A_673 : i32 to vector<16xi32>
        %add3A_675 = arith.addi %get3A_222, %add3A_674 : vector<16xi32>
        %gather3A_676 = tpu.vector_load_idx %arg8[%add3A_675] : memref<1024xf32, #tpu.memory_space<vmem>>[vector<16xi32>], vector<16xf32>,
        %add3A_677 = arith.constant 928 : i32
        %add3A_678 = vector.broadcast %add3A_677 : i32 to vector<16xi32>
        %add3A_679 = arith.addi %get3A_222, %add3A_678 : vector<16xi32>
        %gather3A_680 = tpu.vector_load_idx %arg8[%add3A_679] : memref<1024xf32, #tpu.memory_space<vmem>>[vector<16xi32>], vector<16xf32>,
        %add3A_681 = arith.constant 944 : i32
        %add3A_682 = vector.broadcast %add3A_681 : i32 to vector<16xi32>
        %add3A_683 = arith.addi %get3A_222, %add3A_682 : vector<16xi32>
        %gather3A_684 = tpu.vector_load_idx %arg8[%add3A_683] : memref<1024xf32, #tpu.memory_space<vmem>>[vector<16xi32>], vector<16xf32>,
        %add3A_685 = arith.constant 960 : i32
        %add3A_686 = vector.broadcast %add3A_685 : i32 to vector<16xi32>
        %add3A_687 = arith.addi %get3A_222, %add3A_686 : vector<16xi32>
        %gather3A_688 = tpu.vector_load_idx %arg8[%add3A_687] : memref<1024xf32, #tpu.memory_space<vmem>>[vector<16xi32>], vector<16xf32>,
        %add3A_689 = arith.constant 976 : i32
        %add3A_690 = vector.broadcast %add3A_689 : i32 to vector<16xi32>
        %add3A_691 = arith.addi %get3A_222, %add3A_690 : vector<16xi32>
        %gather3A_692 = tpu.vector_load_idx %arg8[%add3A_691] : memref<1024xf32, #tpu.memory_space<vmem>>[vector<16xi32>], vector<16xf32>,
        %add3A_693 = arith.constant 992 : i32
        %add3A_694 = vector.broadcast %add3A_693 : i32 to vector<16xi32>
        %add3A_695 = arith.addi %get3A_222, %add3A_694 : vector<16xi32>
        %gather3A_696 = tpu.vector_load_idx %arg8[%add3A_695] : memref<1024xf32, #tpu.memory_space<vmem>>[vector<16xi32>], vector<16xf32>,
        %add3A_697 = arith.constant 1008 : i32
        %add3A_698 = vector.broadcast %add3A_697 : i32 to vector<16xi32>
        %add3A_699 = arith.addi %get3A_222, %add3A_698 : vector<16xi32>
        %gather3A_700 = tpu.vector_load_idx %arg8[%add3A_699] : memref<1024xf32, #tpu.memory_space<vmem>>[vector<16xi32>], vector<16xf32>,
        %swap3A_701 = arith.constant 56 : i32
        %swap3A_702 = arith.index_cast %swap3A_701 : i32 to index
        %swap3A_703 = arith.index_cast %mul3A_219 : i32 to index
        %swap3A_704 = tpu.vector_load %arg7[%swap3A_702, %swap3A_703] {strides = array<i32>} : memref<64x512xf32, #tpu.memory_space<vmem>>, vector<16xf32>,
        tpu.vector_store %arg7[%swap3A_702, %swap3A_703], %gather3A_672 {strides = array<i32>} : memref<64x512xf32, #tpu.memory_space<vmem>>, vector<16xf32>,
        %swap3A_705 = arith.constant 57 : i32
        %swap3A_706 = arith.index_cast %swap3A_705 : i32 to index
        %swap3A_707 = arith.index_cast %mul3A_219 : i32 to index
        %swap3A_708 = tpu.vector_load %arg7[%swap3A_706, %swap3A_707] {strides = array<i32>} : memref<64x512xf32, #tpu.memory_space<vmem>>, vector<16xf32>,
        tpu.vector_store %arg7[%swap3A_706, %swap3A_707], %gather3A_676 {strides = array<i32>} : memref<64x512xf32, #tpu.memory_space<vmem>>, vector<16xf32>,
        %swap3A_709 = arith.constant 58 : i32
        %swap3A_710 = arith.index_cast %swap3A_709 : i32 to index
        %swap3A_711 = arith.index_cast %mul3A_219 : i32 to index
        %swap3A_712 = tpu.vector_load %arg7[%swap3A_710, %swap3A_711] {strides = array<i32>} : memref<64x512xf32, #tpu.memory_space<vmem>>, vector<16xf32>,
        tpu.vector_store %arg7[%swap3A_710, %swap3A_711], %gather3A_680 {strides = array<i32>} : memref<64x512xf32, #tpu.memory_space<vmem>>, vector<16xf32>,
        %swap3A_713 = arith.constant 59 : i32
        %swap3A_714 = arith.index_cast %swap3A_713 : i32 to index
        %swap3A_715 = arith.index_cast %mul3A_219 : i32 to index
        %swap3A_716 = tpu.vector_load %arg7[%swap3A_714, %swap3A_715] {strides = array<i32>} : memref<64x512xf32, #tpu.memory_space<vmem>>, vector<16xf32>,
        tpu.vector_store %arg7[%swap3A_714, %swap3A_715], %gather3A_684 {strides = array<i32>} : memref<64x512xf32, #tpu.memory_space<vmem>>, vector<16xf32>,
        %swap3A_717 = arith.constant 60 : i32
        %swap3A_718 = arith.index_cast %swap3A_717 : i32 to index
        %swap3A_719 = arith.index_cast %mul3A_219 : i32 to index
        %swap3A_720 = tpu.vector_load %arg7[%swap3A_718, %swap3A_719] {strides = array<i32>} : memref<64x512xf32, #tpu.memory_space<vmem>>, vector<16xf32>,
        tpu.vector_store %arg7[%swap3A_718, %swap3A_719], %gather3A_688 {strides = array<i32>} : memref<64x512xf32, #tpu.memory_space<vmem>>, vector<16xf32>,
        %swap3A_721 = arith.constant 61 : i32
        %swap3A_722 = arith.index_cast %swap3A_721 : i32 to index
        %swap3A_723 = arith.index_cast %mul3A_219 : i32 to index
        %swap3A_724 = tpu.vector_load %arg7[%swap3A_722, %swap3A_723] {strides = array<i32>} : memref<64x512xf32, #tpu.memory_space<vmem>>, vector<16xf32>,
        tpu.vector_store %arg7[%swap3A_722, %swap3A_723], %gather3A_692 {strides = array<i32>} : memref<64x512xf32, #tpu.memory_space<vmem>>, vector<16xf32>,
        %swap3A_725 = arith.constant 62 : i32
        %swap3A_726 = arith.index_cast %swap3A_725 : i32 to index
        %swap3A_727 = arith.index_cast %mul3A_219 : i32 to index
        %swap3A_728 = tpu.vector_load %arg7[%swap3A_726, %swap3A_727] {strides = array<i32>} : memref<64x512xf32, #tpu.memory_space<vmem>>, vector<16xf32>,
        tpu.vector_store %arg7[%swap3A_726, %swap3A_727], %gather3A_696 {strides = array<i32>} : memref<64x512xf32, #tpu.memory_space<vmem>>, vector<16xf32>,
        %swap3A_729 = arith.constant 63 : i32
        %swap3A_730 = arith.index_cast %swap3A_729 : i32 to index
        %swap3A_731 = arith.index_cast %mul3A_219 : i32 to index
        %swap3A_732 = tpu.vector_load %arg7[%swap3A_730, %swap3A_731] {strides = array<i32>} : memref<64x512xf32, #tpu.memory_space<vmem>>, vector<16xf32>,
        tpu.vector_store %arg7[%swap3A_730, %swap3A_731], %gather3A_700 {strides = array<i32>} : memref<64x512xf32, #tpu.memory_space<vmem>>, vector<16xf32>,
      }
      %scan3A_148 = arith.constant 32 : i32
      %mul3A_149 = arith.constant 4 : i32
      %mul3A_150 = arith.muli %add3A_102, %mul3A_149 : i32
      %sub3A_151 = arith.constant 4 : i32
      %sub3A_152 = arith.subi %add3A_8, %sub3A_151 : i32
      %min3A_153 = arith.minsi %mul3A_150, %sub3A_152 : i32
      %add3A_154 = arith.addi %add3A_4, %min3A_153 : i32
      %mul3A_155 = arith.constant 128 : i32
      %mul3A_156 = arith.muli %mul3A_155, %add3A_154 : i32
      %dma_start3A_157 = arith.constant 0 : i32
      %dma_start3A_158 = tpu.memref_slice %arg4[%dma_start3A_157, %mul3A_156] : memref<64x800000xf32, #tpu.memory_space<hbm>> -> memref<64x512xf32, #tpu.memory_space<hbm>>
      %dma_start3A_159 = arith.constant 0 : i32
      %dma_start3A_160 = tpu.memref_slice %arg4[%dma_start3A_159, %mul3A_156] : memref<64x800000xf32, #tpu.memory_space<hbm>> -> memref<64x512xf32, #tpu.memory_space<hbm>>
      tpu.enqueue_dma source(%arg7 : memref<64x512xf32, #tpu.memory_space<vmem>>) target(%dma_start3A_160 : memref<64x512xf32, #tpu.memory_space<hbm>>) target_semaphore(%arg12 : memref<!tpu.dma_semaphore, #tpu.memory_space<semaphore_mem>>)
      %mul3A_161 = arith.constant 4 : i32
      %mul3A_162 = arith.muli %add3A_106, %mul3A_161 : i32
      %sub3A_163 = arith.constant 4 : i32
      %sub3A_164 = arith.subi %add3A_8, %sub3A_163 : i32
      %min3A_165 = arith.minsi %mul3A_162, %sub3A_164 : i32
      %add3A_166 = arith.addi %add3A_4, %min3A_165 : i32
      %mul3A_167 = arith.constant 128 : i32
      %mul3A_168 = arith.muli %mul3A_167, %add3A_166 : i32
      %dma_wait3A_169 = arith.constant 0 : i32
      %dma_wait3A_170 = arith.constant 0 : i32
      %dma_wait3A_171 = tpu.memref_slice %arg5[%dma_wait3A_169, %dma_wait3A_170] : memref<2x512xi32, #tpu.memory_space<vmem>> -> memref<1x512xi32, #tpu.memory_space<vmem>>
      %dma_wait3A_172 = tpu.memref_squeeze %dma_wait3A_171 : memref<1x512xi32, #tpu.memory_space<vmem>> -> memref<512xi32, #tpu.memory_space<vmem>>
      %dma_wait3A_173 = tpu.memref_slice %arg2[%mul3A_168] : memref<800000xi32, #tpu.memory_space<hbm>> -> memref<512xi32, #tpu.memory_space<hbm>>
      %dma_wait3A_174 = arith.constant 0 : i32
      %dma_wait3A_175 = tpu.memref_slice %arg5[%dma_wait3A_169, %dma_wait3A_174] : memref<2x512xi32, #tpu.memory_space<vmem>> -> memref<1x512xi32, #tpu.memory_space<vmem>>
      %dma_wait3A_176 = tpu.memref_squeeze %dma_wait3A_175 : memref<1x512xi32, #tpu.memory_space<vmem>> -> memref<512xi32, #tpu.memory_space<vmem>>
      %dma_wait3A_177 = tpu.memref_slice %arg2[%mul3A_168] : memref<800000xi32, #tpu.memory_space<hbm>> -> memref<512xi32, #tpu.memory_space<hbm>>
      tpu.wait_dma2 semaphore(%arg9 : memref<!tpu.dma_semaphore, #tpu.memory_space<semaphore_mem>>) src(%dma_wait3A_177 : memref<512xi32, #tpu.memory_space<hbm>>) dst(%dma_wait3A_176 : memref<512xi32, #tpu.memory_space<vmem>>)
      %add3A_178 = arith.constant 1 : i32
      %add3A_179 = arith.addi %add3A_106, %add3A_178 : i32
      %lt3A_180 = arith.constant 49 : i32
      %lt3A_181 = arith.cmpi slt, %add3A_179, %lt3A_180 : i32
      %convert_element_type3A_182 = arith.extui %lt3A_181 : i1 to i32
      %cond3A_183 = arith.constant 0 : i32
      %cond3A_184 = arith.cmpi ne, %convert_element_type3A_182, %cond3A_183 : i32
      scf.if %cond3A_184 {
        %add3A_217 = arith.constant 1 : i32
        %add3A_218 = arith.addi %add3A_106, %add3A_217 : i32
        %mul3A_219 = arith.constant 4 : i32
        %mul3A_220 = arith.muli %add3A_218, %mul3A_219 : i32
        %sub3A_221 = arith.constant 4 : i32
        %sub3A_222 = arith.subi %add3A_8, %sub3A_221 : i32
        %min3A_223 = arith.minsi %mul3A_220, %sub3A_222 : i32
        %add3A_224 = arith.addi %add3A_4, %min3A_223 : i32
        %mul3A_225 = arith.constant 128 : i32
        %mul3A_226 = arith.muli %mul3A_225, %add3A_224 : i32
        %dma_start3A_227 = arith.constant 1 : i32
        %dma_start3A_228 = arith.constant 0 : i32
        %dma_start3A_229 = tpu.memref_slice %arg5[%dma_start3A_227, %dma_start3A_228] : memref<2x512xi32, #tpu.memory_space<vmem>> -> memref<1x512xi32, #tpu.memory_space<vmem>>
        %dma_start3A_230 = tpu.memref_squeeze %dma_start3A_229 : memref<1x512xi32, #tpu.memory_space<vmem>> -> memref<512xi32, #tpu.memory_space<vmem>>
        %dma_start3A_231 = tpu.memref_slice %arg2[%mul3A_226] : memref<800000xi32, #tpu.memory_space<hbm>> -> memref<512xi32, #tpu.memory_space<hbm>>
        %dma_start3A_232 = arith.constant 0 : i32
        %dma_start3A_233 = tpu.memref_slice %arg5[%dma_start3A_227, %dma_start3A_232] : memref<2x512xi32, #tpu.memory_space<vmem>> -> memref<1x512xi32, #tpu.memory_space<vmem>>
        %dma_start3A_234 = tpu.memref_squeeze %dma_start3A_233 : memref<1x512xi32, #tpu.memory_space<vmem>> -> memref<512xi32, #tpu.memory_space<vmem>>
        %dma_start3A_235 = tpu.memref_slice %arg2[%mul3A_226] : memref<800000xi32, #tpu.memory_space<hbm>> -> memref<512xi32, #tpu.memory_space<hbm>>
        tpu.enqueue_dma source(%dma_start3A_235 : memref<512xi32, #tpu.memory_space<hbm>>) target(%dma_start3A_234 : memref<512xi32, #tpu.memory_space<vmem>>) target_semaphore(%arg10 : memref<!tpu.dma_semaphore, #tpu.memory_space<semaphore_mem>>)
      } else {
      }
      %sub3A_185 = arith.constant 2 : i32
      %sub3A_186 = arith.subi %add3A_106, %sub3A_185 : i32
      %mul3A_187 = arith.constant 4 : i32
      %mul3A_188 = arith.muli %sub3A_186, %mul3A_187 : i32
      %sub3A_189 = arith.constant 4 : i32
      %sub3A_190 = arith.subi %add3A_8, %sub3A_189 : i32
      %min3A_191 = arith.minsi %mul3A_188, %sub3A_190 : i32
      %add3A_192 = arith.addi %add3A_4, %min3A_191 : i32
      %mul3A_193 = arith.constant 128 : i32
      %mul3A_194 = arith.muli %mul3A_193, %add3A_192 : i32
      %dma_wait3A_195 = arith.constant 0 : i32
      %dma_wait3A_196 = tpu.memref_slice %arg4[%dma_wait3A_195, %mul3A_194] : memref<64x800000xf32, #tpu.memory_space<hbm>> -> memref<64x512xf32, #tpu.memory_space<hbm>>
      %dma_wait3A_197 = arith.constant 0 : i32
      %dma_wait3A_198 = tpu.memref_slice %arg4[%dma_wait3A_197, %mul3A_194] : memref<64x800000xf32, #tpu.memory_space<hbm>> -> memref<64x512xf32, #tpu.memory_space<hbm>>
      tpu.wait_dma2 semaphore(%arg11 : memref<!tpu.dma_semaphore, #tpu.memory_space<semaphore_mem>>) src(%arg6 : memref<64x512xf32, #tpu.memory_space<vmem>>) dst(%dma_wait3A_198 : memref<64x512xf32, #tpu.memory_space<hbm>>)
      %scan3A_199 = arith.constant 0 : i32
      %scan3A_200 = arith.constant 0 : i32
      %scan3A_201 = arith.constant 32 : i32
      %scan3A_202 = arith.addi %scan3A_200, %scan3A_201 : i32
      %scan3A_203 = arith.constant 1 : i32
      scf.for %scan3A_217 = %scan3A_200 to %scan3A_202 step %scan3A_203  : i32 {
        %mul3A_218 = arith.constant 16 : i32
        %mul3A_219 = arith.muli %scan3A_217, %mul3A_218 : i32
        %get3A = arith.constant 0 : i32
        %get3A_220 = arith.index_cast %get3A : i32 to index
        %get3A_221 = arith.index_cast %mul3A_219 : i32 to index
        %get3A_222 = tpu.vector_load %arg5[%get3A_220, %get3A_221] {strides = array<i32>} : memref<2x512xi32, #tpu.memory_space<vmem>>, vector<16xi32>,
        %add3A_223 = arith.constant 0 : i32
        %add3A_224 = vector.broadcast %add3A_223 : i32 to vector<16xi32>
        %add3A_225 = arith.addi %get3A_222, %add3A_224 : vector<16xi32>
        %gather3A = tpu.vector_load_idx %arg8[%add3A_225] : memref<1024xf32, #tpu.memory_space<vmem>>[vector<16xi32>], vector<16xf32>,
        %add3A_226 = arith.constant 16 : i32
        %add3A_227 = vector.broadcast %add3A_226 : i32 to vector<16xi32>
        %add3A_228 = arith.addi %get3A_222, %add3A_227 : vector<16xi32>
        %gather3A_229 = tpu.vector_load_idx %arg8[%add3A_228] : memref<1024xf32, #tpu.memory_space<vmem>>[vector<16xi32>], vector<16xf32>,
        %add3A_230 = arith.constant 32 : i32
        %add3A_231 = vector.broadcast %add3A_230 : i32 to vector<16xi32>
        %add3A_232 = arith.addi %get3A_222, %add3A_231 : vector<16xi32>
        %gather3A_233 = tpu.vector_load_idx %arg8[%add3A_232] : memref<1024xf32, #tpu.memory_space<vmem>>[vector<16xi32>], vector<16xf32>,
        %add3A_234 = arith.constant 48 : i32
        %add3A_235 = vector.broadcast %add3A_234 : i32 to vector<16xi32>
        %add3A_236 = arith.addi %get3A_222, %add3A_235 : vector<16xi32>
        %gather3A_237 = tpu.vector_load_idx %arg8[%add3A_236] : memref<1024xf32, #tpu.memory_space<vmem>>[vector<16xi32>], vector<16xf32>,
        %add3A_238 = arith.constant 64 : i32
        %add3A_239 = vector.broadcast %add3A_238 : i32 to vector<16xi32>
        %add3A_240 = arith.addi %get3A_222, %add3A_239 : vector<16xi32>
        %gather3A_241 = tpu.vector_load_idx %arg8[%add3A_240] : memref<1024xf32, #tpu.memory_space<vmem>>[vector<16xi32>], vector<16xf32>,
        %add3A_242 = arith.constant 80 : i32
        %add3A_243 = vector.broadcast %add3A_242 : i32 to vector<16xi32>
        %add3A_244 = arith.addi %get3A_222, %add3A_243 : vector<16xi32>
        %gather3A_245 = tpu.vector_load_idx %arg8[%add3A_244] : memref<1024xf32, #tpu.memory_space<vmem>>[vector<16xi32>], vector<16xf32>,
        %add3A_246 = arith.constant 96 : i32
        %add3A_247 = vector.broadcast %add3A_246 : i32 to vector<16xi32>
        %add3A_248 = arith.addi %get3A_222, %add3A_247 : vector<16xi32>
        %gather3A_249 = tpu.vector_load_idx %arg8[%add3A_248] : memref<1024xf32, #tpu.memory_space<vmem>>[vector<16xi32>], vector<16xf32>,
        %add3A_250 = arith.constant 112 : i32
        %add3A_251 = vector.broadcast %add3A_250 : i32 to vector<16xi32>
        %add3A_252 = arith.addi %get3A_222, %add3A_251 : vector<16xi32>
        %gather3A_253 = tpu.vector_load_idx %arg8[%add3A_252] : memref<1024xf32, #tpu.memory_space<vmem>>[vector<16xi32>], vector<16xf32>,
        %swap3A = arith.constant 0 : i32
        %swap3A_254 = arith.index_cast %swap3A : i32 to index
        %swap3A_255 = arith.index_cast %mul3A_219 : i32 to index
        %swap3A_256 = tpu.vector_load %arg6[%swap3A_254, %swap3A_255] {strides = array<i32>} : memref<64x512xf32, #tpu.memory_space<vmem>>, vector<16xf32>,
        tpu.vector_store %arg6[%swap3A_254, %swap3A_255], %gather3A {strides = array<i32>} : memref<64x512xf32, #tpu.memory_space<vmem>>, vector<16xf32>,
        %swap3A_257 = arith.constant 1 : i32
        %swap3A_258 = arith.index_cast %swap3A_257 : i32 to index
        %swap3A_259 = arith.index_cast %mul3A_219 : i32 to index
        %swap3A_260 = tpu.vector_load %arg6[%swap3A_258, %swap3A_259] {strides = array<i32>} : memref<64x512xf32, #tpu.memory_space<vmem>>, vector<16xf32>,
        tpu.vector_store %arg6[%swap3A_258, %swap3A_259], %gather3A_229 {strides = array<i32>} : memref<64x512xf32, #tpu.memory_space<vmem>>, vector<16xf32>,
        %swap3A_261 = arith.constant 2 : i32
        %swap3A_262 = arith.index_cast %swap3A_261 : i32 to index
        %swap3A_263 = arith.index_cast %mul3A_219 : i32 to index
        %swap3A_264 = tpu.vector_load %arg6[%swap3A_262, %swap3A_263] {strides = array<i32>} : memref<64x512xf32, #tpu.memory_space<vmem>>, vector<16xf32>,
        tpu.vector_store %arg6[%swap3A_262, %swap3A_263], %gather3A_233 {strides = array<i32>} : memref<64x512xf32, #tpu.memory_space<vmem>>, vector<16xf32>,
        %swap3A_265 = arith.constant 3 : i32
        %swap3A_266 = arith.index_cast %swap3A_265 : i32 to index
        %swap3A_267 = arith.index_cast %mul3A_219 : i32 to index
        %swap3A_268 = tpu.vector_load %arg6[%swap3A_266, %swap3A_267] {strides = array<i32>} : memref<64x512xf32, #tpu.memory_space<vmem>>, vector<16xf32>,
        tpu.vector_store %arg6[%swap3A_266, %swap3A_267], %gather3A_237 {strides = array<i32>} : memref<64x512xf32, #tpu.memory_space<vmem>>, vector<16xf32>,
        %swap3A_269 = arith.constant 4 : i32
        %swap3A_270 = arith.index_cast %swap3A_269 : i32 to index
        %swap3A_271 = arith.index_cast %mul3A_219 : i32 to index
        %swap3A_272 = tpu.vector_load %arg6[%swap3A_270, %swap3A_271] {strides = array<i32>} : memref<64x512xf32, #tpu.memory_space<vmem>>, vector<16xf32>,
        tpu.vector_store %arg6[%swap3A_270, %swap3A_271], %gather3A_241 {strides = array<i32>} : memref<64x512xf32, #tpu.memory_space<vmem>>, vector<16xf32>,
        %swap3A_273 = arith.constant 5 : i32
        %swap3A_274 = arith.index_cast %swap3A_273 : i32 to index
        %swap3A_275 = arith.index_cast %mul3A_219 : i32 to index
        %swap3A_276 = tpu.vector_load %arg6[%swap3A_274, %swap3A_275] {strides = array<i32>} : memref<64x512xf32, #tpu.memory_space<vmem>>, vector<16xf32>,
        tpu.vector_store %arg6[%swap3A_274, %swap3A_275], %gather3A_245 {strides = array<i32>} : memref<64x512xf32, #tpu.memory_space<vmem>>, vector<16xf32>,
        %swap3A_277 = arith.constant 6 : i32
        %swap3A_278 = arith.index_cast %swap3A_277 : i32 to index
        %swap3A_279 = arith.index_cast %mul3A_219 : i32 to index
        %swap3A_280 = tpu.vector_load %arg6[%swap3A_278, %swap3A_279] {strides = array<i32>} : memref<64x512xf32, #tpu.memory_space<vmem>>, vector<16xf32>,
        tpu.vector_store %arg6[%swap3A_278, %swap3A_279], %gather3A_249 {strides = array<i32>} : memref<64x512xf32, #tpu.memory_space<vmem>>, vector<16xf32>,
        %swap3A_281 = arith.constant 7 : i32
        %swap3A_282 = arith.index_cast %swap3A_281 : i32 to index
        %swap3A_283 = arith.index_cast %mul3A_219 : i32 to index
        %swap3A_284 = tpu.vector_load %arg6[%swap3A_282, %swap3A_283] {strides = array<i32>} : memref<64x512xf32, #tpu.memory_space<vmem>>, vector<16xf32>,
        tpu.vector_store %arg6[%swap3A_282, %swap3A_283], %gather3A_253 {strides = array<i32>} : memref<64x512xf32, #tpu.memory_space<vmem>>, vector<16xf32>,
        %add3A_285 = arith.constant 128 : i32
        %add3A_286 = vector.broadcast %add3A_285 : i32 to vector<16xi32>
        %add3A_287 = arith.addi %get3A_222, %add3A_286 : vector<16xi32>
        %gather3A_288 = tpu.vector_load_idx %arg8[%add3A_287] : memref<1024xf32, #tpu.memory_space<vmem>>[vector<16xi32>], vector<16xf32>,
        %add3A_289 = arith.constant 144 : i32
        %add3A_290 = vector.broadcast %add3A_289 : i32 to vector<16xi32>
        %add3A_291 = arith.addi %get3A_222, %add3A_290 : vector<16xi32>
        %gather3A_292 = tpu.vector_load_idx %arg8[%add3A_291] : memref<1024xf32, #tpu.memory_space<vmem>>[vector<16xi32>], vector<16xf32>,
        %add3A_293 = arith.constant 160 : i32
        %add3A_294 = vector.broadcast %add3A_293 : i32 to vector<16xi32>
        %add3A_295 = arith.addi %get3A_222, %add3A_294 : vector<16xi32>
        %gather3A_296 = tpu.vector_load_idx %arg8[%add3A_295] : memref<1024xf32, #tpu.memory_space<vmem>>[vector<16xi32>], vector<16xf32>,
        %add3A_297 = arith.constant 176 : i32
        %add3A_298 = vector.broadcast %add3A_297 : i32 to vector<16xi32>
        %add3A_299 = arith.addi %get3A_222, %add3A_298 : vector<16xi32>
        %gather3A_300 = tpu.vector_load_idx %arg8[%add3A_299] : memref<1024xf32, #tpu.memory_space<vmem>>[vector<16xi32>], vector<16xf32>,
        %add3A_301 = arith.constant 192 : i32
        %add3A_302 = vector.broadcast %add3A_301 : i32 to vector<16xi32>
        %add3A_303 = arith.addi %get3A_222, %add3A_302 : vector<16xi32>
        %gather3A_304 = tpu.vector_load_idx %arg8[%add3A_303] : memref<1024xf32, #tpu.memory_space<vmem>>[vector<16xi32>], vector<16xf32>,
        %add3A_305 = arith.constant 208 : i32
        %add3A_306 = vector.broadcast %add3A_305 : i32 to vector<16xi32>
        %add3A_307 = arith.addi %get3A_222, %add3A_306 : vector<16xi32>
        %gather3A_308 = tpu.vector_load_idx %arg8[%add3A_307] : memref<1024xf32, #tpu.memory_space<vmem>>[vector<16xi32>], vector<16xf32>,
        %add3A_309 = arith.constant 224 : i32
        %add3A_310 = vector.broadcast %add3A_309 : i32 to vector<16xi32>
        %add3A_311 = arith.addi %get3A_222, %add3A_310 : vector<16xi32>
        %gather3A_312 = tpu.vector_load_idx %arg8[%add3A_311] : memref<1024xf32, #tpu.memory_space<vmem>>[vector<16xi32>], vector<16xf32>,
        %add3A_313 = arith.constant 240 : i32
        %add3A_314 = vector.broadcast %add3A_313 : i32 to vector<16xi32>
        %add3A_315 = arith.addi %get3A_222, %add3A_314 : vector<16xi32>
        %gather3A_316 = tpu.vector_load_idx %arg8[%add3A_315] : memref<1024xf32, #tpu.memory_space<vmem>>[vector<16xi32>], vector<16xf32>,
        %swap3A_317 = arith.constant 8 : i32
        %swap3A_318 = arith.index_cast %swap3A_317 : i32 to index
        %swap3A_319 = arith.index_cast %mul3A_219 : i32 to index
        %swap3A_320 = tpu.vector_load %arg6[%swap3A_318, %swap3A_319] {strides = array<i32>} : memref<64x512xf32, #tpu.memory_space<vmem>>, vector<16xf32>,
        tpu.vector_store %arg6[%swap3A_318, %swap3A_319], %gather3A_288 {strides = array<i32>} : memref<64x512xf32, #tpu.memory_space<vmem>>, vector<16xf32>,
        %swap3A_321 = arith.constant 9 : i32
        %swap3A_322 = arith.index_cast %swap3A_321 : i32 to index
        %swap3A_323 = arith.index_cast %mul3A_219 : i32 to index
        %swap3A_324 = tpu.vector_load %arg6[%swap3A_322, %swap3A_323] {strides = array<i32>} : memref<64x512xf32, #tpu.memory_space<vmem>>, vector<16xf32>,
        tpu.vector_store %arg6[%swap3A_322, %swap3A_323], %gather3A_292 {strides = array<i32>} : memref<64x512xf32, #tpu.memory_space<vmem>>, vector<16xf32>,
        %swap3A_325 = arith.constant 10 : i32
        %swap3A_326 = arith.index_cast %swap3A_325 : i32 to index
        %swap3A_327 = arith.index_cast %mul3A_219 : i32 to index
        %swap3A_328 = tpu.vector_load %arg6[%swap3A_326, %swap3A_327] {strides = array<i32>} : memref<64x512xf32, #tpu.memory_space<vmem>>, vector<16xf32>,
        tpu.vector_store %arg6[%swap3A_326, %swap3A_327], %gather3A_296 {strides = array<i32>} : memref<64x512xf32, #tpu.memory_space<vmem>>, vector<16xf32>,
        %swap3A_329 = arith.constant 11 : i32
        %swap3A_330 = arith.index_cast %swap3A_329 : i32 to index
        %swap3A_331 = arith.index_cast %mul3A_219 : i32 to index
        %swap3A_332 = tpu.vector_load %arg6[%swap3A_330, %swap3A_331] {strides = array<i32>} : memref<64x512xf32, #tpu.memory_space<vmem>>, vector<16xf32>,
        tpu.vector_store %arg6[%swap3A_330, %swap3A_331], %gather3A_300 {strides = array<i32>} : memref<64x512xf32, #tpu.memory_space<vmem>>, vector<16xf32>,
        %swap3A_333 = arith.constant 12 : i32
        %swap3A_334 = arith.index_cast %swap3A_333 : i32 to index
        %swap3A_335 = arith.index_cast %mul3A_219 : i32 to index
        %swap3A_336 = tpu.vector_load %arg6[%swap3A_334, %swap3A_335] {strides = array<i32>} : memref<64x512xf32, #tpu.memory_space<vmem>>, vector<16xf32>,
        tpu.vector_store %arg6[%swap3A_334, %swap3A_335], %gather3A_304 {strides = array<i32>} : memref<64x512xf32, #tpu.memory_space<vmem>>, vector<16xf32>,
        %swap3A_337 = arith.constant 13 : i32
        %swap3A_338 = arith.index_cast %swap3A_337 : i32 to index
        %swap3A_339 = arith.index_cast %mul3A_219 : i32 to index
        %swap3A_340 = tpu.vector_load %arg6[%swap3A_338, %swap3A_339] {strides = array<i32>} : memref<64x512xf32, #tpu.memory_space<vmem>>, vector<16xf32>,
        tpu.vector_store %arg6[%swap3A_338, %swap3A_339], %gather3A_308 {strides = array<i32>} : memref<64x512xf32, #tpu.memory_space<vmem>>, vector<16xf32>,
        %swap3A_341 = arith.constant 14 : i32
        %swap3A_342 = arith.index_cast %swap3A_341 : i32 to index
        %swap3A_343 = arith.index_cast %mul3A_219 : i32 to index
        %swap3A_344 = tpu.vector_load %arg6[%swap3A_342, %swap3A_343] {strides = array<i32>} : memref<64x512xf32, #tpu.memory_space<vmem>>, vector<16xf32>,
        tpu.vector_store %arg6[%swap3A_342, %swap3A_343], %gather3A_312 {strides = array<i32>} : memref<64x512xf32, #tpu.memory_space<vmem>>, vector<16xf32>,
        %swap3A_345 = arith.constant 15 : i32
        %swap3A_346 = arith.index_cast %swap3A_345 : i32 to index
        %swap3A_347 = arith.index_cast %mul3A_219 : i32 to index
        %swap3A_348 = tpu.vector_load %arg6[%swap3A_346, %swap3A_347] {strides = array<i32>} : memref<64x512xf32, #tpu.memory_space<vmem>>, vector<16xf32>,
        tpu.vector_store %arg6[%swap3A_346, %swap3A_347], %gather3A_316 {strides = array<i32>} : memref<64x512xf32, #tpu.memory_space<vmem>>, vector<16xf32>,
        %add3A_349 = arith.constant 256 : i32
        %add3A_350 = vector.broadcast %add3A_349 : i32 to vector<16xi32>
        %add3A_351 = arith.addi %get3A_222, %add3A_350 : vector<16xi32>
        %gather3A_352 = tpu.vector_load_idx %arg8[%add3A_351] : memref<1024xf32, #tpu.memory_space<vmem>>[vector<16xi32>], vector<16xf32>,
        %add3A_353 = arith.constant 272 : i32
        %add3A_354 = vector.broadcast %add3A_353 : i32 to vector<16xi32>
        %add3A_355 = arith.addi %get3A_222, %add3A_354 : vector<16xi32>
        %gather3A_356 = tpu.vector_load_idx %arg8[%add3A_355] : memref<1024xf32, #tpu.memory_space<vmem>>[vector<16xi32>], vector<16xf32>,
        %add3A_357 = arith.constant 288 : i32
        %add3A_358 = vector.broadcast %add3A_357 : i32 to vector<16xi32>
        %add3A_359 = arith.addi %get3A_222, %add3A_358 : vector<16xi32>
        %gather3A_360 = tpu.vector_load_idx %arg8[%add3A_359] : memref<1024xf32, #tpu.memory_space<vmem>>[vector<16xi32>], vector<16xf32>,
        %add3A_361 = arith.constant 304 : i32
        %add3A_362 = vector.broadcast %add3A_361 : i32 to vector<16xi32>
        %add3A_363 = arith.addi %get3A_222, %add3A_362 : vector<16xi32>
        %gather3A_364 = tpu.vector_load_idx %arg8[%add3A_363] : memref<1024xf32, #tpu.memory_space<vmem>>[vector<16xi32>], vector<16xf32>,
        %add3A_365 = arith.constant 320 : i32
        %add3A_366 = vector.broadcast %add3A_365 : i32 to vector<16xi32>
        %add3A_367 = arith.addi %get3A_222, %add3A_366 : vector<16xi32>
        %gather3A_368 = tpu.vector_load_idx %arg8[%add3A_367] : memref<1024xf32, #tpu.memory_space<vmem>>[vector<16xi32>], vector<16xf32>,
        %add3A_369 = arith.constant 336 : i32
        %add3A_370 = vector.broadcast %add3A_369 : i32 to vector<16xi32>
        %add3A_371 = arith.addi %get3A_222, %add3A_370 : vector<16xi32>
        %gather3A_372 = tpu.vector_load_idx %arg8[%add3A_371] : memref<1024xf32, #tpu.memory_space<vmem>>[vector<16xi32>], vector<16xf32>,
        %add3A_373 = arith.constant 352 : i32
        %add3A_374 = vector.broadcast %add3A_373 : i32 to vector<16xi32>
        %add3A_375 = arith.addi %get3A_222, %add3A_374 : vector<16xi32>
        %gather3A_376 = tpu.vector_load_idx %arg8[%add3A_375] : memref<1024xf32, #tpu.memory_space<vmem>>[vector<16xi32>], vector<16xf32>,
        %add3A_377 = arith.constant 368 : i32
        %add3A_378 = vector.broadcast %add3A_377 : i32 to vector<16xi32>
        %add3A_379 = arith.addi %get3A_222, %add3A_378 : vector<16xi32>
        %gather3A_380 = tpu.vector_load_idx %arg8[%add3A_379] : memref<1024xf32, #tpu.memory_space<vmem>>[vector<16xi32>], vector<16xf32>,
        %swap3A_381 = arith.constant 16 : i32
        %swap3A_382 = arith.index_cast %swap3A_381 : i32 to index
        %swap3A_383 = arith.index_cast %mul3A_219 : i32 to index
        %swap3A_384 = tpu.vector_load %arg6[%swap3A_382, %swap3A_383] {strides = array<i32>} : memref<64x512xf32, #tpu.memory_space<vmem>>, vector<16xf32>,
        tpu.vector_store %arg6[%swap3A_382, %swap3A_383], %gather3A_352 {strides = array<i32>} : memref<64x512xf32, #tpu.memory_space<vmem>>, vector<16xf32>,
        %swap3A_385 = arith.constant 17 : i32
        %swap3A_386 = arith.index_cast %swap3A_385 : i32 to index
        %swap3A_387 = arith.index_cast %mul3A_219 : i32 to index
        %swap3A_388 = tpu.vector_load %arg6[%swap3A_386, %swap3A_387] {strides = array<i32>} : memref<64x512xf32, #tpu.memory_space<vmem>>, vector<16xf32>,
        tpu.vector_store %arg6[%swap3A_386, %swap3A_387], %gather3A_356 {strides = array<i32>} : memref<64x512xf32, #tpu.memory_space<vmem>>, vector<16xf32>,
        %swap3A_389 = arith.constant 18 : i32
        %swap3A_390 = arith.index_cast %swap3A_389 : i32 to index
        %swap3A_391 = arith.index_cast %mul3A_219 : i32 to index
        %swap3A_392 = tpu.vector_load %arg6[%swap3A_390, %swap3A_391] {strides = array<i32>} : memref<64x512xf32, #tpu.memory_space<vmem>>, vector<16xf32>,
        tpu.vector_store %arg6[%swap3A_390, %swap3A_391], %gather3A_360 {strides = array<i32>} : memref<64x512xf32, #tpu.memory_space<vmem>>, vector<16xf32>,
        %swap3A_393 = arith.constant 19 : i32
        %swap3A_394 = arith.index_cast %swap3A_393 : i32 to index
        %swap3A_395 = arith.index_cast %mul3A_219 : i32 to index
        %swap3A_396 = tpu.vector_load %arg6[%swap3A_394, %swap3A_395] {strides = array<i32>} : memref<64x512xf32, #tpu.memory_space<vmem>>, vector<16xf32>,
        tpu.vector_store %arg6[%swap3A_394, %swap3A_395], %gather3A_364 {strides = array<i32>} : memref<64x512xf32, #tpu.memory_space<vmem>>, vector<16xf32>,
        %swap3A_397 = arith.constant 20 : i32
        %swap3A_398 = arith.index_cast %swap3A_397 : i32 to index
        %swap3A_399 = arith.index_cast %mul3A_219 : i32 to index
        %swap3A_400 = tpu.vector_load %arg6[%swap3A_398, %swap3A_399] {strides = array<i32>} : memref<64x512xf32, #tpu.memory_space<vmem>>, vector<16xf32>,
        tpu.vector_store %arg6[%swap3A_398, %swap3A_399], %gather3A_368 {strides = array<i32>} : memref<64x512xf32, #tpu.memory_space<vmem>>, vector<16xf32>,
        %swap3A_401 = arith.constant 21 : i32
        %swap3A_402 = arith.index_cast %swap3A_401 : i32 to index
        %swap3A_403 = arith.index_cast %mul3A_219 : i32 to index
        %swap3A_404 = tpu.vector_load %arg6[%swap3A_402, %swap3A_403] {strides = array<i32>} : memref<64x512xf32, #tpu.memory_space<vmem>>, vector<16xf32>,
        tpu.vector_store %arg6[%swap3A_402, %swap3A_403], %gather3A_372 {strides = array<i32>} : memref<64x512xf32, #tpu.memory_space<vmem>>, vector<16xf32>,
        %swap3A_405 = arith.constant 22 : i32
        %swap3A_406 = arith.index_cast %swap3A_405 : i32 to index
        %swap3A_407 = arith.index_cast %mul3A_219 : i32 to index
        %swap3A_408 = tpu.vector_load %arg6[%swap3A_406, %swap3A_407] {strides = array<i32>} : memref<64x512xf32, #tpu.memory_space<vmem>>, vector<16xf32>,
        tpu.vector_store %arg6[%swap3A_406, %swap3A_407], %gather3A_376 {strides = array<i32>} : memref<64x512xf32, #tpu.memory_space<vmem>>, vector<16xf32>,
        %swap3A_409 = arith.constant 23 : i32
        %swap3A_410 = arith.index_cast %swap3A_409 : i32 to index
        %swap3A_411 = arith.index_cast %mul3A_219 : i32 to index
        %swap3A_412 = tpu.vector_load %arg6[%swap3A_410, %swap3A_411] {strides = array<i32>} : memref<64x512xf32, #tpu.memory_space<vmem>>, vector<16xf32>,
        tpu.vector_store %arg6[%swap3A_410, %swap3A_411], %gather3A_380 {strides = array<i32>} : memref<64x512xf32, #tpu.memory_space<vmem>>, vector<16xf32>,
        %add3A_413 = arith.constant 384 : i32
        %add3A_414 = vector.broadcast %add3A_413 : i32 to vector<16xi32>
        %add3A_415 = arith.addi %get3A_222, %add3A_414 : vector<16xi32>
        %gather3A_416 = tpu.vector_load_idx %arg8[%add3A_415] : memref<1024xf32, #tpu.memory_space<vmem>>[vector<16xi32>], vector<16xf32>,
        %add3A_417 = arith.constant 400 : i32
        %add3A_418 = vector.broadcast %add3A_417 : i32 to vector<16xi32>
        %add3A_419 = arith.addi %get3A_222, %add3A_418 : vector<16xi32>
        %gather3A_420 = tpu.vector_load_idx %arg8[%add3A_419] : memref<1024xf32, #tpu.memory_space<vmem>>[vector<16xi32>], vector<16xf32>,
        %add3A_421 = arith.constant 416 : i32
        %add3A_422 = vector.broadcast %add3A_421 : i32 to vector<16xi32>
        %add3A_423 = arith.addi %get3A_222, %add3A_422 : vector<16xi32>
        %gather3A_424 = tpu.vector_load_idx %arg8[%add3A_423] : memref<1024xf32, #tpu.memory_space<vmem>>[vector<16xi32>], vector<16xf32>,
        %add3A_425 = arith.constant 432 : i32
        %add3A_426 = vector.broadcast %add3A_425 : i32 to vector<16xi32>
        %add3A_427 = arith.addi %get3A_222, %add3A_426 : vector<16xi32>
        %gather3A_428 = tpu.vector_load_idx %arg8[%add3A_427] : memref<1024xf32, #tpu.memory_space<vmem>>[vector<16xi32>], vector<16xf32>,
        %add3A_429 = arith.constant 448 : i32
        %add3A_430 = vector.broadcast %add3A_429 : i32 to vector<16xi32>
        %add3A_431 = arith.addi %get3A_222, %add3A_430 : vector<16xi32>
        %gather3A_432 = tpu.vector_load_idx %arg8[%add3A_431] : memref<1024xf32, #tpu.memory_space<vmem>>[vector<16xi32>], vector<16xf32>,
        %add3A_433 = arith.constant 464 : i32
        %add3A_434 = vector.broadcast %add3A_433 : i32 to vector<16xi32>
        %add3A_435 = arith.addi %get3A_222, %add3A_434 : vector<16xi32>
        %gather3A_436 = tpu.vector_load_idx %arg8[%add3A_435] : memref<1024xf32, #tpu.memory_space<vmem>>[vector<16xi32>], vector<16xf32>,
        %add3A_437 = arith.constant 480 : i32
        %add3A_438 = vector.broadcast %add3A_437 : i32 to vector<16xi32>
        %add3A_439 = arith.addi %get3A_222, %add3A_438 : vector<16xi32>
        %gather3A_440 = tpu.vector_load_idx %arg8[%add3A_439] : memref<1024xf32, #tpu.memory_space<vmem>>[vector<16xi32>], vector<16xf32>,
        %add3A_441 = arith.constant 496 : i32
        %add3A_442 = vector.broadcast %add3A_441 : i32 to vector<16xi32>
        %add3A_443 = arith.addi %get3A_222, %add3A_442 : vector<16xi32>
        %gather3A_444 = tpu.vector_load_idx %arg8[%add3A_443] : memref<1024xf32, #tpu.memory_space<vmem>>[vector<16xi32>], vector<16xf32>,
        %swap3A_445 = arith.constant 24 : i32
        %swap3A_446 = arith.index_cast %swap3A_445 : i32 to index
        %swap3A_447 = arith.index_cast %mul3A_219 : i32 to index
        %swap3A_448 = tpu.vector_load %arg6[%swap3A_446, %swap3A_447] {strides = array<i32>} : memref<64x512xf32, #tpu.memory_space<vmem>>, vector<16xf32>,
        tpu.vector_store %arg6[%swap3A_446, %swap3A_447], %gather3A_416 {strides = array<i32>} : memref<64x512xf32, #tpu.memory_space<vmem>>, vector<16xf32>,
        %swap3A_449 = arith.constant 25 : i32
        %swap3A_450 = arith.index_cast %swap3A_449 : i32 to index
        %swap3A_451 = arith.index_cast %mul3A_219 : i32 to index
        %swap3A_452 = tpu.vector_load %arg6[%swap3A_450, %swap3A_451] {strides = array<i32>} : memref<64x512xf32, #tpu.memory_space<vmem>>, vector<16xf32>,
        tpu.vector_store %arg6[%swap3A_450, %swap3A_451], %gather3A_420 {strides = array<i32>} : memref<64x512xf32, #tpu.memory_space<vmem>>, vector<16xf32>,
        %swap3A_453 = arith.constant 26 : i32
        %swap3A_454 = arith.index_cast %swap3A_453 : i32 to index
        %swap3A_455 = arith.index_cast %mul3A_219 : i32 to index
        %swap3A_456 = tpu.vector_load %arg6[%swap3A_454, %swap3A_455] {strides = array<i32>} : memref<64x512xf32, #tpu.memory_space<vmem>>, vector<16xf32>,
        tpu.vector_store %arg6[%swap3A_454, %swap3A_455], %gather3A_424 {strides = array<i32>} : memref<64x512xf32, #tpu.memory_space<vmem>>, vector<16xf32>,
        %swap3A_457 = arith.constant 27 : i32
        %swap3A_458 = arith.index_cast %swap3A_457 : i32 to index
        %swap3A_459 = arith.index_cast %mul3A_219 : i32 to index
        %swap3A_460 = tpu.vector_load %arg6[%swap3A_458, %swap3A_459] {strides = array<i32>} : memref<64x512xf32, #tpu.memory_space<vmem>>, vector<16xf32>,
        tpu.vector_store %arg6[%swap3A_458, %swap3A_459], %gather3A_428 {strides = array<i32>} : memref<64x512xf32, #tpu.memory_space<vmem>>, vector<16xf32>,
        %swap3A_461 = arith.constant 28 : i32
        %swap3A_462 = arith.index_cast %swap3A_461 : i32 to index
        %swap3A_463 = arith.index_cast %mul3A_219 : i32 to index
        %swap3A_464 = tpu.vector_load %arg6[%swap3A_462, %swap3A_463] {strides = array<i32>} : memref<64x512xf32, #tpu.memory_space<vmem>>, vector<16xf32>,
        tpu.vector_store %arg6[%swap3A_462, %swap3A_463], %gather3A_432 {strides = array<i32>} : memref<64x512xf32, #tpu.memory_space<vmem>>, vector<16xf32>,
        %swap3A_465 = arith.constant 29 : i32
        %swap3A_466 = arith.index_cast %swap3A_465 : i32 to index
        %swap3A_467 = arith.index_cast %mul3A_219 : i32 to index
        %swap3A_468 = tpu.vector_load %arg6[%swap3A_466, %swap3A_467] {strides = array<i32>} : memref<64x512xf32, #tpu.memory_space<vmem>>, vector<16xf32>,
        tpu.vector_store %arg6[%swap3A_466, %swap3A_467], %gather3A_436 {strides = array<i32>} : memref<64x512xf32, #tpu.memory_space<vmem>>, vector<16xf32>,
        %swap3A_469 = arith.constant 30 : i32
        %swap3A_470 = arith.index_cast %swap3A_469 : i32 to index
        %swap3A_471 = arith.index_cast %mul3A_219 : i32 to index
        %swap3A_472 = tpu.vector_load %arg6[%swap3A_470, %swap3A_471] {strides = array<i32>} : memref<64x512xf32, #tpu.memory_space<vmem>>, vector<16xf32>,
        tpu.vector_store %arg6[%swap3A_470, %swap3A_471], %gather3A_440 {strides = array<i32>} : memref<64x512xf32, #tpu.memory_space<vmem>>, vector<16xf32>,
        %swap3A_473 = arith.constant 31 : i32
        %swap3A_474 = arith.index_cast %swap3A_473 : i32 to index
        %swap3A_475 = arith.index_cast %mul3A_219 : i32 to index
        %swap3A_476 = tpu.vector_load %arg6[%swap3A_474, %swap3A_475] {strides = array<i32>} : memref<64x512xf32, #tpu.memory_space<vmem>>, vector<16xf32>,
        tpu.vector_store %arg6[%swap3A_474, %swap3A_475], %gather3A_444 {strides = array<i32>} : memref<64x512xf32, #tpu.memory_space<vmem>>, vector<16xf32>,
        %add3A_477 = arith.constant 512 : i32
        %add3A_478 = vector.broadcast %add3A_477 : i32 to vector<16xi32>
        %add3A_479 = arith.addi %get3A_222, %add3A_478 : vector<16xi32>
        %gather3A_480 = tpu.vector_load_idx %arg8[%add3A_479] : memref<1024xf32, #tpu.memory_space<vmem>>[vector<16xi32>], vector<16xf32>,
        %add3A_481 = arith.constant 528 : i32
        %add3A_482 = vector.broadcast %add3A_481 : i32 to vector<16xi32>
        %add3A_483 = arith.addi %get3A_222, %add3A_482 : vector<16xi32>
        %gather3A_484 = tpu.vector_load_idx %arg8[%add3A_483] : memref<1024xf32, #tpu.memory_space<vmem>>[vector<16xi32>], vector<16xf32>,
        %add3A_485 = arith.constant 544 : i32
        %add3A_486 = vector.broadcast %add3A_485 : i32 to vector<16xi32>
        %add3A_487 = arith.addi %get3A_222, %add3A_486 : vector<16xi32>
        %gather3A_488 = tpu.vector_load_idx %arg8[%add3A_487] : memref<1024xf32, #tpu.memory_space<vmem>>[vector<16xi32>], vector<16xf32>,
        %add3A_489 = arith.constant 560 : i32
        %add3A_490 = vector.broadcast %add3A_489 : i32 to vector<16xi32>
        %add3A_491 = arith.addi %get3A_222, %add3A_490 : vector<16xi32>
        %gather3A_492 = tpu.vector_load_idx %arg8[%add3A_491] : memref<1024xf32, #tpu.memory_space<vmem>>[vector<16xi32>], vector<16xf32>,
        %add3A_493 = arith.constant 576 : i32
        %add3A_494 = vector.broadcast %add3A_493 : i32 to vector<16xi32>
        %add3A_495 = arith.addi %get3A_222, %add3A_494 : vector<16xi32>
        %gather3A_496 = tpu.vector_load_idx %arg8[%add3A_495] : memref<1024xf32, #tpu.memory_space<vmem>>[vector<16xi32>], vector<16xf32>,
        %add3A_497 = arith.constant 592 : i32
        %add3A_498 = vector.broadcast %add3A_497 : i32 to vector<16xi32>
        %add3A_499 = arith.addi %get3A_222, %add3A_498 : vector<16xi32>
        %gather3A_500 = tpu.vector_load_idx %arg8[%add3A_499] : memref<1024xf32, #tpu.memory_space<vmem>>[vector<16xi32>], vector<16xf32>,
        %add3A_501 = arith.constant 608 : i32
        %add3A_502 = vector.broadcast %add3A_501 : i32 to vector<16xi32>
        %add3A_503 = arith.addi %get3A_222, %add3A_502 : vector<16xi32>
        %gather3A_504 = tpu.vector_load_idx %arg8[%add3A_503] : memref<1024xf32, #tpu.memory_space<vmem>>[vector<16xi32>], vector<16xf32>,
        %add3A_505 = arith.constant 624 : i32
        %add3A_506 = vector.broadcast %add3A_505 : i32 to vector<16xi32>
        %add3A_507 = arith.addi %get3A_222, %add3A_506 : vector<16xi32>
        %gather3A_508 = tpu.vector_load_idx %arg8[%add3A_507] : memref<1024xf32, #tpu.memory_space<vmem>>[vector<16xi32>], vector<16xf32>,
        %swap3A_509 = arith.constant 32 : i32
        %swap3A_510 = arith.index_cast %swap3A_509 : i32 to index
        %swap3A_511 = arith.index_cast %mul3A_219 : i32 to index
        %swap3A_512 = tpu.vector_load %arg6[%swap3A_510, %swap3A_511] {strides = array<i32>} : memref<64x512xf32, #tpu.memory_space<vmem>>, vector<16xf32>,
        tpu.vector_store %arg6[%swap3A_510, %swap3A_511], %gather3A_480 {strides = array<i32>} : memref<64x512xf32, #tpu.memory_space<vmem>>, vector<16xf32>,
        %swap3A_513 = arith.constant 33 : i32
        %swap3A_514 = arith.index_cast %swap3A_513 : i32 to index
        %swap3A_515 = arith.index_cast %mul3A_219 : i32 to index
        %swap3A_516 = tpu.vector_load %arg6[%swap3A_514, %swap3A_515] {strides = array<i32>} : memref<64x512xf32, #tpu.memory_space<vmem>>, vector<16xf32>,
        tpu.vector_store %arg6[%swap3A_514, %swap3A_515], %gather3A_484 {strides = array<i32>} : memref<64x512xf32, #tpu.memory_space<vmem>>, vector<16xf32>,
        %swap3A_517 = arith.constant 34 : i32
        %swap3A_518 = arith.index_cast %swap3A_517 : i32 to index
        %swap3A_519 = arith.index_cast %mul3A_219 : i32 to index
        %swap3A_520 = tpu.vector_load %arg6[%swap3A_518, %swap3A_519] {strides = array<i32>} : memref<64x512xf32, #tpu.memory_space<vmem>>, vector<16xf32>,
        tpu.vector_store %arg6[%swap3A_518, %swap3A_519], %gather3A_488 {strides = array<i32>} : memref<64x512xf32, #tpu.memory_space<vmem>>, vector<16xf32>,
        %swap3A_521 = arith.constant 35 : i32
        %swap3A_522 = arith.index_cast %swap3A_521 : i32 to index
        %swap3A_523 = arith.index_cast %mul3A_219 : i32 to index
        %swap3A_524 = tpu.vector_load %arg6[%swap3A_522, %swap3A_523] {strides = array<i32>} : memref<64x512xf32, #tpu.memory_space<vmem>>, vector<16xf32>,
        tpu.vector_store %arg6[%swap3A_522, %swap3A_523], %gather3A_492 {strides = array<i32>} : memref<64x512xf32, #tpu.memory_space<vmem>>, vector<16xf32>,
        %swap3A_525 = arith.constant 36 : i32
        %swap3A_526 = arith.index_cast %swap3A_525 : i32 to index
        %swap3A_527 = arith.index_cast %mul3A_219 : i32 to index
        %swap3A_528 = tpu.vector_load %arg6[%swap3A_526, %swap3A_527] {strides = array<i32>} : memref<64x512xf32, #tpu.memory_space<vmem>>, vector<16xf32>,
        tpu.vector_store %arg6[%swap3A_526, %swap3A_527], %gather3A_496 {strides = array<i32>} : memref<64x512xf32, #tpu.memory_space<vmem>>, vector<16xf32>,
        %swap3A_529 = arith.constant 37 : i32
        %swap3A_530 = arith.index_cast %swap3A_529 : i32 to index
        %swap3A_531 = arith.index_cast %mul3A_219 : i32 to index
        %swap3A_532 = tpu.vector_load %arg6[%swap3A_530, %swap3A_531] {strides = array<i32>} : memref<64x512xf32, #tpu.memory_space<vmem>>, vector<16xf32>,
        tpu.vector_store %arg6[%swap3A_530, %swap3A_531], %gather3A_500 {strides = array<i32>} : memref<64x512xf32, #tpu.memory_space<vmem>>, vector<16xf32>,
        %swap3A_533 = arith.constant 38 : i32
        %swap3A_534 = arith.index_cast %swap3A_533 : i32 to index
        %swap3A_535 = arith.index_cast %mul3A_219 : i32 to index
        %swap3A_536 = tpu.vector_load %arg6[%swap3A_534, %swap3A_535] {strides = array<i32>} : memref<64x512xf32, #tpu.memory_space<vmem>>, vector<16xf32>,
        tpu.vector_store %arg6[%swap3A_534, %swap3A_535], %gather3A_504 {strides = array<i32>} : memref<64x512xf32, #tpu.memory_space<vmem>>, vector<16xf32>,
        %swap3A_537 = arith.constant 39 : i32
        %swap3A_538 = arith.index_cast %swap3A_537 : i32 to index
        %swap3A_539 = arith.index_cast %mul3A_219 : i32 to index
        %swap3A_540 = tpu.vector_load %arg6[%swap3A_538, %swap3A_539] {strides = array<i32>} : memref<64x512xf32, #tpu.memory_space<vmem>>, vector<16xf32>,
        tpu.vector_store %arg6[%swap3A_538, %swap3A_539], %gather3A_508 {strides = array<i32>} : memref<64x512xf32, #tpu.memory_space<vmem>>, vector<16xf32>,
        %add3A_541 = arith.constant 640 : i32
        %add3A_542 = vector.broadcast %add3A_541 : i32 to vector<16xi32>
        %add3A_543 = arith.addi %get3A_222, %add3A_542 : vector<16xi32>
        %gather3A_544 = tpu.vector_load_idx %arg8[%add3A_543] : memref<1024xf32, #tpu.memory_space<vmem>>[vector<16xi32>], vector<16xf32>,
        %add3A_545 = arith.constant 656 : i32
        %add3A_546 = vector.broadcast %add3A_545 : i32 to vector<16xi32>
        %add3A_547 = arith.addi %get3A_222, %add3A_546 : vector<16xi32>
        %gather3A_548 = tpu.vector_load_idx %arg8[%add3A_547] : memref<1024xf32, #tpu.memory_space<vmem>>[vector<16xi32>], vector<16xf32>,
        %add3A_549 = arith.constant 672 : i32
        %add3A_550 = vector.broadcast %add3A_549 : i32 to vector<16xi32>
        %add3A_551 = arith.addi %get3A_222, %add3A_550 : vector<16xi32>
        %gather3A_552 = tpu.vector_load_idx %arg8[%add3A_551] : memref<1024xf32, #tpu.memory_space<vmem>>[vector<16xi32>], vector<16xf32>,
        %add3A_553 = arith.constant 688 : i32
        %add3A_554 = vector.broadcast %add3A_553 : i32 to vector<16xi32>
        %add3A_555 = arith.addi %get3A_222, %add3A_554 : vector<16xi32>
        %gather3A_556 = tpu.vector_load_idx %arg8[%add3A_555] : memref<1024xf32, #tpu.memory_space<vmem>>[vector<16xi32>], vector<16xf32>,
        %add3A_557 = arith.constant 704 : i32
        %add3A_558 = vector.broadcast %add3A_557 : i32 to vector<16xi32>
        %add3A_559 = arith.addi %get3A_222, %add3A_558 : vector<16xi32>
        %gather3A_560 = tpu.vector_load_idx %arg8[%add3A_559] : memref<1024xf32, #tpu.memory_space<vmem>>[vector<16xi32>], vector<16xf32>,
        %add3A_561 = arith.constant 720 : i32
        %add3A_562 = vector.broadcast %add3A_561 : i32 to vector<16xi32>
        %add3A_563 = arith.addi %get3A_222, %add3A_562 : vector<16xi32>
        %gather3A_564 = tpu.vector_load_idx %arg8[%add3A_563] : memref<1024xf32, #tpu.memory_space<vmem>>[vector<16xi32>], vector<16xf32>,
        %add3A_565 = arith.constant 736 : i32
        %add3A_566 = vector.broadcast %add3A_565 : i32 to vector<16xi32>
        %add3A_567 = arith.addi %get3A_222, %add3A_566 : vector<16xi32>
        %gather3A_568 = tpu.vector_load_idx %arg8[%add3A_567] : memref<1024xf32, #tpu.memory_space<vmem>>[vector<16xi32>], vector<16xf32>,
        %add3A_569 = arith.constant 752 : i32
        %add3A_570 = vector.broadcast %add3A_569 : i32 to vector<16xi32>
        %add3A_571 = arith.addi %get3A_222, %add3A_570 : vector<16xi32>
        %gather3A_572 = tpu.vector_load_idx %arg8[%add3A_571] : memref<1024xf32, #tpu.memory_space<vmem>>[vector<16xi32>], vector<16xf32>,
        %swap3A_573 = arith.constant 40 : i32
        %swap3A_574 = arith.index_cast %swap3A_573 : i32 to index
        %swap3A_575 = arith.index_cast %mul3A_219 : i32 to index
        %swap3A_576 = tpu.vector_load %arg6[%swap3A_574, %swap3A_575] {strides = array<i32>} : memref<64x512xf32, #tpu.memory_space<vmem>>, vector<16xf32>,
        tpu.vector_store %arg6[%swap3A_574, %swap3A_575], %gather3A_544 {strides = array<i32>} : memref<64x512xf32, #tpu.memory_space<vmem>>, vector<16xf32>,
        %swap3A_577 = arith.constant 41 : i32
        %swap3A_578 = arith.index_cast %swap3A_577 : i32 to index
        %swap3A_579 = arith.index_cast %mul3A_219 : i32 to index
        %swap3A_580 = tpu.vector_load %arg6[%swap3A_578, %swap3A_579] {strides = array<i32>} : memref<64x512xf32, #tpu.memory_space<vmem>>, vector<16xf32>,
        tpu.vector_store %arg6[%swap3A_578, %swap3A_579], %gather3A_548 {strides = array<i32>} : memref<64x512xf32, #tpu.memory_space<vmem>>, vector<16xf32>,
        %swap3A_581 = arith.constant 42 : i32
        %swap3A_582 = arith.index_cast %swap3A_581 : i32 to index
        %swap3A_583 = arith.index_cast %mul3A_219 : i32 to index
        %swap3A_584 = tpu.vector_load %arg6[%swap3A_582, %swap3A_583] {strides = array<i32>} : memref<64x512xf32, #tpu.memory_space<vmem>>, vector<16xf32>,
        tpu.vector_store %arg6[%swap3A_582, %swap3A_583], %gather3A_552 {strides = array<i32>} : memref<64x512xf32, #tpu.memory_space<vmem>>, vector<16xf32>,
        %swap3A_585 = arith.constant 43 : i32
        %swap3A_586 = arith.index_cast %swap3A_585 : i32 to index
        %swap3A_587 = arith.index_cast %mul3A_219 : i32 to index
        %swap3A_588 = tpu.vector_load %arg6[%swap3A_586, %swap3A_587] {strides = array<i32>} : memref<64x512xf32, #tpu.memory_space<vmem>>, vector<16xf32>,
        tpu.vector_store %arg6[%swap3A_586, %swap3A_587], %gather3A_556 {strides = array<i32>} : memref<64x512xf32, #tpu.memory_space<vmem>>, vector<16xf32>,
        %swap3A_589 = arith.constant 44 : i32
        %swap3A_590 = arith.index_cast %swap3A_589 : i32 to index
        %swap3A_591 = arith.index_cast %mul3A_219 : i32 to index
        %swap3A_592 = tpu.vector_load %arg6[%swap3A_590, %swap3A_591] {strides = array<i32>} : memref<64x512xf32, #tpu.memory_space<vmem>>, vector<16xf32>,
        tpu.vector_store %arg6[%swap3A_590, %swap3A_591], %gather3A_560 {strides = array<i32>} : memref<64x512xf32, #tpu.memory_space<vmem>>, vector<16xf32>,
        %swap3A_593 = arith.constant 45 : i32
        %swap3A_594 = arith.index_cast %swap3A_593 : i32 to index
        %swap3A_595 = arith.index_cast %mul3A_219 : i32 to index
        %swap3A_596 = tpu.vector_load %arg6[%swap3A_594, %swap3A_595] {strides = array<i32>} : memref<64x512xf32, #tpu.memory_space<vmem>>, vector<16xf32>,
        tpu.vector_store %arg6[%swap3A_594, %swap3A_595], %gather3A_564 {strides = array<i32>} : memref<64x512xf32, #tpu.memory_space<vmem>>, vector<16xf32>,
        %swap3A_597 = arith.constant 46 : i32
        %swap3A_598 = arith.index_cast %swap3A_597 : i32 to index
        %swap3A_599 = arith.index_cast %mul3A_219 : i32 to index
        %swap3A_600 = tpu.vector_load %arg6[%swap3A_598, %swap3A_599] {strides = array<i32>} : memref<64x512xf32, #tpu.memory_space<vmem>>, vector<16xf32>,
        tpu.vector_store %arg6[%swap3A_598, %swap3A_599], %gather3A_568 {strides = array<i32>} : memref<64x512xf32, #tpu.memory_space<vmem>>, vector<16xf32>,
        %swap3A_601 = arith.constant 47 : i32
        %swap3A_602 = arith.index_cast %swap3A_601 : i32 to index
        %swap3A_603 = arith.index_cast %mul3A_219 : i32 to index
        %swap3A_604 = tpu.vector_load %arg6[%swap3A_602, %swap3A_603] {strides = array<i32>} : memref<64x512xf32, #tpu.memory_space<vmem>>, vector<16xf32>,
        tpu.vector_store %arg6[%swap3A_602, %swap3A_603], %gather3A_572 {strides = array<i32>} : memref<64x512xf32, #tpu.memory_space<vmem>>, vector<16xf32>,
        %add3A_605 = arith.constant 768 : i32
        %add3A_606 = vector.broadcast %add3A_605 : i32 to vector<16xi32>
        %add3A_607 = arith.addi %get3A_222, %add3A_606 : vector<16xi32>
        %gather3A_608 = tpu.vector_load_idx %arg8[%add3A_607] : memref<1024xf32, #tpu.memory_space<vmem>>[vector<16xi32>], vector<16xf32>,
        %add3A_609 = arith.constant 784 : i32
        %add3A_610 = vector.broadcast %add3A_609 : i32 to vector<16xi32>
        %add3A_611 = arith.addi %get3A_222, %add3A_610 : vector<16xi32>
        %gather3A_612 = tpu.vector_load_idx %arg8[%add3A_611] : memref<1024xf32, #tpu.memory_space<vmem>>[vector<16xi32>], vector<16xf32>,
        %add3A_613 = arith.constant 800 : i32
        %add3A_614 = vector.broadcast %add3A_613 : i32 to vector<16xi32>
        %add3A_615 = arith.addi %get3A_222, %add3A_614 : vector<16xi32>
        %gather3A_616 = tpu.vector_load_idx %arg8[%add3A_615] : memref<1024xf32, #tpu.memory_space<vmem>>[vector<16xi32>], vector<16xf32>,
        %add3A_617 = arith.constant 816 : i32
        %add3A_618 = vector.broadcast %add3A_617 : i32 to vector<16xi32>
        %add3A_619 = arith.addi %get3A_222, %add3A_618 : vector<16xi32>
        %gather3A_620 = tpu.vector_load_idx %arg8[%add3A_619] : memref<1024xf32, #tpu.memory_space<vmem>>[vector<16xi32>], vector<16xf32>,
        %add3A_621 = arith.constant 832 : i32
        %add3A_622 = vector.broadcast %add3A_621 : i32 to vector<16xi32>
        %add3A_623 = arith.addi %get3A_222, %add3A_622 : vector<16xi32>
        %gather3A_624 = tpu.vector_load_idx %arg8[%add3A_623] : memref<1024xf32, #tpu.memory_space<vmem>>[vector<16xi32>], vector<16xf32>,
        %add3A_625 = arith.constant 848 : i32
        %add3A_626 = vector.broadcast %add3A_625 : i32 to vector<16xi32>
        %add3A_627 = arith.addi %get3A_222, %add3A_626 : vector<16xi32>
        %gather3A_628 = tpu.vector_load_idx %arg8[%add3A_627] : memref<1024xf32, #tpu.memory_space<vmem>>[vector<16xi32>], vector<16xf32>,
        %add3A_629 = arith.constant 864 : i32
        %add3A_630 = vector.broadcast %add3A_629 : i32 to vector<16xi32>
        %add3A_631 = arith.addi %get3A_222, %add3A_630 : vector<16xi32>
        %gather3A_632 = tpu.vector_load_idx %arg8[%add3A_631] : memref<1024xf32, #tpu.memory_space<vmem>>[vector<16xi32>], vector<16xf32>,
        %add3A_633 = arith.constant 880 : i32
        %add3A_634 = vector.broadcast %add3A_633 : i32 to vector<16xi32>
        %add3A_635 = arith.addi %get3A_222, %add3A_634 : vector<16xi32>
        %gather3A_636 = tpu.vector_load_idx %arg8[%add3A_635] : memref<1024xf32, #tpu.memory_space<vmem>>[vector<16xi32>], vector<16xf32>,
        %swap3A_637 = arith.constant 48 : i32
        %swap3A_638 = arith.index_cast %swap3A_637 : i32 to index
        %swap3A_639 = arith.index_cast %mul3A_219 : i32 to index
        %swap3A_640 = tpu.vector_load %arg6[%swap3A_638, %swap3A_639] {strides = array<i32>} : memref<64x512xf32, #tpu.memory_space<vmem>>, vector<16xf32>,
        tpu.vector_store %arg6[%swap3A_638, %swap3A_639], %gather3A_608 {strides = array<i32>} : memref<64x512xf32, #tpu.memory_space<vmem>>, vector<16xf32>,
        %swap3A_641 = arith.constant 49 : i32
        %swap3A_642 = arith.index_cast %swap3A_641 : i32 to index
        %swap3A_643 = arith.index_cast %mul3A_219 : i32 to index
        %swap3A_644 = tpu.vector_load %arg6[%swap3A_642, %swap3A_643] {strides = array<i32>} : memref<64x512xf32, #tpu.memory_space<vmem>>, vector<16xf32>,
        tpu.vector_store %arg6[%swap3A_642, %swap3A_643], %gather3A_612 {strides = array<i32>} : memref<64x512xf32, #tpu.memory_space<vmem>>, vector<16xf32>,
        %swap3A_645 = arith.constant 50 : i32
        %swap3A_646 = arith.index_cast %swap3A_645 : i32 to index
        %swap3A_647 = arith.index_cast %mul3A_219 : i32 to index
        %swap3A_648 = tpu.vector_load %arg6[%swap3A_646, %swap3A_647] {strides = array<i32>} : memref<64x512xf32, #tpu.memory_space<vmem>>, vector<16xf32>,
        tpu.vector_store %arg6[%swap3A_646, %swap3A_647], %gather3A_616 {strides = array<i32>} : memref<64x512xf32, #tpu.memory_space<vmem>>, vector<16xf32>,
        %swap3A_649 = arith.constant 51 : i32
        %swap3A_650 = arith.index_cast %swap3A_649 : i32 to index
        %swap3A_651 = arith.index_cast %mul3A_219 : i32 to index
        %swap3A_652 = tpu.vector_load %arg6[%swap3A_650, %swap3A_651] {strides = array<i32>} : memref<64x512xf32, #tpu.memory_space<vmem>>, vector<16xf32>,
        tpu.vector_store %arg6[%swap3A_650, %swap3A_651], %gather3A_620 {strides = array<i32>} : memref<64x512xf32, #tpu.memory_space<vmem>>, vector<16xf32>,
        %swap3A_653 = arith.constant 52 : i32
        %swap3A_654 = arith.index_cast %swap3A_653 : i32 to index
        %swap3A_655 = arith.index_cast %mul3A_219 : i32 to index
        %swap3A_656 = tpu.vector_load %arg6[%swap3A_654, %swap3A_655] {strides = array<i32>} : memref<64x512xf32, #tpu.memory_space<vmem>>, vector<16xf32>,
        tpu.vector_store %arg6[%swap3A_654, %swap3A_655], %gather3A_624 {strides = array<i32>} : memref<64x512xf32, #tpu.memory_space<vmem>>, vector<16xf32>,
        %swap3A_657 = arith.constant 53 : i32
        %swap3A_658 = arith.index_cast %swap3A_657 : i32 to index
        %swap3A_659 = arith.index_cast %mul3A_219 : i32 to index
        %swap3A_660 = tpu.vector_load %arg6[%swap3A_658, %swap3A_659] {strides = array<i32>} : memref<64x512xf32, #tpu.memory_space<vmem>>, vector<16xf32>,
        tpu.vector_store %arg6[%swap3A_658, %swap3A_659], %gather3A_628 {strides = array<i32>} : memref<64x512xf32, #tpu.memory_space<vmem>>, vector<16xf32>,
        %swap3A_661 = arith.constant 54 : i32
        %swap3A_662 = arith.index_cast %swap3A_661 : i32 to index
        %swap3A_663 = arith.index_cast %mul3A_219 : i32 to index
        %swap3A_664 = tpu.vector_load %arg6[%swap3A_662, %swap3A_663] {strides = array<i32>} : memref<64x512xf32, #tpu.memory_space<vmem>>, vector<16xf32>,
        tpu.vector_store %arg6[%swap3A_662, %swap3A_663], %gather3A_632 {strides = array<i32>} : memref<64x512xf32, #tpu.memory_space<vmem>>, vector<16xf32>,
        %swap3A_665 = arith.constant 55 : i32
        %swap3A_666 = arith.index_cast %swap3A_665 : i32 to index
        %swap3A_667 = arith.index_cast %mul3A_219 : i32 to index
        %swap3A_668 = tpu.vector_load %arg6[%swap3A_666, %swap3A_667] {strides = array<i32>} : memref<64x512xf32, #tpu.memory_space<vmem>>, vector<16xf32>,
        tpu.vector_store %arg6[%swap3A_666, %swap3A_667], %gather3A_636 {strides = array<i32>} : memref<64x512xf32, #tpu.memory_space<vmem>>, vector<16xf32>,
        %add3A_669 = arith.constant 896 : i32
        %add3A_670 = vector.broadcast %add3A_669 : i32 to vector<16xi32>
        %add3A_671 = arith.addi %get3A_222, %add3A_670 : vector<16xi32>
        %gather3A_672 = tpu.vector_load_idx %arg8[%add3A_671] : memref<1024xf32, #tpu.memory_space<vmem>>[vector<16xi32>], vector<16xf32>,
        %add3A_673 = arith.constant 912 : i32
        %add3A_674 = vector.broadcast %add3A_673 : i32 to vector<16xi32>
        %add3A_675 = arith.addi %get3A_222, %add3A_674 : vector<16xi32>
        %gather3A_676 = tpu.vector_load_idx %arg8[%add3A_675] : memref<1024xf32, #tpu.memory_space<vmem>>[vector<16xi32>], vector<16xf32>,
        %add3A_677 = arith.constant 928 : i32
        %add3A_678 = vector.broadcast %add3A_677 : i32 to vector<16xi32>
        %add3A_679 = arith.addi %get3A_222, %add3A_678 : vector<16xi32>
        %gather3A_680 = tpu.vector_load_idx %arg8[%add3A_679] : memref<1024xf32, #tpu.memory_space<vmem>>[vector<16xi32>], vector<16xf32>,
        %add3A_681 = arith.constant 944 : i32
        %add3A_682 = vector.broadcast %add3A_681 : i32 to vector<16xi32>
        %add3A_683 = arith.addi %get3A_222, %add3A_682 : vector<16xi32>
        %gather3A_684 = tpu.vector_load_idx %arg8[%add3A_683] : memref<1024xf32, #tpu.memory_space<vmem>>[vector<16xi32>], vector<16xf32>,
        %add3A_685 = arith.constant 960 : i32
        %add3A_686 = vector.broadcast %add3A_685 : i32 to vector<16xi32>
        %add3A_687 = arith.addi %get3A_222, %add3A_686 : vector<16xi32>
        %gather3A_688 = tpu.vector_load_idx %arg8[%add3A_687] : memref<1024xf32, #tpu.memory_space<vmem>>[vector<16xi32>], vector<16xf32>,
        %add3A_689 = arith.constant 976 : i32
        %add3A_690 = vector.broadcast %add3A_689 : i32 to vector<16xi32>
        %add3A_691 = arith.addi %get3A_222, %add3A_690 : vector<16xi32>
        %gather3A_692 = tpu.vector_load_idx %arg8[%add3A_691] : memref<1024xf32, #tpu.memory_space<vmem>>[vector<16xi32>], vector<16xf32>,
        %add3A_693 = arith.constant 992 : i32
        %add3A_694 = vector.broadcast %add3A_693 : i32 to vector<16xi32>
        %add3A_695 = arith.addi %get3A_222, %add3A_694 : vector<16xi32>
        %gather3A_696 = tpu.vector_load_idx %arg8[%add3A_695] : memref<1024xf32, #tpu.memory_space<vmem>>[vector<16xi32>], vector<16xf32>,
        %add3A_697 = arith.constant 1008 : i32
        %add3A_698 = vector.broadcast %add3A_697 : i32 to vector<16xi32>
        %add3A_699 = arith.addi %get3A_222, %add3A_698 : vector<16xi32>
        %gather3A_700 = tpu.vector_load_idx %arg8[%add3A_699] : memref<1024xf32, #tpu.memory_space<vmem>>[vector<16xi32>], vector<16xf32>,
        %swap3A_701 = arith.constant 56 : i32
        %swap3A_702 = arith.index_cast %swap3A_701 : i32 to index
        %swap3A_703 = arith.index_cast %mul3A_219 : i32 to index
        %swap3A_704 = tpu.vector_load %arg6[%swap3A_702, %swap3A_703] {strides = array<i32>} : memref<64x512xf32, #tpu.memory_space<vmem>>, vector<16xf32>,
        tpu.vector_store %arg6[%swap3A_702, %swap3A_703], %gather3A_672 {strides = array<i32>} : memref<64x512xf32, #tpu.memory_space<vmem>>, vector<16xf32>,
        %swap3A_705 = arith.constant 57 : i32
        %swap3A_706 = arith.index_cast %swap3A_705 : i32 to index
        %swap3A_707 = arith.index_cast %mul3A_219 : i32 to index
        %swap3A_708 = tpu.vector_load %arg6[%swap3A_706, %swap3A_707] {strides = array<i32>} : memref<64x512xf32, #tpu.memory_space<vmem>>, vector<16xf32>,
        tpu.vector_store %arg6[%swap3A_706, %swap3A_707], %gather3A_676 {strides = array<i32>} : memref<64x512xf32, #tpu.memory_space<vmem>>, vector<16xf32>,
        %swap3A_709 = arith.constant 58 : i32
        %swap3A_710 = arith.index_cast %swap3A_709 : i32 to index
        %swap3A_711 = arith.index_cast %mul3A_219 : i32 to index
        %swap3A_712 = tpu.vector_load %arg6[%swap3A_710, %swap3A_711] {strides = array<i32>} : memref<64x512xf32, #tpu.memory_space<vmem>>, vector<16xf32>,
        tpu.vector_store %arg6[%swap3A_710, %swap3A_711], %gather3A_680 {strides = array<i32>} : memref<64x512xf32, #tpu.memory_space<vmem>>, vector<16xf32>,
        %swap3A_713 = arith.constant 59 : i32
        %swap3A_714 = arith.index_cast %swap3A_713 : i32 to index
        %swap3A_715 = arith.index_cast %mul3A_219 : i32 to index
        %swap3A_716 = tpu.vector_load %arg6[%swap3A_714, %swap3A_715] {strides = array<i32>} : memref<64x512xf32, #tpu.memory_space<vmem>>, vector<16xf32>,
        tpu.vector_store %arg6[%swap3A_714, %swap3A_715], %gather3A_684 {strides = array<i32>} : memref<64x512xf32, #tpu.memory_space<vmem>>, vector<16xf32>,
        %swap3A_717 = arith.constant 60 : i32
        %swap3A_718 = arith.index_cast %swap3A_717 : i32 to index
        %swap3A_719 = arith.index_cast %mul3A_219 : i32 to index
        %swap3A_720 = tpu.vector_load %arg6[%swap3A_718, %swap3A_719] {strides = array<i32>} : memref<64x512xf32, #tpu.memory_space<vmem>>, vector<16xf32>,
        tpu.vector_store %arg6[%swap3A_718, %swap3A_719], %gather3A_688 {strides = array<i32>} : memref<64x512xf32, #tpu.memory_space<vmem>>, vector<16xf32>,
        %swap3A_721 = arith.constant 61 : i32
        %swap3A_722 = arith.index_cast %swap3A_721 : i32 to index
        %swap3A_723 = arith.index_cast %mul3A_219 : i32 to index
        %swap3A_724 = tpu.vector_load %arg6[%swap3A_722, %swap3A_723] {strides = array<i32>} : memref<64x512xf32, #tpu.memory_space<vmem>>, vector<16xf32>,
        tpu.vector_store %arg6[%swap3A_722, %swap3A_723], %gather3A_692 {strides = array<i32>} : memref<64x512xf32, #tpu.memory_space<vmem>>, vector<16xf32>,
        %swap3A_725 = arith.constant 62 : i32
        %swap3A_726 = arith.index_cast %swap3A_725 : i32 to index
        %swap3A_727 = arith.index_cast %mul3A_219 : i32 to index
        %swap3A_728 = tpu.vector_load %arg6[%swap3A_726, %swap3A_727] {strides = array<i32>} : memref<64x512xf32, #tpu.memory_space<vmem>>, vector<16xf32>,
        tpu.vector_store %arg6[%swap3A_726, %swap3A_727], %gather3A_696 {strides = array<i32>} : memref<64x512xf32, #tpu.memory_space<vmem>>, vector<16xf32>,
        %swap3A_729 = arith.constant 63 : i32
        %swap3A_730 = arith.index_cast %swap3A_729 : i32 to index
        %swap3A_731 = arith.index_cast %mul3A_219 : i32 to index
        %swap3A_732 = tpu.vector_load %arg6[%swap3A_730, %swap3A_731] {strides = array<i32>} : memref<64x512xf32, #tpu.memory_space<vmem>>, vector<16xf32>,
        tpu.vector_store %arg6[%swap3A_730, %swap3A_731], %gather3A_700 {strides = array<i32>} : memref<64x512xf32, #tpu.memory_space<vmem>>, vector<16xf32>,
      }
      %scan3A_204 = arith.constant 32 : i32
      %mul3A_205 = arith.constant 4 : i32
      %mul3A_206 = arith.muli %add3A_106, %mul3A_205 : i32
      %sub3A_207 = arith.constant 4 : i32
      %sub3A_208 = arith.subi %add3A_8, %sub3A_207 : i32
      %min3A_209 = arith.minsi %mul3A_206, %sub3A_208 : i32
      %add3A_210 = arith.addi %add3A_4, %min3A_209 : i32
      %mul3A_211 = arith.constant 128 : i32
      %mul3A_212 = arith.muli %mul3A_211, %add3A_210 : i32
      %dma_start3A_213 = arith.constant 0 : i32
      %dma_start3A_214 = tpu.memref_slice %arg4[%dma_start3A_213, %mul3A_212] : memref<64x800000xf32, #tpu.memory_space<hbm>> -> memref<64x512xf32, #tpu.memory_space<hbm>>
      %dma_start3A_215 = arith.constant 0 : i32
      %dma_start3A_216 = tpu.memref_slice %arg4[%dma_start3A_215, %mul3A_212] : memref<64x800000xf32, #tpu.memory_space<hbm>> -> memref<64x512xf32, #tpu.memory_space<hbm>>
      tpu.enqueue_dma source(%arg6 : memref<64x512xf32, #tpu.memory_space<vmem>>) target(%dma_start3A_216 : memref<64x512xf32, #tpu.memory_space<hbm>>) target_semaphore(%arg11 : memref<!tpu.dma_semaphore, #tpu.memory_space<semaphore_mem>>)
    }
    %scan3A_75 = arith.constant 24 : i32
    %sub3A_76 = arith.constant 4 : i32
    %sub3A_77 = arith.subi %add3A_8, %sub3A_76 : i32
    %min3A_78 = arith.constant 188 : i32
    %min3A_79 = arith.minsi %min3A_78, %sub3A_77 : i32
    %add3A_80 = arith.addi %add3A_4, %min3A_79 : i32
    %mul3A_81 = arith.constant 128 : i32
    %mul3A_82 = arith.muli %mul3A_81, %add3A_80 : i32
    %dma_wait3A_83 = arith.constant 0 : i32
    %dma_wait3A_84 = tpu.memref_slice %arg4[%dma_wait3A_83, %mul3A_82] : memref<64x800000xf32, #tpu.memory_space<hbm>> -> memref<64x512xf32, #tpu.memory_space<hbm>>
    %dma_wait3A_85 = arith.constant 0 : i32
    %dma_wait3A_86 = tpu.memref_slice %arg4[%dma_wait3A_85, %mul3A_82] : memref<64x800000xf32, #tpu.memory_space<hbm>> -> memref<64x512xf32, #tpu.memory_space<hbm>>
    tpu.wait_dma2 semaphore(%arg12 : memref<!tpu.dma_semaphore, #tpu.memory_space<semaphore_mem>>) src(%arg7 : memref<64x512xf32, #tpu.memory_space<vmem>>) dst(%dma_wait3A_86 : memref<64x512xf32, #tpu.memory_space<hbm>>)
    %sub3A_87 = arith.constant 4 : i32
    %sub3A_88 = arith.subi %add3A_8, %sub3A_87 : i32
    %min3A_89 = arith.constant 192 : i32
    %min3A_90 = arith.minsi %min3A_89, %sub3A_88 : i32
    %add3A_91 = arith.addi %add3A_4, %min3A_90 : i32
    %mul3A_92 = arith.constant 128 : i32
    %mul3A_93 = arith.muli %mul3A_92, %add3A_91 : i32
    %dma_wait3A_94 = arith.constant 0 : i32
    %dma_wait3A_95 = tpu.memref_slice %arg4[%dma_wait3A_94, %mul3A_93] : memref<64x800000xf32, #tpu.memory_space<hbm>> -> memref<64x512xf32, #tpu.memory_space<hbm>>
    %dma_wait3A_96 = arith.constant 0 : i32
    %dma_wait3A_97 = tpu.memref_slice %arg4[%dma_wait3A_96, %mul3A_93] : memref<64x800000xf32, #tpu.memory_space<hbm>> -> memref<64x512xf32, #tpu.memory_space<hbm>>
    tpu.wait_dma2 semaphore(%arg11 : memref<!tpu.dma_semaphore, #tpu.memory_space<semaphore_mem>>) src(%arg6 : memref<64x512xf32, #tpu.memory_space<vmem>>) dst(%dma_wait3A_97 : memref<64x512xf32, #tpu.memory_space<hbm>>)
    return
  }
}

</mosaic_0001>

<sc_bundles>
// kernel: kernel.3.cloned.1.call-start
scs
__scs_entry_jumppad:
0x0: {  	(pc) =	sbr.rel $0x88, $3  }
0x1: {  	(tag) =	ssettag $0x0;
	lr =	simm.s32 $0x1  }
0x2: {  	[smem:$0x3F9F] =	sst lr;
	_ =	strace $0xD0000000  }
0x3: {  	_ = 	snop  }
0x4: {  	_ = 	snop  }
0x5: {  	_ = 	snop  }
0x6: {  	_ = 	snop  }
0x7: {  	_ = 	snop  }
__scs_overlays_trampoline_lowered:
0x8: {  	[smem:$0x3FAE] =	sst s0  }
0x9: {  	[smem:$0x3FAF] =	sst s1  }
0xa: {  	[smem:$0x3FB0] =	sst s2  }
0xb: {  	[smem:$0x3FB1] =	sst s3  }
0xc: {  	[smem:$0x3FB2] =	sst s4  }
0xd: {  	[smem:$0x3FB3] =	sst s5  }
0xe: {  	[smem:$0x3FB4] =	sst s6  }
0xf: {  	[smem:$0x3FB5] =	sst s7  }
0x10: {  	[smem:$0x3FB6] =	sst s8  }
0x11: {  	[smem:$0x3FB7] =	sst s9;
	s0 =	simm.s32 @!p0 $0x0  }
0x12: {  	s1 =	sld [smem:$0x3F9D];
	s0 =	simm.s32 @p0 $0x1  }
0x13: {  	[smem:$0x3FB8] =	sst s0;
	s0 =	simm.s32 @!p1 $0x0  }
0x14: {  	s2 =	sld [smem:$0x3F9C];
	s0 =	simm.s32 @p1 $0x1  }
0x15: {  	[smem:$0x3FB9] =	sst s0;
	s0 =	simm.s32 @!p2 $0x0  }
0x16: {  	s3 =	sld [smem:$0x3FDB];
	s0 =	simm.s32 @p2 $0x1  }
0x17: {  	s4 =	simm.s32 $0x1BF5;
	[smem:$0x3FBB] =	sst s0  }
0x18: {  	s0 =	sld [smem:$0x3F9E];
	_ =	swait.ge [sflag:s4], $0x0  }
0x19: {  	s7 =	sld [smem:$0x3F9F]  }
0x1a: {  	s8 =	sadd.s32 $0xFFFFE003, lr  }
0x1b: {  	s9 =	sadd.s32 $0xFFFFFEF7, lr;
	s5 =	simm.s32 $0xFFFFFFFF;
	p2 =	slt.u32 s8, $0xFFFFF086  }
0x1c: {  	p1 =	slt.u32 s9, $0xF7A;
	s5 =	simm.s32 @!p2 $0x0  }
0x1d: {  	s5 =	simm.s32 @p1 $0x1;
	p0 =	seq.s32 s7, s2  }
0x1e: {  	s7 =	smul.u32 @!p0 $0xF7A, s2;
	p2 =	seq.s32 @!p0 s5, $0x0  }
0x1f: {  	s9 =	smul.u32 $0xF7A, s1;
	s8 =	simm.s32 @!p0 $0x1BF5;
	p2 =	por !p2, p0  }
0x20: {  	[sflag:s8] =	ssyncset.s32 @!p0 $0xFFFFF086;
	s6 =	sadd.s32 @!p0 s3, s7;
	s7 =	simm.s32 @!p0 $0x108  }
0x21: {  	s3 =	sadd.s32 s3, s9;
	s6 =	sadd.s32 @!p0 $0x88, s6;
	s7 =	simm.s32 @p2 $0x1082  }
0x22: {  	[simem:s7], [sflag:s8] =	dma.local @!p0 [hbm:s6], $0xF7A  }
0x23: {  	s9 =	sor.u32 $0xD0000000, s2;
	s6 =	simm.s32 $0x108;
	_ =	swait.ge @!p0 [sflag:s8], $0x0  }
0x24: {  	s3 =	sadd.s32 $0x88, s3;
	s6 =	simm.s32 @!p1 $0x1082;
	[sflag:s4] =	ssyncset.s32 $0xFFFFF086  }
0x25: {  	[simem:s6], [sflag:s4] =	dma.local [hbm:s3], $0xF7A  }
0x26: {  	[smem:$0x3F9F] =	sst s1;
	(tag) =	ssettag s2;
	_ =	strace s9  }
0x27: {  	s1 =	sld [smem:$0x3FAF]  }
0x28: {  	s2 =	sld [smem:$0x3FB0]  }
0x29: {  	s4 =	sld [smem:$0x3FB2]  }
0x2a: {  	p0 =	seq.s32 s5, $0x0;
	s5 =	sld [smem:$0x3FB3]  }
0x2b: {  	s6 =	sld [smem:$0x3FB4]  }
0x2c: {  	s7 =	sld [smem:$0x3FB5]  }
0x2d: {  	s3 =	simm.s32 $0x108;
	s8 =	sld [smem:$0x3FB6]  }
0x2e: {  	s3 =	simm.s32 @!p0 $0x1082;
	s9 =	sld [smem:$0x3FB7]  }
0x2f: {  	lr =	sadd.s32 s0, s3;
	s0 =	sld [smem:$0x3FAE]  }
0x30: {  	s3 =	sld [smem:$0x3FB1]  }
0x31: {  	[smem:$0x3FBA] =	sst s10  }
0x32: {  	s10 =	sld [smem:$0x3FB8];
	_ =	sdelay $0x3  }
0x33: {  	p0 =	seq.s32 s10, $0x1;
	s10 =	sld [smem:$0x3FBA];
	_ =	sdelay $0x3  }
0x34: {  	[smem:$0x3FBA] =	sst s10  }
0x35: {  	s10 =	sld [smem:$0x3FB9];
	_ =	sdelay $0x3  }
0x36: {  	p1 =	seq.s32 s10, $0x1;
	s10 =	sld [smem:$0x3FBA];
	_ =	sdelay $0x3  }
0x37: {  	[smem:$0x3FBA] =	sst s10  }
0x38: {  	s10 =	sld [smem:$0x3FBB]  }
0x39: {  	_ = 	snop;
	(pc) =	sbr.ind lr, $3  }
0x3a: {  	_ = 	snop  }
0x3b: {  	_ = 	snop  }
0x3c: {  	p2 =	seq.s32 s10, $0x1;
	s10 =	sld [smem:$0x3FBA]  }
0x3d: {  	_ =	shalt  }
0x3e: {  	_ =	shalt  }
0x3f: {  	_ =	shalt  }
0x40: {  	_ =	shalt  }
0x41: {  	_ =	shalt  }
0x42: {  	_ =	shalt  }
0x43: {  	_ =	shalt  }
0x44: {  	_ =	shalt  }
0x45: {  	_ =	shalt  }
0x46: {  	_ =	shalt  }
0x47: {  	_ =	shalt  }
0x48: {  	_ =	shalt  }
0x49: {  	_ =	shalt  }
0x4a: {  	_ =	shalt  }
0x4b: {  	_ =	shalt  }
0x4c: {  	_ =	shalt  }
0x4d: {  	_ =	shalt  }
0x4e: {  	_ =	shalt  }
0x4f: {  	_ =	shalt  }
0x50: {  	_ =	shalt  }
0x51: {  	_ =	shalt  }
0x52: {  	_ =	shalt  }
0x53: {  	_ =	shalt  }
0x54: {  	_ =	shalt  }
0x55: {  	_ =	shalt  }
0x56: {  	_ =	shalt  }
0x57: {  	_ =	shalt  }
0x58: {  	_ =	shalt  }
0x59: {  	_ =	shalt  }
0x5a: {  	_ =	shalt  }
0x5b: {  	_ =	shalt  }
0x5c: {  	_ =	shalt  }
0x5d: {  	_ =	shalt  }
0x5e: {  	_ =	shalt  }
0x5f: {  	_ =	shalt  }
0x60: {  	_ =	shalt  }
0x61: {  	_ =	shalt  }
0x62: {  	_ =	shalt  }
0x63: {  	_ =	shalt  }
0x64: {  	_ =	shalt  }
0x65: {  	_ =	shalt  }
0x66: {  	_ =	shalt  }
0x67: {  	_ =	shalt  }
0x68: {  	_ =	shalt  }
0x69: {  	_ =	shalt  }
0x6a: {  	_ =	shalt  }
0x6b: {  	_ =	shalt  }
0x6c: {  	_ =	shalt  }
0x6d: {  	_ =	shalt  }
0x6e: {  	_ =	shalt  }
0x6f: {  	_ =	shalt  }
0x70: {  	_ =	shalt  }
0x71: {  	_ =	shalt  }
0x72: {  	_ =	shalt  }
0x73: {  	_ =	shalt  }
0x74: {  	_ =	shalt  }
0x75: {  	_ =	shalt  }
0x76: {  	_ =	shalt  }
0x77: {  	_ =	shalt  }
0x78: {  	_ =	shalt  }
0x79: {  	_ =	shalt  }
0x7a: {  	_ =	shalt  }
0x7b: {  	_ =	shalt  }
0x7c: {  	_ =	shalt  }
0x7d: {  	_ =	shalt  }
0x7e: {  	_ =	shalt  }
0x7f: {  	_ =	shalt  }
0x80: {  	_ =	shalt  }
0x81: {  	_ =	shalt  }
0x82: {  	_ =	shalt  }
0x83: {  	_ =	shalt  }
0x84: {  	_ =	shalt  }
0x85: {  	_ =	shalt  }
0x86: {  	_ =	shalt  }
0x87: {  	_ =	shalt  }
.Lfunc_end0:
.L_simem_size_0:
called_computation_lowered:
.L_overlay_start_0:
0x88: {  	s2 =	sld [smem:$0x3FD9]  }
0x89: {  	s3 =	sld [smem:$0x3FFE];
	_ =	sdelay $0x1  }
0x8a: {  	s1 =	srdreg.scid  }
0x8b: {  	s0 =	sand.u32 $0x1, s1  }
0x8c: {  	s17 =	sshll.u32 s0, $0xA;
	s2 =	sadd.s32 s3, s2  }
0x8d: {  	s2 =	sadd.s32 s2, s17  }
0x8e: {  	[smem:$0x3FC6] =	sst s2  }
0x8f: {  	_ = 	snop  }
0x90: {  	s2 =	sld [smem:$0x3FC9]  }
0x91: {  	s18 =	sld [smem:$0x3FD0];
	(tm) =	ssettm $0x1  }
0x92: {  	s4 =	sld [smem:$0x3FFB];
	_ =	sdelay $0x3  }
0x93: {  	_ =	strace s4  }
0x94: {  	s4 =	sld [smem:$0x3FFC];
	_ =	sdelay $0x3  }
0x95: {  	_ =	strace s4  }
0x96: {  	s4 =	sld [smem:$0x3FFD];
	_ =	sdelay $0x3  }
0x97: {  	_ =	strace s4  }
0x98: {  	_ =	strace $0x8FFFFFFF  }
0x99: {  	s19 =	sld [smem:$0x3FDB];
	_ =	sdelay $0x1  }
0x9a: {  	s5 =	simm.s32 $_scs_section_size  }
0x9b: {  	s6 =	simm.s32 $_size__tile_overlayer_lowered;
	s7 =	simm.s32 $_tile_overlayer_lowered  }
0x9c: {  	s22 =	simm.s32 $0x1BFF;
	s21 =	sshll.u32 s7, $0x1;
	s4 =	sadd.s32 s5, s19  }
0x9d: {  	s8 =	simm.s32 $0x0;
	s20 =	sshll.u32 s6, $0x1;
	s6 =	sadd.s32 s21, s4  }
0x9e: {  	[timem:s8], [sflag:s22] =	dma.local [hbm:s6], s20  }
0x9f: {  	_ =	swait.ge [sflag:s22], s20  }
0xa0: {  	s5 =	ssub.s32 $0x0, s20;
	[sflag:s22] =	ssyncset.done $0x0  }
0xa1: {  	[sflag:s22] =	ssyncadd.s32 s5;
	_ =	sdelay $0x1  }
0xa2: {  	s23 =	simm.s32 $0x1B8B  }
0xa3: {  	_ =	swait.ge [sflag:s23], $0x1  }
0xa4: {  	[sflag:s23] =	ssyncset.done $0x0  }
0xa5: {  	s25 =	simm.s32 $0x1B8E;
	s24 =	sld [smem:$0x3FFE];
	[sflag:s23] =	ssyncadd.s32 $0xFFFFFFFF  }
0xa6: {  	s26 =	simm.s32 $execute0_lowered;
	[smem:$0x3FD2] =	sst s25  }
0xa7: {  	s6 =	sshll.u32 s26, $0x1;
	_ =	strace $0x80000046;
	[dreg:$0x1] =	wrdreg $0xFFFFFFFF  }
0xa8: {  	s28 =	simm.s32 $_size_execute0_lowered;
	s4 =	sadd.s32 s4, s6;
	[dreg:$0x0] =	wrdreg $0x0  }
0xa9: {  	s6 =	sshll.u32 s28, $0x1;
	[dreg:$0x2] =	wrdreg s4  }
0xaa: {  	[dreg:$0x3] =	wrdreg s6  }
0xab: {  	[dreg:$0x4] =	wrdreg $0xC0  }
0xac: {  	_ =	task [dreg:s8], $0x5FFFF  }
0xad: {  	[dreg:$0x1] =	wrdreg $0xFFFFFFFF  }
0xae: {  	[dreg:$0x0] =	wrdreg $0x60  }
0xaf: {  	[dreg:$0x2] =	wrdreg s2  }
0xb0: {  	[dreg:$0x3] =	wrdreg s24  }
0xb1: {  	[dreg:$0x4] =	wrdreg s18  }
0xb2: {  	[dreg:$0x5] =	wrdreg $0x9  }
0xb3: {  	_ =	task.clear_ibuf [dreg:s8], $0x6FFFF;
	_ =	strace $0x90000046  }
0xb4: {  	s29 =	simm.s32 $0x9;
	_ =	strace $0x80000048  }
0xb5: {  	_ =	swait.ge [sflag:s29], $0x1  }
0xb6: {  	[sflag:s29] =	ssyncadd.s32 $0xFFFFFFFF  }
0xb7: {  	_ =	strace $0x90000048  }
0xb8: {  	_ =	sfence  }
0xb9: {  	s30 =	sld [smem:$0x0];
	_ =	sdelay $0x2  }
0xba: {  	s31 =	sshll.u32 s1, $0xD;
	s1 =	sshrl.u32 s1, $0x2  }
0xbb: {  	s3 =	sand.u32 $0x4000, s31;
	s1 =	sadd.s32 s1, s30  }
0xbc: {  	s0 =	sor.u32 s3, s0;
	s1 =	sshll.u32 s1, $0x11  }
0xbd: {  	s0 =	sor.u32 s1, s0  }
0xbe: {  	s0 =	sadd.s32 $0x8F2B, s0  }
0xbf: {  	[sflag:s0] =	ssyncadd.remote.s32 $0x1  }
0xc0: {  	_ =	sfence.sel $0xFFFF  }
0xc1: {  	[dreg:$0x0] =	wrdreg $0xFFFFFFFF;
	(pc) =	sbr.abs _section_cstart, $3  }
0xc2: {  	[dreg:$0x1] =	wrdreg $0xFFFFFFFF  }
0xc3: {  	_ =	task.clear_ibuf [dreg:s8], $0x2FFFF;
	_ =	strace $0x9FFFFFFF  }
0xc4: {  	(tm) =	ssettm $0x7FFFFFFF  }
0xc5: {  	_ =	shalt  }
tec
execute0_lowered:
.L_overlay_start_1:
0x0: {  	(tag) =	ssettag $0x1  }
0x1: {  	s1 =	rddreg [dreg:$0x0]  }
0x2: {  	s0 =	rddreg [dreg:$0x1];
	s2 =	srdreg.scid  }
0x3: {  	s7 =	stileid.u32;
	s3 =	rddreg [dreg:$0x2];
	s4 =	simm.s32 $0x0  }
0x4: {  	s12 =	simm.s32 $0x10400;
	s13 =	simm.s32 $0x5;
	s15 =	simm.s32 $0x100  }
0x5: {  	s17 =	simm.s32 $0x200;
	s19 =	simm.s32 $0x300;
	s29 =	simm.s32 $0x1000  }
0x6: {  	s30 =	simm.s32 $0x61A800;
	s31 =	simm.s32 $0x400;
	s2 =	sand.u32 $0x1, s2  }
0x7: {  	s5 =	sshll.u32 s7, $0x1;
	[smem:$0x7FF] =	sst s4;
	s0 =	sadd.s32 $0x400, s0  }
0x8: {  	p0 =	slt.u32 s7, $0x5;
	s7 =	simm.s32 $0xC0;
	s5 =	sor.u32 s2, s5  }
0x9: {  	_ =	strace $0x80000047;
	s2 =	ssub.s32 $0x2, s2;
	s6 =	smul.u32 $0xC3, s5  }
0xa: {  	[dreg:$0x4] =	wrdreg s0;
	s5 =	smin.u32 s5, $0xA;
	s20 =	sshrl.u32 s2, $0x1  }
0xb: {  	s7 =	simm.s32 @!p0 $0xBF;
	s0 =	ssub.s32 s2, s20;
	s6 =	sadd.s32 s5, s6  }
0xc: {  	s20 =	simm.s32 $0x1;
	s0 =	smax.u32 s0, $0x1;
	s21 =	sshll.u32 s6, $0x7  }
0xd: {  	s5 =	sshll.u32 s6, $0x4;
	[dreg:$0x6] =	wrdreg s0;
	s0 =	simm.s32 $0x8400  }
0xe: {  	s9 =	sshrl.u32 s21, $0x3;
	s8 =	sadd.s32 s1, s5;
	s2 =	sadd.s32 s3, s21  }
0xf: {  	s21 =	simm.s32 $0x3;
	[dreg:$0x5] =	wrdreg s2;
	s23 =	sadd.s32 $0x10, s8  }
0x10: {  	s22 =	sadd.s32 s1, s9;
	s24 =	sadd.s32 $0x20, s8;
	[dreg:$0x7] =	wrdreg s23  }
0x11: {  	s25 =	sadd.s32 $0x30, s8;
	s9 =	sadd.s32 $0x40, s22;
	[dreg:$0x8] =	wrdreg s24  }
0x12: {  	s2 =	simm.s32 $0x2;
	[dreg:$0x9] =	wrdreg s25;
	s26 =	sadd.s32 $0x10, s9  }
0x13: {  	s23 =	simm.s32 $0x4;
	s28 =	sadd.s32 $0x20, s9;
	[dreg:$0xa] =	wrdreg s26  }
0x14: {  	s25 =	simm.s32 $0x0;
	[dreg:$0xb] =	wrdreg s28;
	s26 =	sadd.s32 $0x30, s9  }
.LBB2_1:
0x15: {  	s5 =	rddreg [dreg:$0x4]  }
0x16: {  	[tilespmem:s12], [sflag:$0x5] =	stream.linear.gather [hbm4b:s5+s4], $0x400, $0x38;
	[tilespmem:$0x10800] =	vst v63  }
0x17: {  	_ =	swait.ge [sflag:s13], $0x400  }
0x18: {  	[sflag:s13] =	ssyncset.done $0x0  }
0x19: {  	[sflag:s13] =	ssyncadd.s32 $0xFFFFFC00  }
0x1a: {  	[tilespmem:s4], [sflag:$0x1] =	stream.linear.gather [hbm4b:s8+s4], $0x80, $0x38;
	[tilespmem:$0x10800] =	vst v63  }
0x1b: {  	s10 =	rddreg [dreg:$0x7]  }
0x1c: {  	[tilespmem:s15], [sflag:$0x1] =	stream.linear.gather [hbm4b:s10+s4], $0x80, $0x38;
	[tilespmem:$0x10800] =	vst v63  }
0x1d: {  	s11 =	rddreg [dreg:$0x8]  }
0x1e: {  	[tilespmem:s17], [sflag:$0x1] =	stream.linear.gather [hbm4b:s11+s4], $0x80, $0x38;
	[tilespmem:$0x10800] =	vst v63  }
0x1f: {  	s14 =	rddreg [dreg:$0x9]  }
0x20: {  	[tilespmem:s19], [sflag:$0x1] =	stream.linear.gather [hbm4b:s14+s4], $0x80, $0x38;
	[tilespmem:$0x10800] =	vst v63  }
0x21: {  	_ =	swait.ge [sflag:s20], $0x200  }
0x22: {  	[sflag:s20] =	ssyncset.done $0x0  }
0x23: {  	s16 =	simm.s32 $0x80;
	[sflag:s20] =	ssyncadd.s32 $0xFFFFFE00  }
0x24: {  	[tilespmem:s16], [sflag:$0x2] =	stream.linear.gather [hbm4b:s9+s4], $0x80, $0x38;
	[tilespmem:$0x10800] =	vst v63  }
0x25: {  	s10 =	simm.s32 $0x180;
	s18 =	rddreg [dreg:$0xa]  }
0x26: {  	[tilespmem:s10], [sflag:$0x2] =	stream.linear.gather [hbm4b:s18+s4], $0x80, $0x38;
	[tilespmem:$0x10800] =	vst v63  }
0x27: {  	s24 =	simm.s32 $0x280;
	s22 =	rddreg [dreg:$0xb]  }
0x28: {  	[tilespmem:s24], [sflag:$0x2] =	stream.linear.gather [hbm4b:s22+s4], $0x80, $0x38;
	[tilespmem:$0x10800] =	vst v63  }
0x29: {  	s28 =	simm.s32 $0x380;
	s5 =	simm.s32 $0x0;
	s10 =	simm.s32 $0x0  }
0x2a: {  	[tilespmem:s28], [sflag:$0x2] =	stream.linear.gather [hbm4b:s26+s4], $0x80, $0x38;
	[tilespmem:$0x10800] =	vst v63  }
.LBB2_2:
0x2b: {  	s11 =	sand.u32 $0xC00, s10  }
0x2c: {  	s14 =	sand.u32 $0x70, s5;
	s16 =	sshrl.u32 s11, $0x2  }
0x2d: {  	s16 =	sor.u32 s14, s16  }
0x2e: {  	v0 =	vld [tilespmem:s16+$0x0];
	_ =	sdelay $0x4  }
0x2f: {  	v1 =	vadd.s32 $0x10, v0  }
0x30: {  	v2 =	vadd.s32 $0x20, v0  }
0x31: {  	v3 =	vadd.s32 $0x30, v0  }
0x32: {  	v4 =	vadd.s32 $0x40, v0  }
0x33: {  	v6 =	vadd.s32 $0x50, v0;
	v5 =	vld.idx.msk [tilespmem:v0+s12+$0x0], $0xffff  }
0x34: {  	v7 =	vadd.s32 $0x60, v0;
	v1 =	vld.idx.msk [tilespmem:v1+s12+$0x0], $0xffff  }
0x35: {  	v8 =	vadd.s32 $0x70, v0;
	v2 =	vld.idx.msk [tilespmem:v2+s12+$0x0], $0xffff  }
0x36: {  	v3 =	vld.idx.msk [tilespmem:v3+s12+$0x0], $0xffff  }
0x37: {  	v4 =	vld.idx.msk [tilespmem:v4+s12+$0x0], $0xffff  }
0x38: {  	v6 =	vld.idx.msk [tilespmem:v6+s12+$0x0], $0xffff  }
0x39: {  	s11 =	sor.u32 s14, s11;
	v7 =	vld.idx.msk [tilespmem:v7+s12+$0x0], $0xffff  }
0x3a: {  	v8 =	vld.idx.msk [tilespmem:v8+s12+$0x0], $0xffff;
	[tilespmem:s11+$0x400] =	vst v5  }
0x3b: {  	[tilespmem:s11+$0x480] =	vst v1  }
0x3c: {  	[tilespmem:s11+$0x500] =	vst v2  }
0x3d: {  	v9 =	vadd.s32 $0x80, v0;
	[tilespmem:s11+$0x580] =	vst v3  }
0x3e: {  	v10 =	vadd.s32 $0x90, v0;
	[tilespmem:s11+$0x600] =	vst v4  }
0x3f: {  	v11 =	vadd.s32 $0xA0, v0;
	[tilespmem:s11+$0x680] =	vst v6  }
0x40: {  	v12 =	vadd.s32 $0xB0, v0;
	[tilespmem:s11+$0x700] =	vst v7  }
0x41: {  	v13 =	vadd.s32 $0xC0, v0;
	[tilespmem:s11+$0x780] =	vst v8  }
0x42: {  	v14 =	vadd.s32 $0xD0, v0;
	v1 =	vld.idx.msk [tilespmem:v9+s12+$0x0], $0xffff  }
0x43: {  	v15 =	vadd.s32 $0xE0, v0;
	v2 =	vld.idx.msk [tilespmem:v10+s12+$0x0], $0xffff  }
0x44: {  	v16 =	vadd.s32 $0xF0, v0;
	v3 =	vld.idx.msk [tilespmem:v11+s12+$0x0], $0xffff  }
0x45: {  	v4 =	vld.idx.msk [tilespmem:v12+s12+$0x0], $0xffff  }
0x46: {  	v5 =	vld.idx.msk [tilespmem:v13+s12+$0x0], $0xffff  }
0x47: {  	v6 =	vld.idx.msk [tilespmem:v14+s12+$0x0], $0xffff  }
0x48: {  	v7 =	vld.idx.msk [tilespmem:v15+s12+$0x0], $0xffff  }
0x49: {  	v8 =	vld.idx.msk [tilespmem:v16+s12+$0x0], $0xffff;
	[tilespmem:s11+$0x1400] =	vst v1  }
0x4a: {  	[tilespmem:s11+$0x1480] =	vst v2  }
0x4b: {  	[tilespmem:s11+$0x1500] =	vst v3  }
0x4c: {  	v17 =	vadd.s32 $0x100, v0;
	[tilespmem:s11+$0x1580] =	vst v4  }
0x4d: {  	v18 =	vadd.s32 $0x110, v0;
	[tilespmem:s11+$0x1600] =	vst v5  }
0x4e: {  	v19 =	vadd.s32 $0x120, v0;
	[tilespmem:s11+$0x1680] =	vst v6  }
0x4f: {  	v20 =	vadd.s32 $0x130, v0;
	[tilespmem:s11+$0x1700] =	vst v7  }
0x50: {  	v21 =	vadd.s32 $0x140, v0;
	[tilespmem:s11+$0x1780] =	vst v8  }
0x51: {  	v22 =	vadd.s32 $0x150, v0;
	v1 =	vld.idx.msk [tilespmem:v17+s12+$0x0], $0xffff  }
0x52: {  	v23 =	vadd.s32 $0x160, v0;
	v2 =	vld.idx.msk [tilespmem:v18+s12+$0x0], $0xffff  }
0x53: {  	v24 =	vadd.s32 $0x170, v0;
	v3 =	vld.idx.msk [tilespmem:v19+s12+$0x0], $0xffff  }
0x54: {  	v4 =	vld.idx.msk [tilespmem:v20+s12+$0x0], $0xffff  }
0x55: {  	v5 =	vld.idx.msk [tilespmem:v21+s12+$0x0], $0xffff  }
0x56: {  	v6 =	vld.idx.msk [tilespmem:v22+s12+$0x0], $0xffff  }
0x57: {  	v7 =	vld.idx.msk [tilespmem:v23+s12+$0x0], $0xffff  }
0x58: {  	v8 =	vld.idx.msk [tilespmem:v24+s12+$0x0], $0xffff;
	[tilespmem:s11+$0x2400] =	vst v1  }
0x59: {  	[tilespmem:s11+$0x2480] =	vst v2  }
0x5a: {  	[tilespmem:s11+$0x2500] =	vst v3  }
0x5b: {  	v25 =	vadd.s32 $0x180, v0;
	[tilespmem:s11+$0x2580] =	vst v4  }
0x5c: {  	v26 =	vadd.s32 $0x190, v0;
	[tilespmem:s11+$0x2600] =	vst v5  }
0x5d: {  	v27 =	vadd.s32 $0x1A0, v0;
	[tilespmem:s11+$0x2680] =	vst v6  }
0x5e: {  	v28 =	vadd.s32 $0x1B0, v0;
	[tilespmem:s11+$0x2700] =	vst v7  }
0x5f: {  	v29 =	vadd.s32 $0x1C0, v0;
	[tilespmem:s11+$0x2780] =	vst v8  }
0x60: {  	v30 =	vadd.s32 $0x1D0, v0;
	v1 =	vld.idx.msk [tilespmem:v25+s12+$0x0], $0xffff  }
0x61: {  	v31 =	vadd.s32 $0x1E0, v0;
	v2 =	vld.idx.msk [tilespmem:v26+s12+$0x0], $0xffff  }
0x62: {  	v32 =	vadd.s32 $0x1F0, v0;
	v3 =	vld.idx.msk [tilespmem:v27+s12+$0x0], $0xffff  }
0x63: {  	v4 =	vld.idx.msk [tilespmem:v28+s12+$0x0], $0xffff  }
0x64: {  	v5 =	vld.idx.msk [tilespmem:v29+s12+$0x0], $0xffff  }
0x65: {  	v6 =	vld.idx.msk [tilespmem:v30+s12+$0x0], $0xffff  }
0x66: {  	v7 =	vld.idx.msk [tilespmem:v31+s12+$0x0], $0xffff  }
0x67: {  	v8 =	vld.idx.msk [tilespmem:v32+s12+$0x0], $0xffff;
	[tilespmem:s11+$0x3400] =	vst v1  }
0x68: {  	[tilespmem:s11+$0x3480] =	vst v2  }
0x69: {  	[tilespmem:s11+$0x3500] =	vst v3  }
0x6a: {  	v33 =	vadd.s32 $0x200, v0;
	[tilespmem:s11+$0x3580] =	vst v4  }
0x6b: {  	v34 =	vadd.s32 $0x210, v0;
	[tilespmem:s11+$0x3600] =	vst v5  }
0x6c: {  	v35 =	vadd.s32 $0x220, v0;
	[tilespmem:s11+$0x3680] =	vst v6  }
0x6d: {  	v36 =	vadd.s32 $0x230, v0;
	[tilespmem:s11+$0x3700] =	vst v7  }
0x6e: {  	v37 =	vadd.s32 $0x240, v0;
	[tilespmem:s11+$0x3780] =	vst v8  }
0x6f: {  	v38 =	vadd.s32 $0x250, v0;
	v1 =	vld.idx.msk [tilespmem:v33+s12+$0x0], $0xffff  }
0x70: {  	v39 =	vadd.s32 $0x260, v0;
	v2 =	vld.idx.msk [tilespmem:v34+s12+$0x0], $0xffff  }
0x71: {  	v40 =	vadd.s32 $0x270, v0;
	v3 =	vld.idx.msk [tilespmem:v35+s12+$0x0], $0xffff  }
0x72: {  	v4 =	vld.idx.msk [tilespmem:v36+s12+$0x0], $0xffff  }
0x73: {  	v5 =	vld.idx.msk [tilespmem:v37+s12+$0x0], $0xffff  }
0x74: {  	v6 =	vld.idx.msk [tilespmem:v38+s12+$0x0], $0xffff  }
0x75: {  	v7 =	vld.idx.msk [tilespmem:v39+s12+$0x0], $0xffff  }
0x76: {  	v8 =	vld.idx.msk [tilespmem:v40+s12+$0x0], $0xffff;
	[tilespmem:s11+$0x4400] =	vst v1  }
0x77: {  	[tilespmem:s11+$0x4480] =	vst v2  }
0x78: {  	[tilespmem:s11+$0x4500] =	vst v3  }
0x79: {  	v41 =	vadd.s32 $0x280, v0;
	[tilespmem:s11+$0x4580] =	vst v4  }
0x7a: {  	v42 =	vadd.s32 $0x290, v0;
	[tilespmem:s11+$0x4600] =	vst v5  }
0x7b: {  	v43 =	vadd.s32 $0x2A0, v0;
	[tilespmem:s11+$0x4680] =	vst v6  }
0x7c: {  	v44 =	vadd.s32 $0x2B0, v0;
	[tilespmem:s11+$0x4700] =	vst v7  }
0x7d: {  	v45 =	vadd.s32 $0x2C0, v0;
	[tilespmem:s11+$0x4780] =	vst v8  }
0x7e: {  	v46 =	vadd.s32 $0x2D0, v0;
	v1 =	vld.idx.msk [tilespmem:v41+s12+$0x0], $0xffff  }
0x7f: {  	v47 =	vadd.s32 $0x2E0, v0;
	v2 =	vld.idx.msk [tilespmem:v42+s12+$0x0], $0xffff  }
0x80: {  	v48 =	vadd.s32 $0x2F0, v0;
	v3 =	vld.idx.msk [tilespmem:v43+s12+$0x0], $0xffff  }
0x81: {  	v4 =	vld.idx.msk [tilespmem:v44+s12+$0x0], $0xffff  }
0x82: {  	v5 =	vld.idx.msk [tilespmem:v45+s12+$0x0], $0xffff  }
0x83: {  	v6 =	vld.idx.msk [tilespmem:v46+s12+$0x0], $0xffff  }
0x84: {  	v7 =	vld.idx.msk [tilespmem:v47+s12+$0x0], $0xffff  }
0x85: {  	v8 =	vld.idx.msk [tilespmem:v48+s12+$0x0], $0xffff;
	[tilespmem:s11+$0x5400] =	vst v1  }
0x86: {  	[tilespmem:s11+$0x5480] =	vst v2  }
0x87: {  	[tilespmem:s11+$0x5500] =	vst v3  }
0x88: {  	v49 =	vadd.s32 $0x300, v0;
	[tilespmem:s11+$0x5580] =	vst v4  }
0x89: {  	v50 =	vadd.s32 $0x310, v0;
	[tilespmem:s11+$0x5600] =	vst v5  }
0x8a: {  	v51 =	vadd.s32 $0x320, v0;
	[tilespmem:s11+$0x5680] =	vst v6  }
0x8b: {  	v52 =	vadd.s32 $0x330, v0;
	[tilespmem:s11+$0x5700] =	vst v7  }
0x8c: {  	v53 =	vadd.s32 $0x340, v0;
	[tilespmem:s11+$0x5780] =	vst v8  }
0x8d: {  	v54 =	vadd.s32 $0x350, v0;
	v1 =	vld.idx.msk [tilespmem:v49+s12+$0x0], $0xffff  }
0x8e: {  	v55 =	vadd.s32 $0x360, v0;
	v2 =	vld.idx.msk [tilespmem:v50+s12+$0x0], $0xffff  }
0x8f: {  	v56 =	vadd.s32 $0x370, v0;
	v3 =	vld.idx.msk [tilespmem:v51+s12+$0x0], $0xffff  }
0x90: {  	v4 =	vld.idx.msk [tilespmem:v52+s12+$0x0], $0xffff  }
0x91: {  	v5 =	vld.idx.msk [tilespmem:v53+s12+$0x0], $0xffff  }
0x92: {  	v6 =	vld.idx.msk [tilespmem:v54+s12+$0x0], $0xffff  }
0x93: {  	v7 =	vld.idx.msk [tilespmem:v55+s12+$0x0], $0xffff  }
0x94: {  	v8 =	vld.idx.msk [tilespmem:v56+s12+$0x0], $0xffff;
	[tilespmem:s11+$0x6400] =	vst v1  }
0x95: {  	[tilespmem:s11+$0x6480] =	vst v2  }
0x96: {  	[tilespmem:s11+$0x6500] =	vst v3  }
0x97: {  	v57 =	vadd.s32 $0x380, v0;
	[tilespmem:s11+$0x6580] =	vst v4  }
0x98: {  	v58 =	vadd.s32 $0x390, v0;
	[tilespmem:s11+$0x6600] =	vst v5  }
0x99: {  	v59 =	vadd.s32 $0x3A0, v0;
	[tilespmem:s11+$0x6680] =	vst v6  }
0x9a: {  	v60 =	vadd.s32 $0x3B0, v0;
	[tilespmem:s11+$0x6700] =	vst v7  }
0x9b: {  	v61 =	vadd.s32 $0x3C0, v0;
	[tilespmem:s11+$0x6780] =	vst v8  }
0x9c: {  	v62 =	vadd.s32 $0x3D0, v0;
	v1 =	vld.idx.msk [tilespmem:v57+s12+$0x0], $0xffff  }
0x9d: {  	v63 =	vadd.s32 $0x3E0, v0;
	v2 =	vld.idx.msk [tilespmem:v58+s12+$0x0], $0xffff  }
0x9e: {  	v0 =	vadd.s32 $0x3F0, v0;
	v3 =	vld.idx.msk [tilespmem:v59+s12+$0x0], $0xffff  }
0x9f: {  	v4 =	vld.idx.msk [tilespmem:v60+s12+$0x0], $0xffff  }
0xa0: {  	v5 =	vld.idx.msk [tilespmem:v61+s12+$0x0], $0xffff  }
0xa1: {  	v6 =	vld.idx.msk [tilespmem:v62+s12+$0x0], $0xffff  }
0xa2: {  	v7 =	vld.idx.msk [tilespmem:v63+s12+$0x0], $0xffff  }
0xa3: {  	v0 =	vld.idx.msk [tilespmem:v0+s12+$0x0], $0xffff;
	[tilespmem:s11+$0x7400] =	vst v1  }
0xa4: {  	[tilespmem:s11+$0x7480] =	vst v2  }
0xa5: {  	p0 =	sne.s32 s10, $0xF80;
	[tilespmem:s11+$0x7500] =	vst v3  }
.Ltmp0:
0xa6: {  	[tilespmem:s11+$0x7580] =	vst v4;
	(pc) =	sbr.rel @p0 .LBB2_2-.Ltmp0, $4  }
0xa7: {  	[tilespmem:s11+$0x7600] =	vst v5  }
0xa8: {  	[tilespmem:s11+$0x7680] =	vst v6  }
0xa9: {  	[tilespmem:s11+$0x7700] =	vst v7  }
0xaa: {  	s5 =	sadd.s32 $0x10, s5;
	s10 =	sadd.s32 $0x80, s10;
	[tilespmem:s11+$0x7780] =	vst v0  }
0xab: {  	s5 =	rddreg [dreg:$0x5];
	s28 =	simm.s32 $0x0  }
0xac: {  	[hbm4b:s5+s29] =	stream.strided.scatter [tilespmem:s31], [sflag:$0x3], $0x8000, s30, s29, $0x38;
	[tilespmem:$0x10800] =	vst v63  }
.LBB2_4:
0xad: {  	s10 =	sshll.u32 s28, $0x3  }
0xae: {  	s5 =	sadd.s32 $0x8, s10  }
0xaf: {  	s5 =	smin.u32 s5, s7  }
0xb0: {  	_ =	swait.ge [sflag:s2], $0x200;
	s5 =	sadd.s32 s6, s5  }
0xb1: {  	[sflag:s2] =	ssyncset.done $0x0;
	s11 =	sshll.u32 s5, $0x4  }
0xb2: {  	[sflag:s2] =	ssyncadd.s32 $0xFFFFFE00;
	s11 =	sadd.s32 s1, s11  }
0xb3: {  	[tilespmem:s4], [sflag:$0x1] =	stream.linear.gather [hbm4b:s11+s4], $0x80, $0x38;
	[tilespmem:$0x10800] =	vst v63  }
0xb4: {  	s14 =	sadd.s32 $0x10, s11  }
0xb5: {  	[tilespmem:s15], [sflag:$0x1] =	stream.linear.gather [hbm4b:s14+s4], $0x80, $0x38;
	[tilespmem:$0x10800] =	vst v63  }
0xb6: {  	p0 =	seq.s32 s28, $0x0;
	s22 =	sadd.s32 $0x20, s11  }
0xb7: {  	[tilespmem:s17], [sflag:$0x1] =	stream.linear.gather [hbm4b:s22+s4], $0x80, $0x38;
	[tilespmem:$0x10800] =	vst v63  }
0xb8: {  	s11 =	sadd.s32 $0x30, s11;
	s14 =	simm.s32 @!p0 $0x4  }
0xb9: {  	[tilespmem:s19], [sflag:$0x1] =	stream.linear.gather [hbm4b:s11+s4], $0x80, $0x38;
	[tilespmem:$0x10800] =	vst v63  }
0xba: {  	s24 =	sor.u32 $0x4, s10;
	_ =	swait.ge @!p0 [sflag:s14], $0x8000  }
0xbb: {  	s16 =	simm.s32 $0x0;
	s11 =	smin.u32 s24, s7;
	[sflag:s14] =	ssyncset.done @!p0 $0x0  }
0xbc: {  	s11 =	sadd.s32 s6, s11;
	[sflag:s14] =	ssyncadd.s32 @!p0 $0xFFFF8000;
	s14 =	simm.s32 $0x0  }
.LBB2_5:
0xbd: {  	s18 =	sand.u32 $0xC00, s16  }
0xbe: {  	s22 =	sand.u32 $0x70, s14;
	s24 =	sshrl.u32 s18, $0x2  }
0xbf: {  	s24 =	sor.u32 s22, s24  }
0xc0: {  	v0 =	vld [tilespmem:s24+$0x80];
	_ =	sdelay $0x4  }
0xc1: {  	v1 =	vadd.s32 $0x10, v0  }
0xc2: {  	v2 =	vadd.s32 $0x20, v0  }
0xc3: {  	v3 =	vadd.s32 $0x30, v0  }
0xc4: {  	v4 =	vadd.s32 $0x40, v0  }
0xc5: {  	v6 =	vadd.s32 $0x50, v0;
	v5 =	vld.idx.msk [tilespmem:v0+s12+$0x0], $0xffff  }
0xc6: {  	v7 =	vadd.s32 $0x60, v0;
	v1 =	vld.idx.msk [tilespmem:v1+s12+$0x0], $0xffff  }
0xc7: {  	v8 =	vadd.s32 $0x70, v0;
	v2 =	vld.idx.msk [tilespmem:v2+s12+$0x0], $0xffff  }
0xc8: {  	v3 =	vld.idx.msk [tilespmem:v3+s12+$0x0], $0xffff  }
0xc9: {  	v4 =	vld.idx.msk [tilespmem:v4+s12+$0x0], $0xffff  }
0xca: {  	v6 =	vld.idx.msk [tilespmem:v6+s12+$0x0], $0xffff  }
0xcb: {  	s18 =	sor.u32 s22, s18;
	v7 =	vld.idx.msk [tilespmem:v7+s12+$0x0], $0xffff  }
0xcc: {  	v8 =	vld.idx.msk [tilespmem:v8+s12+$0x0], $0xffff;
	[tilespmem:s18+$0x8400] =	vst v5  }
0xcd: {  	[tilespmem:s18+$0x8480] =	vst v1  }
0xce: {  	[tilespmem:s18+$0x8500] =	vst v2  }
0xcf: {  	v9 =	vadd.s32 $0x80, v0;
	[tilespmem:s18+$0x8580] =	vst v3  }
0xd0: {  	v10 =	vadd.s32 $0x90, v0;
	[tilespmem:s18+$0x8600] =	vst v4  }
0xd1: {  	v11 =	vadd.s32 $0xA0, v0;
	[tilespmem:s18+$0x8680] =	vst v6  }
0xd2: {  	v12 =	vadd.s32 $0xB0, v0;
	[tilespmem:s18+$0x8700] =	vst v7  }
0xd3: {  	v13 =	vadd.s32 $0xC0, v0;
	[tilespmem:s18+$0x8780] =	vst v8  }
0xd4: {  	v14 =	vadd.s32 $0xD0, v0;
	v1 =	vld.idx.msk [tilespmem:v9+s12+$0x0], $0xffff  }
0xd5: {  	v15 =	vadd.s32 $0xE0, v0;
	v2 =	vld.idx.msk [tilespmem:v10+s12+$0x0], $0xffff  }
0xd6: {  	v16 =	vadd.s32 $0xF0, v0;
	v3 =	vld.idx.msk [tilespmem:v11+s12+$0x0], $0xffff  }
0xd7: {  	v4 =	vld.idx.msk [tilespmem:v12+s12+$0x0], $0xffff  }
0xd8: {  	v5 =	vld.idx.msk [tilespmem:v13+s12+$0x0], $0xffff  }
0xd9: {  	v6 =	vld.idx.msk [tilespmem:v14+s12+$0x0], $0xffff  }
0xda: {  	v7 =	vld.idx.msk [tilespmem:v15+s12+$0x0], $0xffff  }
0xdb: {  	v8 =	vld.idx.msk [tilespmem:v16+s12+$0x0], $0xffff;
	[tilespmem:s18+$0x9400] =	vst v1  }
0xdc: {  	[tilespmem:s18+$0x9480] =	vst v2  }
0xdd: {  	[tilespmem:s18+$0x9500] =	vst v3  }
0xde: {  	v17 =	vadd.s32 $0x100, v0;
	[tilespmem:s18+$0x9580] =	vst v4  }
0xdf: {  	v18 =	vadd.s32 $0x110, v0;
	[tilespmem:s18+$0x9600] =	vst v5  }
0xe0: {  	v19 =	vadd.s32 $0x120, v0;
	[tilespmem:s18+$0x9680] =	vst v6  }
0xe1: {  	v20 =	vadd.s32 $0x130, v0;
	[tilespmem:s18+$0x9700] =	vst v7  }
0xe2: {  	v21 =	vadd.s32 $0x140, v0;
	[tilespmem:s18+$0x9780] =	vst v8  }
0xe3: {  	v22 =	vadd.s32 $0x150, v0;
	v1 =	vld.idx.msk [tilespmem:v17+s12+$0x0], $0xffff  }
0xe4: {  	v23 =	vadd.s32 $0x160, v0;
	v2 =	vld.idx.msk [tilespmem:v18+s12+$0x0], $0xffff  }
0xe5: {  	v24 =	vadd.s32 $0x170, v0;
	v3 =	vld.idx.msk [tilespmem:v19+s12+$0x0], $0xffff  }
0xe6: {  	v4 =	vld.idx.msk [tilespmem:v20+s12+$0x0], $0xffff  }
0xe7: {  	v5 =	vld.idx.msk [tilespmem:v21+s12+$0x0], $0xffff  }
0xe8: {  	v6 =	vld.idx.msk [tilespmem:v22+s12+$0x0], $0xffff  }
0xe9: {  	v7 =	vld.idx.msk [tilespmem:v23+s12+$0x0], $0xffff  }
0xea: {  	v8 =	vld.idx.msk [tilespmem:v24+s12+$0x0], $0xffff;
	[tilespmem:s18+$0xA400] =	vst v1  }
0xeb: {  	[tilespmem:s18+$0xA480] =	vst v2  }
0xec: {  	[tilespmem:s18+$0xA500] =	vst v3  }
0xed: {  	v25 =	vadd.s32 $0x180, v0;
	[tilespmem:s18+$0xA580] =	vst v4  }
0xee: {  	v26 =	vadd.s32 $0x190, v0;
	[tilespmem:s18+$0xA600] =	vst v5  }
0xef: {  	v27 =	vadd.s32 $0x1A0, v0;
	[tilespmem:s18+$0xA680] =	vst v6  }
0xf0: {  	v28 =	vadd.s32 $0x1B0, v0;
	[tilespmem:s18+$0xA700] =	vst v7  }
0xf1: {  	v29 =	vadd.s32 $0x1C0, v0;
	[tilespmem:s18+$0xA780] =	vst v8  }
0xf2: {  	v30 =	vadd.s32 $0x1D0, v0;
	v1 =	vld.idx.msk [tilespmem:v25+s12+$0x0], $0xffff  }
0xf3: {  	v31 =	vadd.s32 $0x1E0, v0;
	v2 =	vld.idx.msk [tilespmem:v26+s12+$0x0], $0xffff  }
0xf4: {  	v32 =	vadd.s32 $0x1F0, v0;
	v3 =	vld.idx.msk [tilespmem:v27+s12+$0x0], $0xffff  }
0xf5: {  	v4 =	vld.idx.msk [tilespmem:v28+s12+$0x0], $0xffff  }
0xf6: {  	v5 =	vld.idx.msk [tilespmem:v29+s12+$0x0], $0xffff  }
0xf7: {  	v6 =	vld.idx.msk [tilespmem:v30+s12+$0x0], $0xffff  }
0xf8: {  	v7 =	vld.idx.msk [tilespmem:v31+s12+$0x0], $0xffff  }
0xf9: {  	v8 =	vld.idx.msk [tilespmem:v32+s12+$0x0], $0xffff;
	[tilespmem:s18+$0xB400] =	vst v1  }
0xfa: {  	[tilespmem:s18+$0xB480] =	vst v2  }
0xfb: {  	[tilespmem:s18+$0xB500] =	vst v3  }
0xfc: {  	v33 =	vadd.s32 $0x200, v0;
	[tilespmem:s18+$0xB580] =	vst v4  }
0xfd: {  	v34 =	vadd.s32 $0x210, v0;
	[tilespmem:s18+$0xB600] =	vst v5  }
0xfe: {  	v35 =	vadd.s32 $0x220, v0;
	[tilespmem:s18+$0xB680] =	vst v6  }
0xff: {  	v36 =	vadd.s32 $0x230, v0;
	[tilespmem:s18+$0xB700] =	vst v7  }
0x100: {  	v37 =	vadd.s32 $0x240, v0;
	[tilespmem:s18+$0xB780] =	vst v8  }
0x101: {  	v38 =	vadd.s32 $0x250, v0;
	v1 =	vld.idx.msk [tilespmem:v33+s12+$0x0], $0xffff  }
0x102: {  	v39 =	vadd.s32 $0x260, v0;
	v2 =	vld.idx.msk [tilespmem:v34+s12+$0x0], $0xffff  }
0x103: {  	v40 =	vadd.s32 $0x270, v0;
	v3 =	vld.idx.msk [tilespmem:v35+s12+$0x0], $0xffff  }
0x104: {  	v4 =	vld.idx.msk [tilespmem:v36+s12+$0x0], $0xffff  }
0x105: {  	v5 =	vld.idx.msk [tilespmem:v37+s12+$0x0], $0xffff  }
0x106: {  	v6 =	vld.idx.msk [tilespmem:v38+s12+$0x0], $0xffff  }
0x107: {  	v7 =	vld.idx.msk [tilespmem:v39+s12+$0x0], $0xffff  }
0x108: {  	v8 =	vld.idx.msk [tilespmem:v40+s12+$0x0], $0xffff;
	[tilespmem:s18+$0xC400] =	vst v1  }
0x109: {  	[tilespmem:s18+$0xC480] =	vst v2  }
0x10a: {  	[tilespmem:s18+$0xC500] =	vst v3  }
0x10b: {  	v41 =	vadd.s32 $0x280, v0;
	[tilespmem:s18+$0xC580] =	vst v4  }
0x10c: {  	v42 =	vadd.s32 $0x290, v0;
	[tilespmem:s18+$0xC600] =	vst v5  }
0x10d: {  	v43 =	vadd.s32 $0x2A0, v0;
	[tilespmem:s18+$0xC680] =	vst v6  }
0x10e: {  	v44 =	vadd.s32 $0x2B0, v0;
	[tilespmem:s18+$0xC700] =	vst v7  }
0x10f: {  	v45 =	vadd.s32 $0x2C0, v0;
	[tilespmem:s18+$0xC780] =	vst v8  }
0x110: {  	v46 =	vadd.s32 $0x2D0, v0;
	v1 =	vld.idx.msk [tilespmem:v41+s12+$0x0], $0xffff  }
0x111: {  	v47 =	vadd.s32 $0x2E0, v0;
	v2 =	vld.idx.msk [tilespmem:v42+s12+$0x0], $0xffff  }
0x112: {  	v48 =	vadd.s32 $0x2F0, v0;
	v3 =	vld.idx.msk [tilespmem:v43+s12+$0x0], $0xffff  }
0x113: {  	v4 =	vld.idx.msk [tilespmem:v44+s12+$0x0], $0xffff  }
0x114: {  	v5 =	vld.idx.msk [tilespmem:v45+s12+$0x0], $0xffff  }
0x115: {  	v6 =	vld.idx.msk [tilespmem:v46+s12+$0x0], $0xffff  }
0x116: {  	v7 =	vld.idx.msk [tilespmem:v47+s12+$0x0], $0xffff  }
0x117: {  	v8 =	vld.idx.msk [tilespmem:v48+s12+$0x0], $0xffff;
	[tilespmem:s18+$0xD400] =	vst v1  }
0x118: {  	[tilespmem:s18+$0xD480] =	vst v2  }
0x119: {  	[tilespmem:s18+$0xD500] =	vst v3  }
0x11a: {  	v49 =	vadd.s32 $0x300, v0;
	[tilespmem:s18+$0xD580] =	vst v4  }
0x11b: {  	v50 =	vadd.s32 $0x310, v0;
	[tilespmem:s18+$0xD600] =	vst v5  }
0x11c: {  	v51 =	vadd.s32 $0x320, v0;
	[tilespmem:s18+$0xD680] =	vst v6  }
0x11d: {  	v52 =	vadd.s32 $0x330, v0;
	[tilespmem:s18+$0xD700] =	vst v7  }
0x11e: {  	v53 =	vadd.s32 $0x340, v0;
	[tilespmem:s18+$0xD780] =	vst v8  }
0x11f: {  	v54 =	vadd.s32 $0x350, v0;
	v1 =	vld.idx.msk [tilespmem:v49+s12+$0x0], $0xffff  }
0x120: {  	v55 =	vadd.s32 $0x360, v0;
	v2 =	vld.idx.msk [tilespmem:v50+s12+$0x0], $0xffff  }
0x121: {  	v56 =	vadd.s32 $0x370, v0;
	v3 =	vld.idx.msk [tilespmem:v51+s12+$0x0], $0xffff  }
0x122: {  	v4 =	vld.idx.msk [tilespmem:v52+s12+$0x0], $0xffff  }
0x123: {  	v5 =	vld.idx.msk [tilespmem:v53+s12+$0x0], $0xffff  }
0x124: {  	v6 =	vld.idx.msk [tilespmem:v54+s12+$0x0], $0xffff  }
0x125: {  	v7 =	vld.idx.msk [tilespmem:v55+s12+$0x0], $0xffff  }
0x126: {  	v8 =	vld.idx.msk [tilespmem:v56+s12+$0x0], $0xffff;
	[tilespmem:s18+$0xE400] =	vst v1  }
0x127: {  	[tilespmem:s18+$0xE480] =	vst v2  }
0x128: {  	[tilespmem:s18+$0xE500] =	vst v3  }
0x129: {  	v57 =	vadd.s32 $0x380, v0;
	[tilespmem:s18+$0xE580] =	vst v4  }
0x12a: {  	v58 =	vadd.s32 $0x390, v0;
	[tilespmem:s18+$0xE600] =	vst v5  }
0x12b: {  	v59 =	vadd.s32 $0x3A0, v0;
	[tilespmem:s18+$0xE680] =	vst v6  }
0x12c: {  	v60 =	vadd.s32 $0x3B0, v0;
	[tilespmem:s18+$0xE700] =	vst v7  }
0x12d: {  	v61 =	vadd.s32 $0x3C0, v0;
	[tilespmem:s18+$0xE780] =	vst v8  }
0x12e: {  	v62 =	vadd.s32 $0x3D0, v0;
	v1 =	vld.idx.msk [tilespmem:v57+s12+$0x0], $0xffff  }
0x12f: {  	v63 =	vadd.s32 $0x3E0, v0;
	v2 =	vld.idx.msk [tilespmem:v58+s12+$0x0], $0xffff  }
0x130: {  	v0 =	vadd.s32 $0x3F0, v0;
	v3 =	vld.idx.msk [tilespmem:v59+s12+$0x0], $0xffff  }
0x131: {  	v4 =	vld.idx.msk [tilespmem:v60+s12+$0x0], $0xffff  }
0x132: {  	v5 =	vld.idx.msk [tilespmem:v61+s12+$0x0], $0xffff  }
0x133: {  	v6 =	vld.idx.msk [tilespmem:v62+s12+$0x0], $0xffff  }
0x134: {  	v7 =	vld.idx.msk [tilespmem:v63+s12+$0x0], $0xffff  }
0x135: {  	v0 =	vld.idx.msk [tilespmem:v0+s12+$0x0], $0xffff;
	[tilespmem:s18+$0xF400] =	vst v1  }
0x136: {  	[tilespmem:s18+$0xF480] =	vst v2  }
0x137: {  	p0 =	sne.s32 s16, $0xF80;
	[tilespmem:s18+$0xF500] =	vst v3  }
.Ltmp1:
0x138: {  	[tilespmem:s18+$0xF580] =	vst v4;
	(pc) =	sbr.rel @p0 .LBB2_5-.Ltmp1, $4  }
0x139: {  	[tilespmem:s18+$0xF600] =	vst v5  }
0x13a: {  	[tilespmem:s18+$0xF680] =	vst v6  }
0x13b: {  	[tilespmem:s18+$0xF700] =	vst v7  }
0x13c: {  	s14 =	sadd.s32 $0x10, s14;
	s16 =	sadd.s32 $0x80, s16;
	[tilespmem:s18+$0xF780] =	vst v0  }
0x13d: {  	s11 =	sshll.u32 s11, $0x7;
	p0 =	seq.s32 s28, $0x17  }
0x13e: {  	s11 =	sadd.s32 s3, s11;
	s10 =	sadd.s32 @!p0 $0xC, s10  }
0x13f: {  	[hbm4b:s11+s29] =	stream.strided.scatter [tilespmem:s0], [sflag:$0x4], $0x8000, s30, s29, $0x38;
	[tilespmem:$0x10800] =	vst v63  }
0x140: {  	s10 =	smin.u32 @!p0 s10, s7  }
0x141: {  	_ =	swait.ge [sflag:s20], $0x200;
	s10 =	sadd.s32 @!p0 s6, s10  }
0x142: {  	s14 =	simm.s32 @!p0 $0x80;
	[sflag:s20] =	ssyncset.done $0x0;
	s10 =	sshll.u32 @!p0 s10, $0x4  }
0x143: {  	s11 =	simm.s32 @!p0 $0x0;
	[sflag:s20] =	ssyncadd.s32 $0xFFFFFE00;
	s10 =	sadd.s32 @!p0 s1, s10  }
0x144: {  	[tilespmem:s14], [sflag:$0x2] =	stream.linear.gather @!p0 [hbm4b:s10+s11], $0x80, $0x38;
	[tilespmem:$0x10800] =	vst v63  }
0x145: {  	s16 =	simm.s32 @!p0 $0x180;
	s14 =	sadd.s32 @!p0 $0x10, s10  }
0x146: {  	[tilespmem:s16], [sflag:$0x2] =	stream.linear.gather @!p0 [hbm4b:s14+s11], $0x80, $0x38;
	[tilespmem:$0x10800] =	vst v63  }
0x147: {  	s14 =	sadd.s32 @!p0 $0x20, s10;
	s16 =	simm.s32 @!p0 $0x280  }
0x148: {  	[tilespmem:s16], [sflag:$0x2] =	stream.linear.gather @!p0 [hbm4b:s14+s11], $0x80, $0x38;
	[tilespmem:$0x10800] =	vst v63  }
0x149: {  	s10 =	sadd.s32 @!p0 $0x30, s10;
	s14 =	simm.s32 @!p0 $0x380  }
0x14a: {  	[tilespmem:s14], [sflag:$0x2] =	stream.linear.gather @!p0 [hbm4b:s10+s11], $0x80, $0x38;
	[tilespmem:$0x10800] =	vst v63  }
0x14b: {  	_ =	swait.ge [sflag:s21], $0x8000  }
0x14c: {  	[sflag:s21] =	ssyncset.done $0x0  }
0x14d: {  	s10 =	simm.s32 $0x0;
	s11 =	simm.s32 $0x0;
	[sflag:s21] =	ssyncadd.s32 $0xFFFF8000  }
.LBB2_7:
0x14e: {  	s14 =	sand.u32 $0xC00, s11  }
0x14f: {  	s16 =	sand.u32 $0x70, s10;
	s18 =	sshrl.u32 s14, $0x2  }
0x150: {  	s18 =	sor.u32 s16, s18  }
0x151: {  	v0 =	vld [tilespmem:s18+$0x0];
	_ =	sdelay $0x4  }
0x152: {  	v1 =	vadd.s32 $0x10, v0  }
0x153: {  	v2 =	vadd.s32 $0x20, v0  }
0x154: {  	v3 =	vadd.s32 $0x30, v0  }
0x155: {  	v4 =	vadd.s32 $0x40, v0  }
0x156: {  	v6 =	vadd.s32 $0x50, v0;
	v5 =	vld.idx.msk [tilespmem:v0+s12+$0x0], $0xffff  }
0x157: {  	v7 =	vadd.s32 $0x60, v0;
	v1 =	vld.idx.msk [tilespmem:v1+s12+$0x0], $0xffff  }
0x158: {  	v8 =	vadd.s32 $0x70, v0;
	v2 =	vld.idx.msk [tilespmem:v2+s12+$0x0], $0xffff  }
0x159: {  	v3 =	vld.idx.msk [tilespmem:v3+s12+$0x0], $0xffff  }
0x15a: {  	v4 =	vld.idx.msk [tilespmem:v4+s12+$0x0], $0xffff  }
0x15b: {  	v6 =	vld.idx.msk [tilespmem:v6+s12+$0x0], $0xffff  }
0x15c: {  	s14 =	sor.u32 s16, s14;
	v7 =	vld.idx.msk [tilespmem:v7+s12+$0x0], $0xffff  }
0x15d: {  	v8 =	vld.idx.msk [tilespmem:v8+s12+$0x0], $0xffff;
	[tilespmem:s14+$0x400] =	vst v5  }
0x15e: {  	[tilespmem:s14+$0x480] =	vst v1  }
0x15f: {  	[tilespmem:s14+$0x500] =	vst v2  }
0x160: {  	v9 =	vadd.s32 $0x80, v0;
	[tilespmem:s14+$0x580] =	vst v3  }
0x161: {  	v10 =	vadd.s32 $0x90, v0;
	[tilespmem:s14+$0x600] =	vst v4  }
0x162: {  	v11 =	vadd.s32 $0xA0, v0;
	[tilespmem:s14+$0x680] =	vst v6  }
0x163: {  	v12 =	vadd.s32 $0xB0, v0;
	[tilespmem:s14+$0x700] =	vst v7  }
0x164: {  	v13 =	vadd.s32 $0xC0, v0;
	[tilespmem:s14+$0x780] =	vst v8  }
0x165: {  	v14 =	vadd.s32 $0xD0, v0;
	v1 =	vld.idx.msk [tilespmem:v9+s12+$0x0], $0xffff  }
0x166: {  	v15 =	vadd.s32 $0xE0, v0;
	v2 =	vld.idx.msk [tilespmem:v10+s12+$0x0], $0xffff  }
0x167: {  	v16 =	vadd.s32 $0xF0, v0;
	v3 =	vld.idx.msk [tilespmem:v11+s12+$0x0], $0xffff  }
0x168: {  	v4 =	vld.idx.msk [tilespmem:v12+s12+$0x0], $0xffff  }
0x169: {  	v5 =	vld.idx.msk [tilespmem:v13+s12+$0x0], $0xffff  }
0x16a: {  	v6 =	vld.idx.msk [tilespmem:v14+s12+$0x0], $0xffff  }
0x16b: {  	v7 =	vld.idx.msk [tilespmem:v15+s12+$0x0], $0xffff  }
0x16c: {  	v8 =	vld.idx.msk [tilespmem:v16+s12+$0x0], $0xffff;
	[tilespmem:s14+$0x1400] =	vst v1  }
0x16d: {  	[tilespmem:s14+$0x1480] =	vst v2  }
0x16e: {  	[tilespmem:s14+$0x1500] =	vst v3  }
0x16f: {  	v17 =	vadd.s32 $0x100, v0;
	[tilespmem:s14+$0x1580] =	vst v4  }
0x170: {  	v18 =	vadd.s32 $0x110, v0;
	[tilespmem:s14+$0x1600] =	vst v5  }
0x171: {  	v19 =	vadd.s32 $0x120, v0;
	[tilespmem:s14+$0x1680] =	vst v6  }
0x172: {  	v20 =	vadd.s32 $0x130, v0;
	[tilespmem:s14+$0x1700] =	vst v7  }
0x173: {  	v21 =	vadd.s32 $0x140, v0;
	[tilespmem:s14+$0x1780] =	vst v8  }
0x174: {  	v22 =	vadd.s32 $0x150, v0;
	v1 =	vld.idx.msk [tilespmem:v17+s12+$0x0], $0xffff  }
0x175: {  	v23 =	vadd.s32 $0x160, v0;
	v2 =	vld.idx.msk [tilespmem:v18+s12+$0x0], $0xffff  }
0x176: {  	v24 =	vadd.s32 $0x170, v0;
	v3 =	vld.idx.msk [tilespmem:v19+s12+$0x0], $0xffff  }
0x177: {  	v4 =	vld.idx.msk [tilespmem:v20+s12+$0x0], $0xffff  }
0x178: {  	v5 =	vld.idx.msk [tilespmem:v21+s12+$0x0], $0xffff  }
0x179: {  	v6 =	vld.idx.msk [tilespmem:v22+s12+$0x0], $0xffff  }
0x17a: {  	v7 =	vld.idx.msk [tilespmem:v23+s12+$0x0], $0xffff  }
0x17b: {  	v8 =	vld.idx.msk [tilespmem:v24+s12+$0x0], $0xffff;
	[tilespmem:s14+$0x2400] =	vst v1  }
0x17c: {  	[tilespmem:s14+$0x2480] =	vst v2  }
0x17d: {  	[tilespmem:s14+$0x2500] =	vst v3  }
0x17e: {  	v25 =	vadd.s32 $0x180, v0;
	[tilespmem:s14+$0x2580] =	vst v4  }
0x17f: {  	v26 =	vadd.s32 $0x190, v0;
	[tilespmem:s14+$0x2600] =	vst v5  }
0x180: {  	v27 =	vadd.s32 $0x1A0, v0;
	[tilespmem:s14+$0x2680] =	vst v6  }
0x181: {  	v28 =	vadd.s32 $0x1B0, v0;
	[tilespmem:s14+$0x2700] =	vst v7  }
0x182: {  	v29 =	vadd.s32 $0x1C0, v0;
	[tilespmem:s14+$0x2780] =	vst v8  }
0x183: {  	v30 =	vadd.s32 $0x1D0, v0;
	v1 =	vld.idx.msk [tilespmem:v25+s12+$0x0], $0xffff  }
0x184: {  	v31 =	vadd.s32 $0x1E0, v0;
	v2 =	vld.idx.msk [tilespmem:v26+s12+$0x0], $0xffff  }
0x185: {  	v32 =	vadd.s32 $0x1F0, v0;
	v3 =	vld.idx.msk [tilespmem:v27+s12+$0x0], $0xffff  }
0x186: {  	v4 =	vld.idx.msk [tilespmem:v28+s12+$0x0], $0xffff  }
0x187: {  	v5 =	vld.idx.msk [tilespmem:v29+s12+$0x0], $0xffff  }
0x188: {  	v6 =	vld.idx.msk [tilespmem:v30+s12+$0x0], $0xffff  }
0x189: {  	v7 =	vld.idx.msk [tilespmem:v31+s12+$0x0], $0xffff  }
0x18a: {  	v8 =	vld.idx.msk [tilespmem:v32+s12+$0x0], $0xffff;
	[tilespmem:s14+$0x3400] =	vst v1  }
0x18b: {  	[tilespmem:s14+$0x3480] =	vst v2  }
0x18c: {  	[tilespmem:s14+$0x3500] =	vst v3  }
0x18d: {  	v33 =	vadd.s32 $0x200, v0;
	[tilespmem:s14+$0x3580] =	vst v4  }
0x18e: {  	v34 =	vadd.s32 $0x210, v0;
	[tilespmem:s14+$0x3600] =	vst v5  }
0x18f: {  	v35 =	vadd.s32 $0x220, v0;
	[tilespmem:s14+$0x3680] =	vst v6  }
0x190: {  	v36 =	vadd.s32 $0x230, v0;
	[tilespmem:s14+$0x3700] =	vst v7  }
0x191: {  	v37 =	vadd.s32 $0x240, v0;
	[tilespmem:s14+$0x3780] =	vst v8  }
0x192: {  	v38 =	vadd.s32 $0x250, v0;
	v1 =	vld.idx.msk [tilespmem:v33+s12+$0x0], $0xffff  }
0x193: {  	v39 =	vadd.s32 $0x260, v0;
	v2 =	vld.idx.msk [tilespmem:v34+s12+$0x0], $0xffff  }
0x194: {  	v40 =	vadd.s32 $0x270, v0;
	v3 =	vld.idx.msk [tilespmem:v35+s12+$0x0], $0xffff  }
0x195: {  	v4 =	vld.idx.msk [tilespmem:v36+s12+$0x0], $0xffff  }
0x196: {  	v5 =	vld.idx.msk [tilespmem:v37+s12+$0x0], $0xffff  }
0x197: {  	v6 =	vld.idx.msk [tilespmem:v38+s12+$0x0], $0xffff  }
0x198: {  	v7 =	vld.idx.msk [tilespmem:v39+s12+$0x0], $0xffff  }
0x199: {  	v8 =	vld.idx.msk [tilespmem:v40+s12+$0x0], $0xffff;
	[tilespmem:s14+$0x4400] =	vst v1  }
0x19a: {  	[tilespmem:s14+$0x4480] =	vst v2  }
0x19b: {  	[tilespmem:s14+$0x4500] =	vst v3  }
0x19c: {  	v41 =	vadd.s32 $0x280, v0;
	[tilespmem:s14+$0x4580] =	vst v4  }
0x19d: {  	v42 =	vadd.s32 $0x290, v0;
	[tilespmem:s14+$0x4600] =	vst v5  }
0x19e: {  	v43 =	vadd.s32 $0x2A0, v0;
	[tilespmem:s14+$0x4680] =	vst v6  }
0x19f: {  	v44 =	vadd.s32 $0x2B0, v0;
	[tilespmem:s14+$0x4700] =	vst v7  }
0x1a0: {  	v45 =	vadd.s32 $0x2C0, v0;
	[tilespmem:s14+$0x4780] =	vst v8  }
0x1a1: {  	v46 =	vadd.s32 $0x2D0, v0;
	v1 =	vld.idx.msk [tilespmem:v41+s12+$0x0], $0xffff  }
0x1a2: {  	v47 =	vadd.s32 $0x2E0, v0;
	v2 =	vld.idx.msk [tilespmem:v42+s12+$0x0], $0xffff  }
0x1a3: {  	v48 =	vadd.s32 $0x2F0, v0;
	v3 =	vld.idx.msk [tilespmem:v43+s12+$0x0], $0xffff  }
0x1a4: {  	v4 =	vld.idx.msk [tilespmem:v44+s12+$0x0], $0xffff  }
0x1a5: {  	v5 =	vld.idx.msk [tilespmem:v45+s12+$0x0], $0xffff  }
0x1a6: {  	v6 =	vld.idx.msk [tilespmem:v46+s12+$0x0], $0xffff  }
0x1a7: {  	v7 =	vld.idx.msk [tilespmem:v47+s12+$0x0], $0xffff  }
0x1a8: {  	v8 =	vld.idx.msk [tilespmem:v48+s12+$0x0], $0xffff;
	[tilespmem:s14+$0x5400] =	vst v1  }
0x1a9: {  	[tilespmem:s14+$0x5480] =	vst v2  }
0x1aa: {  	[tilespmem:s14+$0x5500] =	vst v3  }
0x1ab: {  	v49 =	vadd.s32 $0x300, v0;
	[tilespmem:s14+$0x5580] =	vst v4  }
0x1ac: {  	v50 =	vadd.s32 $0x310, v0;
	[tilespmem:s14+$0x5600] =	vst v5  }
0x1ad: {  	v51 =	vadd.s32 $0x320, v0;
	[tilespmem:s14+$0x5680] =	vst v6  }
0x1ae: {  	v52 =	vadd.s32 $0x330, v0;
	[tilespmem:s14+$0x5700] =	vst v7  }
0x1af: {  	v53 =	vadd.s32 $0x340, v0;
	[tilespmem:s14+$0x5780] =	vst v8  }
0x1b0: {  	v54 =	vadd.s32 $0x350, v0;
	v1 =	vld.idx.msk [tilespmem:v49+s12+$0x0], $0xffff  }
0x1b1: {  	v55 =	vadd.s32 $0x360, v0;
	v2 =	vld.idx.msk [tilespmem:v50+s12+$0x0], $0xffff  }
0x1b2: {  	v56 =	vadd.s32 $0x370, v0;
	v3 =	vld.idx.msk [tilespmem:v51+s12+$0x0], $0xffff  }
0x1b3: {  	v4 =	vld.idx.msk [tilespmem:v52+s12+$0x0], $0xffff  }
0x1b4: {  	v5 =	vld.idx.msk [tilespmem:v53+s12+$0x0], $0xffff  }
0x1b5: {  	v6 =	vld.idx.msk [tilespmem:v54+s12+$0x0], $0xffff  }
0x1b6: {  	v7 =	vld.idx.msk [tilespmem:v55+s12+$0x0], $0xffff  }
0x1b7: {  	v8 =	vld.idx.msk [tilespmem:v56+s12+$0x0], $0xffff;
	[tilespmem:s14+$0x6400] =	vst v1  }
0x1b8: {  	[tilespmem:s14+$0x6480] =	vst v2  }
0x1b9: {  	[tilespmem:s14+$0x6500] =	vst v3  }
0x1ba: {  	v57 =	vadd.s32 $0x380, v0;
	[tilespmem:s14+$0x6580] =	vst v4  }
0x1bb: {  	v58 =	vadd.s32 $0x390, v0;
	[tilespmem:s14+$0x6600] =	vst v5  }
0x1bc: {  	v59 =	vadd.s32 $0x3A0, v0;
	[tilespmem:s14+$0x6680] =	vst v6  }
0x1bd: {  	v60 =	vadd.s32 $0x3B0, v0;
	[tilespmem:s14+$0x6700] =	vst v7  }
0x1be: {  	v61 =	vadd.s32 $0x3C0, v0;
	[tilespmem:s14+$0x6780] =	vst v8  }
0x1bf: {  	v62 =	vadd.s32 $0x3D0, v0;
	v1 =	vld.idx.msk [tilespmem:v57+s12+$0x0], $0xffff  }
0x1c0: {  	v63 =	vadd.s32 $0x3E0, v0;
	v2 =	vld.idx.msk [tilespmem:v58+s12+$0x0], $0xffff  }
0x1c1: {  	v0 =	vadd.s32 $0x3F0, v0;
	v3 =	vld.idx.msk [tilespmem:v59+s12+$0x0], $0xffff  }
0x1c2: {  	v4 =	vld.idx.msk [tilespmem:v60+s12+$0x0], $0xffff  }
0x1c3: {  	v5 =	vld.idx.msk [tilespmem:v61+s12+$0x0], $0xffff  }
0x1c4: {  	v6 =	vld.idx.msk [tilespmem:v62+s12+$0x0], $0xffff  }
0x1c5: {  	v7 =	vld.idx.msk [tilespmem:v63+s12+$0x0], $0xffff  }
0x1c6: {  	v0 =	vld.idx.msk [tilespmem:v0+s12+$0x0], $0xffff;
	[tilespmem:s14+$0x7400] =	vst v1  }
0x1c7: {  	[tilespmem:s14+$0x7480] =	vst v2  }
0x1c8: {  	p0 =	sne.s32 s11, $0xF80;
	[tilespmem:s14+$0x7500] =	vst v3  }
.Ltmp2:
0x1c9: {  	[tilespmem:s14+$0x7580] =	vst v4;
	(pc) =	sbr.rel @p0 .LBB2_7-.Ltmp2, $4  }
0x1ca: {  	[tilespmem:s14+$0x7600] =	vst v5  }
0x1cb: {  	[tilespmem:s14+$0x7680] =	vst v6  }
0x1cc: {  	[tilespmem:s14+$0x7700] =	vst v7  }
0x1cd: {  	s10 =	sadd.s32 $0x10, s10;
	s11 =	sadd.s32 $0x80, s11;
	[tilespmem:s14+$0x7780] =	vst v0  }
0x1ce: {  	s28 =	sadd.s32 $0x1, s28  }
0x1cf: {  	p0 =	sne.s32 s28, $0x18  }
.Ltmp3:
0x1d0: {  	_ = 	snop;
	(pc) =	sbr.rel @p0 .LBB2_4-.Ltmp3, $4  }
0x1d1: {  	_ = 	snop  }
0x1d2: {  	s5 =	sshll.u32 s5, $0x7  }
0x1d3: {  	s5 =	sadd.s32 s3, s5  }
0x1d4: {  	[hbm4b:s5+s29] =	stream.strided.scatter [tilespmem:s31], [sflag:$0x3], $0x8000, s30, s29, $0x38;
	[tilespmem:$0x10800] =	vst v63  }
0x1d5: {  	_ =	swait.ge [sflag:s23], $0x8000  }
0x1d6: {  	[sflag:s23] =	ssyncset.done $0x0  }
0x1d7: {  	[sflag:s23] =	ssyncadd.s32 $0xFFFF8000  }
0x1d8: {  	_ =	swait.ge [sflag:s21], $0x8000  }
0x1d9: {  	s25 =	sadd.s32 $0x1, s25;
	s5 =	rddreg [dreg:$0x6]  }
0x1da: {  	p0 =	sne.s32 s25, s5  }
.Ltmp4:
0x1db: {  	_ = 	snop;
	(pc) =	sbr.rel @p0 .LBB2_1-.Ltmp4, $3  }
0x1dc: {  	_ =	sdelay $0x1  }
0x1dd: {  	[sflag:s21] =	ssyncset.done $0x0  }
0x1de: {  	[sflag:s21] =	ssyncadd.s32 $0xFFFF8000  }
0x1df: {  	_ =	sfence.sel $0x180000  }
0x1e0: {  	[bflag:$0x0] =	sbarrier.arrive $0xFFFF  }
0x1e1: {  	_ =	strace $0x90000047  }
0x1e2: {  	s0 =	stileid.u32;
	[bflag:$0x2] =	sbarrier.arrive $0xFFFF  }
0x1e3: {  	p0 =	sne.s32 s0, $0x0;
	s0 =	rddreg [dreg:$0x3]  }
0x1e4: {  	s0 =	sadd.s32 @!p0 $0x100000, s0  }
0x1e5: {  	[sflag:s0] =	ssyncadd.tile.s32 @!p0 $0x1;
	_ =	shalt  }
.Lfunc_end2:
_tile_overlayer_lowered:
.L_overlay_start_2:
0x1e6: {  	(tag) =	ssettag $0x2  }
0x1e7: {  	s0 =	rddreg [dreg:$0x0];
	s2 =	stileid.u32  }
0x1e8: {  	s1 =	rddreg [dreg:$0x1];
	p0 =	sne.s32 s2, $0x0  }
0x1e9: {  	s3 =	rddreg [dreg:$0x2];
	[bflag:$0x3] =	sbarrier.arrive $0xFFFF;
	s2 =	simm.s32 @!p0 $0x1C05  }
0x1ea: {  	[timem:s3], [sflag:s2] =	dma.local @!p0 [hbm:s0], s1  }
0x1eb: {  	s0 =	simm.s32 @!p0 $0x5  }
0x1ec: {  	_ =	swait.ge @!p0 [sflag:s0], s1  }
0x1ed: {  	s1 =	ssub.s32 @!p0 $0x0, s1;
	[sflag:s0] =	ssyncset.done @!p0 $0x0  }
0x1ee: {  	[sflag:s0] =	ssyncadd.s32 @!p0 s1  }
0x1ef: {  	[bflag:$0x3] =	sbarrier.arrive $0xFFFF  }
0x1f0: {  	_ =	shalt  }

</sc_bundles>
